<compile_context>
chip_gen: v7x
topology: tpu7x:2x2x1
jax: 0.10.2.dev20260603
libtpu: 0.0.44.dev20260713+nightly
codegen_flags: <defaults>
</compile_context>

<pallas_src>
import functools

import jax
import jax.numpy as jnp
from jax import lax
from jax.experimental import pallas as pl
from jax.experimental.pallas import tpu as pltpu
from jax.experimental.pallas import tpu_sc as plsc

N = 10000
D = 128
T = 7
NSEG = N * T
NSEGP = 71680
E = 320000
EPAD = 327680
NW = 32
EW = EPAD // NW
B = 128
CH = 1024
NB = CH // B
NPAD = 10240
EW0 = 18432
EW1 = 2048

_mesh = plsc.VectorSubcoreMesh(core_axis_name="c", subcore_axis_name="s")


def _iota16():
    return lax.broadcasted_iota(jnp.int32, (16,), 0)


def _mm_body(x_ref, w_ref, u_ref):
    u_ref[0] = jnp.dot(x_ref[...], w_ref[0], preferred_element_type=jnp.float32)


def _compute_u(x, w3):
    return pl.pallas_call(
        _mm_body,
        grid=(T, 5),
        in_specs=[
            pl.BlockSpec((N // 5, D), lambda t, j: (j, 0)),
            pl.BlockSpec((1, D, D), lambda t, j: (t, 0, 0)),
        ],
        out_specs=pl.BlockSpec((1, N // 5, D), lambda t, j: (t, j, 0)),
        out_shape=jax.ShapeDtypeStruct((T, N, D), jnp.float32),
    )(x, w3)


@functools.partial(
    pl.kernel,
    out_type=jax.ShapeDtypeStruct((2 * NSEGP,), jnp.float32),
    mesh=_mesh,
    compiler_params=pltpu.CompilerParams(needs_layout_passes=False),
    scratch_types=[
        pltpu.VMEM_SHARED((NSEGP,), jnp.float32),
        pltpu.VMEM((B,), jnp.float32),
        pltpu.VMEM((CH,), jnp.int32),
        pltpu.VMEM((CH,), jnp.int32),
        pltpu.VMEM((CH,), jnp.int32),
        pltpu.VMEM((2240,), jnp.float32),
        pltpu.SemaphoreType.DMA,
    ],
)
def _sc_counts(rowp, typp, cnt_out, counts_sp, ones, rowc, typc, segc,
               zchunk, semc):
    cid = lax.axis_index("c")
    sid = lax.axis_index("s")
    wid = cid * 16 + sid
    one_v = jnp.full((16,), 1.0, jnp.float32)
    zero_v = jnp.zeros((16,), jnp.float32)

    def fill(r, _):
        ones[pl.ds(r * 16, 16)] = one_v
        return 0
    lax.fori_loop(0, B // 16, fill, 0)

    def zfill(r, _):
        zchunk[pl.ds(r * 16, 16)] = zero_v
        return 0
    lax.fori_loop(0, 140, zfill, 0)

    def zslice(q, _):
        pltpu.sync_copy(zchunk, counts_sp.at[pl.ds(sid * 4480 + q * 2240, 2240)])
        return 0
    lax.fori_loop(0, 2, zslice, 0)
    plsc.subcore_barrier()

    def chunk(c, _):
        base = wid * EW + c * CH
        pltpu.sync_copy(rowp.at[pl.ds(base, CH)], rowc)
        pltpu.sync_copy(typp.at[pl.ds(base, CH)], typc)

        def group(g, _):
            sl = pl.ds(g * 16, 16)
            segc[sl] = rowc[sl] * 7 + typc[sl]
            return 0
        lax.fori_loop(0, CH // 16, group, 0)
        for s in range(NB):
            pltpu.async_copy(
                ones, counts_sp.at[segc.at[pl.ds(s * B, B)]], semc, add=True)
        for s in range(NB):
            pltpu.make_async_copy(
                ones, counts_sp.at[segc.at[pl.ds(0, B)]], semc).wait()
        return 0
    lax.fori_loop(0, EW // CH, chunk, 0)
    plsc.subcore_barrier()

    def rb(q, _):
        r0 = sid * 4480 + q * 2240
        pltpu.sync_copy(counts_sp.at[pl.ds(r0, 2240)], zchunk)
        pltpu.sync_copy(zchunk, cnt_out.at[pl.ds(cid * NSEGP + r0, 2240)])
        return 0
    lax.fori_loop(0, 2, rb, 0)


def _inv_body(c_ref, o_ref):
    c = c_ref[0] + c_ref[1]
    o_ref[...] = jnp.where(c > 0.0, 1.0 / c, 0.0)


def _compute_inv(cpart):
    return pl.pallas_call(
        _inv_body,
        out_shape=jax.ShapeDtypeStruct((NSEGP // 128, 128), jnp.float32),
    )(cpart.reshape(2, NSEGP // 128, 128))


@functools.partial(
    pl.kernel,
    out_type=jax.ShapeDtypeStruct((2, NPAD, D), jnp.float32),
    mesh=_mesh,
    compiler_params=pltpu.CompilerParams(needs_layout_passes=False),
    scratch_types=[
        pltpu.VMEM_SHARED((NPAD, D), jnp.float32),
        pltpu.VMEM((CH,), jnp.int32),
        pltpu.VMEM((CH,), jnp.int32),
        pltpu.VMEM((CH,), jnp.int32),
        pltpu.VMEM((CH,), jnp.int32),
        pltpu.VMEM((CH,), jnp.int32),
        pltpu.VMEM((B,), jnp.int32),
        pltpu.VMEM((B,), jnp.int32),
        pltpu.VMEM((B,), jnp.float32),
        pltpu.VMEM((B,), jnp.float32),
        pltpu.VMEM((B, D), jnp.float32),
        pltpu.VMEM((B, D), jnp.float32),
        pltpu.SemaphoreType.DMA,
        pltpu.SemaphoreType.DMA,
        pltpu.SemaphoreType.DMA,
        pltpu.SemaphoreType.DMA,
        pltpu.SemaphoreType.DMA,
        pltpu.SemaphoreType.DMA,
    ],
)
def _sc_main(rowp, colp, typp, u2d, invh, out, acc_sp, rowc, colc, typc,
             segc, gixc, dstA, dstB, invA, invB, ubufA, ubufB,
             semuA, semiA, semaA, semuB, semiB, semaB):
    cid = lax.axis_index("c")
    sid = lax.axis_index("s")
    wid = cid * 16 + sid
    zrow = jnp.zeros((16,), jnp.float32)

    def zub(r, _):
        for k in range(8):
            ubufA[r, pl.ds(k * 16, 16)] = zrow
        return 0
    lax.fori_loop(0, B, zub, 0)

    def zacc(q, _):
        pltpu.sync_copy(ubufA, acc_sp.at[pl.ds(sid * 640 + q * B, B)])
        return 0
    lax.fori_loop(0, 5, zacc, 0)
    plsc.subcore_barrier()

    def issue(s, ubuf_, invb_, dstb_, semu, semi):
        o = s * B
        pltpu.async_copy(u2d.at[gixc.at[pl.ds(o, B)]], ubuf_, semu)
        pltpu.async_copy(invh.at[segc.at[pl.ds(o, B)]], invb_, semi)
        for p in range(8):
            dv = rowc[pl.ds(o + p * 16, 16)]
            dstb_[pl.ds(p * 16, 16)] = dv

    def wait_gather(ubuf_, invb_, semu, semi):
        pltpu.make_async_copy(u2d.at[gixc.at[pl.ds(0, B)]], ubuf_, semu).wait()
        pltpu.make_async_copy(invh.at[segc.at[pl.ds(0, B)]], invb_, semi).wait()

    def scale(ubuf_, invb_):
        def e_body(e, _):
            sv = plsc.load_gather(invb_, [jnp.full((16,), e, jnp.int32)])
            for k in range(8):
                sl = pl.ds(k * 16, 16)
                ubuf_[e, sl] = ubuf_[e, sl] * sv
            return 0
        lax.fori_loop(0, B, e_body, 0)

    def issue_add(ubuf_, dstb_, sema):
        pltpu.async_copy(ubuf_, acc_sp.at[dstb_], sema, add=True)

    def wait_add(ubuf_, dstb_, sema):
        pltpu.make_async_copy(ubuf_, acc_sp.at[dstb_], sema).wait()

    ew = jnp.where(cid == 0, EW0, EW1)
    ebase = cid * (16 * EW0) + sid * ew

    def chunk(c, _):
        base = ebase + c * CH
        pltpu.sync_copy(rowp.at[pl.ds(base, CH)], rowc)
        pltpu.sync_copy(colp.at[pl.ds(base, CH)], colc)
        pltpu.sync_copy(typp.at[pl.ds(base, CH)], typc)

        def group(g, _):
            sl = pl.ds(g * 16, 16)
            r16 = rowc[sl]
            t16 = typc[sl]
            segc[sl] = r16 * 7 + t16
            gixc[sl] = t16 * N + colc[sl]
            return 0
        lax.fori_loop(0, CH // 16, group, 0)

        issue(0, ubufA, invA, dstA, semuA, semiA)
        issue(1, ubufB, invB, dstB, semuB, semiB)

        def pair(q, _):
            wait_gather(ubufA, invA, semuA, semiA)
            scale(ubufA, invA)
            issue_add(ubufA, dstA, semaA)
            wait_gather(ubufB, invB, semuB, semiB)
            scale(ubufB, invB)
            issue_add(ubufB, dstB, semaB)
            wait_add(ubufA, dstA, semaA)
            issue(2 * q + 2, ubufA, invA, dstA, semuA, semiA)
            wait_add(ubufB, dstB, semaB)
            issue(2 * q + 3, ubufB, invB, dstB, semuB, semiB)
            return 0
        lax.fori_loop(0, NB // 2 - 1, pair, 0)

        wait_gather(ubufA, invA, semuA, semiA)
        scale(ubufA, invA)
        issue_add(ubufA, dstA, semaA)
        wait_gather(ubufB, invB, semuB, semiB)
        scale(ubufB, invB)
        issue_add(ubufB, dstB, semaB)
        wait_add(ubufA, dstA, semaA)
        wait_add(ubufB, dstB, semaB)
        return 0
    lax.fori_loop(0, ew // CH, chunk, 0)
    plsc.subcore_barrier()

    def wout(q, _):
        r0 = sid * 640 + q * B
        pltpu.sync_copy(acc_sp.at[pl.ds(r0, B)], out.at[cid, pl.ds(r0, B)])
        return 0
    lax.fori_loop(0, 5, wout, 0)


def _add_body(p_ref, o_ref):
    o_ref[...] = p_ref[0] + p_ref[1]


def _combine(p):
    return pl.pallas_call(
        _add_body,
        grid=(5,),
        in_specs=[pl.BlockSpec((2, N // 5, D), lambda j: (0, j, 0))],
        out_specs=pl.BlockSpec((N // 5, D), lambda j: (j, 0)),
        out_shape=jax.ShapeDtypeStruct((N, D), jnp.float32),
    )(p)


def kernel(x, edge_index, edge_type, weights):
    row = edge_index[0].astype(jnp.int32)
    col = edge_index[1].astype(jnp.int32)
    typ = edge_type.astype(jnp.int32)
    pad = EPAD - E
    rowp = jnp.concatenate([row, jnp.full((pad,), N, jnp.int32)])
    colp = jnp.concatenate([col, jnp.zeros((pad,), jnp.int32)])
    typp = jnp.concatenate([typ, jnp.zeros((pad,), jnp.int32)])
    w3 = weights.reshape(T, D, D)

    u2d = _compute_u(x, w3).reshape(NSEG, D)
    cpart = _sc_counts(rowp, typp)
    inv = _compute_inv(cpart).reshape(NSEGP)
    part = _sc_main(rowp, colp, typp, u2d, inv)
    return _combine(part[:, :N, :])

# --- scband reference (transcript-rebuilt; emitter-appended) ---
"""Pipeline reference for scband-graph-conv-7550552506587 (READ-ONLY COPY).

The authoritative reference and input builder live on the scoring server;
editing this copy changes nothing except your own understanding.
"""

import jax, jax.numpy as jnp
import numpy as np
import math

N_NODES = 10000
N_EDGES = 320000
D_IN = 128
D_OUT = 128
N_EDGE_TYPE = 7
AVG_DEGREE = 32


def setup_inputs(seed: int = 0) -> dict:
    key = jax.random.key(seed)
    k1, k2, k3, k4 = jax.random.split(key, 4)
    x = jax.random.normal(k1, (N_NODES, D_IN), dtype=jnp.float32)
    edge_index = jax.random.randint(k2, (2, N_EDGES), 0, N_NODES, dtype=jnp.int64)
    edge_type = jax.random.randint(k3, (N_EDGES,), 0, N_EDGE_TYPE, dtype=jnp.int64)
    # weights: Parameter [n_edge_type * in_channels, out_channels], xavier-like uniform
    fan_in = AVG_DEGREE * D_IN
    fan_out = AVG_DEGREE * D_OUT
    std = math.sqrt(2.0 / float(fan_in + fan_out))
    a = math.sqrt(3.0) * std
    weights = jax.random.uniform(k4, (N_EDGE_TYPE * D_IN, D_OUT), dtype=jnp.float32, minval=-a, maxval=a)
    return {"x": x, "edge_index": edge_index, "edge_type": edge_type, "weights": weights}


def _scatter_mean(src, index, dim_size):
    sums = jax.ops.segment_sum(src, index, num_segments=dim_size)
    counts = jax.ops.segment_sum(jnp.ones((src.shape[0],), dtype=src.dtype), index, num_segments=dim_size)
    counts = counts[:, None]
    return jnp.where(counts > 0, sums / jnp.maximum(counts, 1.0), 0.0)


def reference(x, edge_index, edge_type, weights):
    row = edge_index[0]
    col = edge_index[1]
    index = row * N_EDGE_TYPE + edge_type
    gathered = jnp.take(x, col, axis=0)
    col_data = _scatter_mean(gathered, index, dim_size=x.shape[0] * N_EDGE_TYPE)
    output = col_data.reshape(x.shape[0], -1) @ weights
    return output

if __name__ == "__main__":
    import jax
    _d = setup_inputs()
    print(jax.jit(kernel)(*tuple(_d.values())))

</pallas_src>

<mosaic_0001>
#map = affine_map<(d0, d1) -> (0)>
module attributes {stable_mosaic.version = 14 : i64} {
  func.func @_sc_counts(%arg0: i32, %arg1: i32, %arg2: memref<327680xi32, #tpu.memory_space<hbm>>, %arg3: memref<327680xi32, #tpu.memory_space<hbm>>, %arg4: memref<143360xf32, #tpu.memory_space<hbm>>, %arg5: memref<71680xf32, #tpu.memory_space<vmem_shared>>, %arg6: memref<128xf32, #tpu.memory_space<vmem>>, %arg7: memref<1024xi32, #tpu.memory_space<vmem>>, %arg8: memref<1024xi32, #tpu.memory_space<vmem>>, %arg9: memref<1024xi32, #tpu.memory_space<vmem>>, %arg10: memref<2240xf32, #tpu.memory_space<vmem>>, %arg11: memref<!tpu.dma_semaphore, #tpu.memory_space<semaphore_mem>>) attributes {dimension_semantics = [#tpu.dimension_semantics<core_parallel>, #tpu.dimension_semantics<subcore_parallel>], iteration_bounds = array<i64: 2, 16>, scalar_prefetch = 0 : i64, scratch_operands = 7 : i64, tpu.core_type = #tpu.core_type<sc_vector_subcore>, window_params = [{transform_indices = #map}, {transform_indices = #map}, {transform_indices = #map}]} {
    %mul3A = arith.constant 16 : i32
    %mul3A_0 = arith.muli %arg0, %mul3A : i32
    %add3A = arith.addi %mul3A_0, %arg1 : i32
    %broadcast_in_dim3A = arith.constant 1.000000e+00 : f32
    %broadcast_in_dim3A_1 = vector.broadcast %broadcast_in_dim3A : f32 to vector<16xf32>
    %broadcast_in_dim3A_2 = arith.constant 0.000000e+00 : f32
    %broadcast_in_dim3A_3 = vector.broadcast %broadcast_in_dim3A_2 : f32 to vector<16xf32>
    %scan3A = arith.constant 0 : i32
    %scan3A_4 = arith.constant 0 : i32
    %scan3A_5 = arith.constant 8 : i32
    %scan3A_6 = arith.addi %scan3A_4, %scan3A_5 : i32
    %scan3A_7 = arith.constant 1 : i32
    %scan3A_8 = scf.for %scan3A_39 = %scan3A_4 to %scan3A_6 step %scan3A_7 iter_args(%scan3A_40 = %scan3A) -> (i32)  : i32 {
      %mul3A_41 = arith.constant 16 : i32
      %mul3A_42 = arith.muli %scan3A_39, %mul3A_41 : i32
      %swap3A = arith.index_cast %mul3A_42 : i32 to index
      %swap3A_43 = tpu.vector_load %arg6[%swap3A] {strides = array<i32>} : memref<128xf32, #tpu.memory_space<vmem>>, vector<16xf32>,
      tpu.vector_store %arg6[%swap3A], %broadcast_in_dim3A_1 {strides = array<i32>} : memref<128xf32, #tpu.memory_space<vmem>>, vector<16xf32>,
      %scan3A_44 = arith.constant 0 : i32
      scf.yield %scan3A_44 : i32
    }
    %scan3A_9 = arith.constant 8 : i32
    %scan3A_10 = arith.constant 0 : i32
    %scan3A_11 = arith.constant 0 : i32
    %scan3A_12 = arith.constant 140 : i32
    %scan3A_13 = arith.addi %scan3A_11, %scan3A_12 : i32
    %scan3A_14 = arith.constant 1 : i32
    %scan3A_15 = scf.for %scan3A_39 = %scan3A_11 to %scan3A_13 step %scan3A_14 iter_args(%scan3A_40 = %scan3A_10) -> (i32)  : i32 {
      %mul3A_41 = arith.constant 16 : i32
      %mul3A_42 = arith.muli %scan3A_39, %mul3A_41 : i32
      %swap3A = arith.index_cast %mul3A_42 : i32 to index
      %swap3A_43 = tpu.vector_load %arg10[%swap3A] {strides = array<i32>} : memref<2240xf32, #tpu.memory_space<vmem>>, vector<16xf32>,
      tpu.vector_store %arg10[%swap3A], %broadcast_in_dim3A_3 {strides = array<i32>} : memref<2240xf32, #tpu.memory_space<vmem>>, vector<16xf32>,
      %scan3A_44 = arith.constant 0 : i32
      scf.yield %scan3A_44 : i32
    }
    %scan3A_16 = arith.constant 140 : i32
    %scan3A_17 = arith.constant 0 : i32
    %scan3A_18 = arith.constant 0 : i32
    %scan3A_19 = arith.constant 2 : i32
    %scan3A_20 = arith.addi %scan3A_18, %scan3A_19 : i32
    %scan3A_21 = arith.constant 1 : i32
    %scan3A_22 = scf.for %scan3A_39 = %scan3A_18 to %scan3A_20 step %scan3A_21 iter_args(%scan3A_40 = %scan3A_17) -> (i32)  : i32 {
      %mul3A_41 = arith.constant 4480 : i32
      %mul3A_42 = arith.muli %arg1, %mul3A_41 : i32
      %mul3A_43 = arith.constant 2240 : i32
      %mul3A_44 = arith.muli %scan3A_39, %mul3A_43 : i32
      %add3A_45 = arith.addi %mul3A_42, %mul3A_44 : i32
      "tpu.region"() ({
        %run_scoped3A = tpu.sem_alloc : memref<!tpu.dma_semaphore, #tpu.memory_space<semaphore_mem>>
        %dma_start3A = tpu.memref_slice %arg5[%add3A_45] : memref<71680xf32, #tpu.memory_space<vmem_shared>> -> memref<2240xf32, #tpu.memory_space<vmem_shared>>
        %dma_start3A_47 = tpu.memref_slice %arg5[%add3A_45] : memref<71680xf32, #tpu.memory_space<vmem_shared>> -> memref<2240xf32, #tpu.memory_space<vmem_shared>>
        tpu.enqueue_dma source(%arg10 : memref<2240xf32, #tpu.memory_space<vmem>>) target(%dma_start3A_47 : memref<2240xf32, #tpu.memory_space<vmem_shared>>) target_semaphore(%run_scoped3A : memref<!tpu.dma_semaphore, #tpu.memory_space<semaphore_mem>>)
        %dma_wait3A = tpu.memref_slice %arg5[%add3A_45] : memref<71680xf32, #tpu.memory_space<vmem_shared>> -> memref<2240xf32, #tpu.memory_space<vmem_shared>>
        %dma_wait3A_48 = tpu.memref_slice %arg5[%add3A_45] : memref<71680xf32, #tpu.memory_space<vmem_shared>> -> memref<2240xf32, #tpu.memory_space<vmem_shared>>
        tpu.wait_dma2 semaphore(%run_scoped3A : memref<!tpu.dma_semaphore, #tpu.memory_space<semaphore_mem>>) src(%arg10 : memref<2240xf32, #tpu.memory_space<vmem>>) dst(%dma_wait3A_48 : memref<2240xf32, #tpu.memory_space<vmem_shared>>)
        tpu.yield
      }) : () -> ()
      %scan3A_46 = arith.constant 0 : i32
      scf.yield %scan3A_46 : i32
    }
    %scan3A_23 = arith.constant 2 : i32
    %barrier3A = arith.constant 0 : index
    tpu.barrier barrier_id(%barrier3A)
    %scan3A_24 = arith.constant 0 : i32
    %scan3A_25 = arith.constant 0 : i32
    %scan3A_26 = arith.constant 10 : i32
    %scan3A_27 = arith.addi %scan3A_25, %scan3A_26 : i32
    %scan3A_28 = arith.constant 1 : i32
    %scan3A_29 = scf.for %scan3A_39 = %scan3A_25 to %scan3A_27 step %scan3A_28 iter_args(%scan3A_40 = %scan3A_24) -> (i32)  : i32 {
      %mul3A_41 = arith.constant 10240 : i32
      %mul3A_42 = arith.muli %add3A, %mul3A_41 : i32
      %mul3A_43 = arith.constant 1024 : i32
      %mul3A_44 = arith.muli %scan3A_39, %mul3A_43 : i32
      %add3A_45 = arith.addi %mul3A_42, %mul3A_44 : i32
      "tpu.region"() ({
        %run_scoped3A = tpu.sem_alloc : memref<!tpu.dma_semaphore, #tpu.memory_space<semaphore_mem>>
        %dma_start3A_116 = tpu.memref_slice %arg2[%add3A_45] : memref<327680xi32, #tpu.memory_space<hbm>> -> memref<1024xi32, #tpu.memory_space<hbm>>
        %dma_start3A_117 = tpu.memref_slice %arg2[%add3A_45] : memref<327680xi32, #tpu.memory_space<hbm>> -> memref<1024xi32, #tpu.memory_space<hbm>>
        tpu.enqueue_dma source(%dma_start3A_117 : memref<1024xi32, #tpu.memory_space<hbm>>) target(%arg7 : memref<1024xi32, #tpu.memory_space<vmem>>) target_semaphore(%run_scoped3A : memref<!tpu.dma_semaphore, #tpu.memory_space<semaphore_mem>>)
        %dma_wait3A_118 = tpu.memref_slice %arg2[%add3A_45] : memref<327680xi32, #tpu.memory_space<hbm>> -> memref<1024xi32, #tpu.memory_space<hbm>>
        %dma_wait3A_119 = tpu.memref_slice %arg2[%add3A_45] : memref<327680xi32, #tpu.memory_space<hbm>> -> memref<1024xi32, #tpu.memory_space<hbm>>
        tpu.wait_dma2 semaphore(%run_scoped3A : memref<!tpu.dma_semaphore, #tpu.memory_space<semaphore_mem>>) src(%dma_wait3A_119 : memref<1024xi32, #tpu.memory_space<hbm>>) dst(%arg7 : memref<1024xi32, #tpu.memory_space<vmem>>)
        tpu.yield
      }) : () -> ()
      "tpu.region"() ({
        %run_scoped3A = tpu.sem_alloc : memref<!tpu.dma_semaphore, #tpu.memory_space<semaphore_mem>>
        %dma_start3A_116 = tpu.memref_slice %arg3[%add3A_45] : memref<327680xi32, #tpu.memory_space<hbm>> -> memref<1024xi32, #tpu.memory_space<hbm>>
        %dma_start3A_117 = tpu.memref_slice %arg3[%add3A_45] : memref<327680xi32, #tpu.memory_space<hbm>> -> memref<1024xi32, #tpu.memory_space<hbm>>
        tpu.enqueue_dma source(%dma_start3A_117 : memref<1024xi32, #tpu.memory_space<hbm>>) target(%arg8 : memref<1024xi32, #tpu.memory_space<vmem>>) target_semaphore(%run_scoped3A : memref<!tpu.dma_semaphore, #tpu.memory_space<semaphore_mem>>)
        %dma_wait3A_118 = tpu.memref_slice %arg3[%add3A_45] : memref<327680xi32, #tpu.memory_space<hbm>> -> memref<1024xi32, #tpu.memory_space<hbm>>
        %dma_wait3A_119 = tpu.memref_slice %arg3[%add3A_45] : memref<327680xi32, #tpu.memory_space<hbm>> -> memref<1024xi32, #tpu.memory_space<hbm>>
        tpu.wait_dma2 semaphore(%run_scoped3A : memref<!tpu.dma_semaphore, #tpu.memory_space<semaphore_mem>>) src(%dma_wait3A_119 : memref<1024xi32, #tpu.memory_space<hbm>>) dst(%arg8 : memref<1024xi32, #tpu.memory_space<vmem>>)
        tpu.yield
      }) : () -> ()
      %scan3A_46 = arith.constant 0 : i32
      %scan3A_47 = arith.constant 0 : i32
      %scan3A_48 = arith.constant 64 : i32
      %scan3A_49 = arith.addi %scan3A_47, %scan3A_48 : i32
      %scan3A_50 = arith.constant 1 : i32
      %scan3A_51 = scf.for %scan3A_116 = %scan3A_47 to %scan3A_49 step %scan3A_50 iter_args(%scan3A_117 = %scan3A_46) -> (i32)  : i32 {
        %mul3A_118 = arith.constant 16 : i32
        %mul3A_119 = arith.muli %scan3A_116, %mul3A_118 : i32
        %get3A = arith.index_cast %mul3A_119 : i32 to index
        %get3A_120 = tpu.vector_load %arg7[%get3A] {strides = array<i32>} : memref<1024xi32, #tpu.memory_space<vmem>>, vector<16xi32>,
        %mul3A_121 = arith.constant 7 : i32
        %mul3A_122 = vector.broadcast %mul3A_121 : i32 to vector<16xi32>
        %mul3A_123 = arith.muli %get3A_120, %mul3A_122 : vector<16xi32>
        %get3A_124 = arith.index_cast %mul3A_119 : i32 to index
        %get3A_125 = tpu.vector_load %arg8[%get3A_124] {strides = array<i32>} : memref<1024xi32, #tpu.memory_space<vmem>>, vector<16xi32>,
        %add3A_126 = arith.addi %mul3A_123, %get3A_125 : vector<16xi32>
        %swap3A = arith.index_cast %mul3A_119 : i32 to index
        %swap3A_127 = tpu.vector_load %arg9[%swap3A] {strides = array<i32>} : memref<1024xi32, #tpu.memory_space<vmem>>, vector<16xi32>,
        tpu.vector_store %arg9[%swap3A], %add3A_126 {strides = array<i32>} : memref<1024xi32, #tpu.memory_space<vmem>>, vector<16xi32>,
        %scan3A_128 = arith.constant 0 : i32
        scf.yield %scan3A_128 : i32
      }
      %scan3A_52 = arith.constant 64 : i32
      %dma_start3A = arith.constant 0 : i32
      %dma_start3A_53 = tpu.memref_slice %arg9[%dma_start3A] : memref<1024xi32, #tpu.memory_space<vmem>> -> memref<128xi32, #tpu.memory_space<vmem>>
      %dma_start3A_54 = arith.constant 0 : i32
      %dma_start3A_55 = tpu.memref_slice %arg5[%dma_start3A_54] : memref<71680xf32, #tpu.memory_space<vmem_shared>> -> memref<71680xf32, #tpu.memory_space<vmem_shared>>
      tpu.enqueue_indirect_dma source(%arg6 : memref<128xf32, #tpu.memory_space<vmem>>) target(%dma_start3A_55 : memref<71680xf32, #tpu.memory_space<vmem_shared>>) offsets(%dma_start3A_53 : memref<128xi32, #tpu.memory_space<vmem>>) semaphore(%arg11 : memref<!tpu.dma_semaphore, #tpu.memory_space<semaphore_mem>>) {add = true}
      %dma_start3A_56 = arith.constant 128 : i32
      %dma_start3A_57 = tpu.memref_slice %arg9[%dma_start3A_56] : memref<1024xi32, #tpu.memory_space<vmem>> -> memref<128xi32, #tpu.memory_space<vmem>>
      %dma_start3A_58 = arith.constant 0 : i32
      %dma_start3A_59 = tpu.memref_slice %arg5[%dma_start3A_58] : memref<71680xf32, #tpu.memory_space<vmem_shared>> -> memref<71680xf32, #tpu.memory_space<vmem_shared>>
      tpu.enqueue_indirect_dma source(%arg6 : memref<128xf32, #tpu.memory_space<vmem>>) target(%dma_start3A_59 : memref<71680xf32, #tpu.memory_space<vmem_shared>>) offsets(%dma_start3A_57 : memref<128xi32, #tpu.memory_space<vmem>>) semaphore(%arg11 : memref<!tpu.dma_semaphore, #tpu.memory_space<semaphore_mem>>) {add = true}
      %dma_start3A_60 = arith.constant 256 : i32
      %dma_start3A_61 = tpu.memref_slice %arg9[%dma_start3A_60] : memref<1024xi32, #tpu.memory_space<vmem>> -> memref<128xi32, #tpu.memory_space<vmem>>
      %dma_start3A_62 = arith.constant 0 : i32
      %dma_start3A_63 = tpu.memref_slice %arg5[%dma_start3A_62] : memref<71680xf32, #tpu.memory_space<vmem_shared>> -> memref<71680xf32, #tpu.memory_space<vmem_shared>>
      tpu.enqueue_indirect_dma source(%arg6 : memref<128xf32, #tpu.memory_space<vmem>>) target(%dma_start3A_63 : memref<71680xf32, #tpu.memory_space<vmem_shared>>) offsets(%dma_start3A_61 : memref<128xi32, #tpu.memory_space<vmem>>) semaphore(%arg11 : memref<!tpu.dma_semaphore, #tpu.memory_space<semaphore_mem>>) {add = true}
      %dma_start3A_64 = arith.constant 384 : i32
      %dma_start3A_65 = tpu.memref_slice %arg9[%dma_start3A_64] : memref<1024xi32, #tpu.memory_space<vmem>> -> memref<128xi32, #tpu.memory_space<vmem>>
      %dma_start3A_66 = arith.constant 0 : i32
      %dma_start3A_67 = tpu.memref_slice %arg5[%dma_start3A_66] : memref<71680xf32, #tpu.memory_space<vmem_shared>> -> memref<71680xf32, #tpu.memory_space<vmem_shared>>
      tpu.enqueue_indirect_dma source(%arg6 : memref<128xf32, #tpu.memory_space<vmem>>) target(%dma_start3A_67 : memref<71680xf32, #tpu.memory_space<vmem_shared>>) offsets(%dma_start3A_65 : memref<128xi32, #tpu.memory_space<vmem>>) semaphore(%arg11 : memref<!tpu.dma_semaphore, #tpu.memory_space<semaphore_mem>>) {add = true}
      %dma_start3A_68 = arith.constant 512 : i32
      %dma_start3A_69 = tpu.memref_slice %arg9[%dma_start3A_68] : memref<1024xi32, #tpu.memory_space<vmem>> -> memref<128xi32, #tpu.memory_space<vmem>>
      %dma_start3A_70 = arith.constant 0 : i32
      %dma_start3A_71 = tpu.memref_slice %arg5[%dma_start3A_70] : memref<71680xf32, #tpu.memory_space<vmem_shared>> -> memref<71680xf32, #tpu.memory_space<vmem_shared>>
      tpu.enqueue_indirect_dma source(%arg6 : memref<128xf32, #tpu.memory_space<vmem>>) target(%dma_start3A_71 : memref<71680xf32, #tpu.memory_space<vmem_shared>>) offsets(%dma_start3A_69 : memref<128xi32, #tpu.memory_space<vmem>>) semaphore(%arg11 : memref<!tpu.dma_semaphore, #tpu.memory_space<semaphore_mem>>) {add = true}
      %dma_start3A_72 = arith.constant 640 : i32
      %dma_start3A_73 = tpu.memref_slice %arg9[%dma_start3A_72] : memref<1024xi32, #tpu.memory_space<vmem>> -> memref<128xi32, #tpu.memory_space<vmem>>
      %dma_start3A_74 = arith.constant 0 : i32
      %dma_start3A_75 = tpu.memref_slice %arg5[%dma_start3A_74] : memref<71680xf32, #tpu.memory_space<vmem_shared>> -> memref<71680xf32, #tpu.memory_space<vmem_shared>>
      tpu.enqueue_indirect_dma source(%arg6 : memref<128xf32, #tpu.memory_space<vmem>>) target(%dma_start3A_75 : memref<71680xf32, #tpu.memory_space<vmem_shared>>) offsets(%dma_start3A_73 : memref<128xi32, #tpu.memory_space<vmem>>) semaphore(%arg11 : memref<!tpu.dma_semaphore, #tpu.memory_space<semaphore_mem>>) {add = true}
      %dma_start3A_76 = arith.constant 768 : i32
      %dma_start3A_77 = tpu.memref_slice %arg9[%dma_start3A_76] : memref<1024xi32, #tpu.memory_space<vmem>> -> memref<128xi32, #tpu.memory_space<vmem>>
      %dma_start3A_78 = arith.constant 0 : i32
      %dma_start3A_79 = tpu.memref_slice %arg5[%dma_start3A_78] : memref<71680xf32, #tpu.memory_space<vmem_shared>> -> memref<71680xf32, #tpu.memory_space<vmem_shared>>
      tpu.enqueue_indirect_dma source(%arg6 : memref<128xf32, #tpu.memory_space<vmem>>) target(%dma_start3A_79 : memref<71680xf32, #tpu.memory_space<vmem_shared>>) offsets(%dma_start3A_77 : memref<128xi32, #tpu.memory_space<vmem>>) semaphore(%arg11 : memref<!tpu.dma_semaphore, #tpu.memory_space<semaphore_mem>>) {add = true}
      %dma_start3A_80 = arith.constant 896 : i32
      %dma_start3A_81 = tpu.memref_slice %arg9[%dma_start3A_80] : memref<1024xi32, #tpu.memory_space<vmem>> -> memref<128xi32, #tpu.memory_space<vmem>>
      %dma_start3A_82 = arith.constant 0 : i32
      %dma_start3A_83 = tpu.memref_slice %arg5[%dma_start3A_82] : memref<71680xf32, #tpu.memory_space<vmem_shared>> -> memref<71680xf32, #tpu.memory_space<vmem_shared>>
      tpu.enqueue_indirect_dma source(%arg6 : memref<128xf32, #tpu.memory_space<vmem>>) target(%dma_start3A_83 : memref<71680xf32, #tpu.memory_space<vmem_shared>>) offsets(%dma_start3A_81 : memref<128xi32, #tpu.memory_space<vmem>>) semaphore(%arg11 : memref<!tpu.dma_semaphore, #tpu.memory_space<semaphore_mem>>) {add = true}
      %dma_wait3A = arith.constant 0 : i32
      %dma_wait3A_84 = tpu.memref_slice %arg9[%dma_wait3A] : memref<1024xi32, #tpu.memory_space<vmem>> -> memref<128xi32, #tpu.memory_space<vmem>>
      %dma_wait3A_85 = arith.constant 0 : i32
      %dma_wait3A_86 = tpu.memref_slice %arg5[%dma_wait3A_85] : memref<71680xf32, #tpu.memory_space<vmem_shared>> -> memref<71680xf32, #tpu.memory_space<vmem_shared>>
      tpu.wait_indirect_dma semaphore(%arg11 : memref<!tpu.dma_semaphore, #tpu.memory_space<semaphore_mem>>) src(%arg6 : memref<128xf32, #tpu.memory_space<vmem>>) dst(%dma_wait3A_86 : memref<71680xf32, #tpu.memory_space<vmem_shared>>)
      %dma_wait3A_87 = arith.constant 0 : i32
      %dma_wait3A_88 = tpu.memref_slice %arg9[%dma_wait3A_87] : memref<1024xi32, #tpu.memory_space<vmem>> -> memref<128xi32, #tpu.memory_space<vmem>>
      %dma_wait3A_89 = arith.constant 0 : i32
      %dma_wait3A_90 = tpu.memref_slice %arg5[%dma_wait3A_89] : memref<71680xf32, #tpu.memory_space<vmem_shared>> -> memref<71680xf32, #tpu.memory_space<vmem_shared>>
      tpu.wait_indirect_dma semaphore(%arg11 : memref<!tpu.dma_semaphore, #tpu.memory_space<semaphore_mem>>) src(%arg6 : memref<128xf32, #tpu.memory_space<vmem>>) dst(%dma_wait3A_90 : memref<71680xf32, #tpu.memory_space<vmem_shared>>)
      %dma_wait3A_91 = arith.constant 0 : i32
      %dma_wait3A_92 = tpu.memref_slice %arg9[%dma_wait3A_91] : memref<1024xi32, #tpu.memory_space<vmem>> -> memref<128xi32, #tpu.memory_space<vmem>>
      %dma_wait3A_93 = arith.constant 0 : i32
      %dma_wait3A_94 = tpu.memref_slice %arg5[%dma_wait3A_93] : memref<71680xf32, #tpu.memory_space<vmem_shared>> -> memref<71680xf32, #tpu.memory_space<vmem_shared>>
      tpu.wait_indirect_dma semaphore(%arg11 : memref<!tpu.dma_semaphore, #tpu.memory_space<semaphore_mem>>) src(%arg6 : memref<128xf32, #tpu.memory_space<vmem>>) dst(%dma_wait3A_94 : memref<71680xf32, #tpu.memory_space<vmem_shared>>)
      %dma_wait3A_95 = arith.constant 0 : i32
      %dma_wait3A_96 = tpu.memref_slice %arg9[%dma_wait3A_95] : memref<1024xi32, #tpu.memory_space<vmem>> -> memref<128xi32, #tpu.memory_space<vmem>>
      %dma_wait3A_97 = arith.constant 0 : i32
      %dma_wait3A_98 = tpu.memref_slice %arg5[%dma_wait3A_97] : memref<71680xf32, #tpu.memory_space<vmem_shared>> -> memref<71680xf32, #tpu.memory_space<vmem_shared>>
      tpu.wait_indirect_dma semaphore(%arg11 : memref<!tpu.dma_semaphore, #tpu.memory_space<semaphore_mem>>) src(%arg6 : memref<128xf32, #tpu.memory_space<vmem>>) dst(%dma_wait3A_98 : memref<71680xf32, #tpu.memory_space<vmem_shared>>)
      %dma_wait3A_99 = arith.constant 0 : i32
      %dma_wait3A_100 = tpu.memref_slice %arg9[%dma_wait3A_99] : memref<1024xi32, #tpu.memory_space<vmem>> -> memref<128xi32, #tpu.memory_space<vmem>>
      %dma_wait3A_101 = arith.constant 0 : i32
      %dma_wait3A_102 = tpu.memref_slice %arg5[%dma_wait3A_101] : memref<71680xf32, #tpu.memory_space<vmem_shared>> -> memref<71680xf32, #tpu.memory_space<vmem_shared>>
      tpu.wait_indirect_dma semaphore(%arg11 : memref<!tpu.dma_semaphore, #tpu.memory_space<semaphore_mem>>) src(%arg6 : memref<128xf32, #tpu.memory_space<vmem>>) dst(%dma_wait3A_102 : memref<71680xf32, #tpu.memory_space<vmem_shared>>)
      %dma_wait3A_103 = arith.constant 0 : i32
      %dma_wait3A_104 = tpu.memref_slice %arg9[%dma_wait3A_103] : memref<1024xi32, #tpu.memory_space<vmem>> -> memref<128xi32, #tpu.memory_space<vmem>>
      %dma_wait3A_105 = arith.constant 0 : i32
      %dma_wait3A_106 = tpu.memref_slice %arg5[%dma_wait3A_105] : memref<71680xf32, #tpu.memory_space<vmem_shared>> -> memref<71680xf32, #tpu.memory_space<vmem_shared>>
      tpu.wait_indirect_dma semaphore(%arg11 : memref<!tpu.dma_semaphore, #tpu.memory_space<semaphore_mem>>) src(%arg6 : memref<128xf32, #tpu.memory_space<vmem>>) dst(%dma_wait3A_106 : memref<71680xf32, #tpu.memory_space<vmem_shared>>)
      %dma_wait3A_107 = arith.constant 0 : i32
      %dma_wait3A_108 = tpu.memref_slice %arg9[%dma_wait3A_107] : memref<1024xi32, #tpu.memory_space<vmem>> -> memref<128xi32, #tpu.memory_space<vmem>>
      %dma_wait3A_109 = arith.constant 0 : i32
      %dma_wait3A_110 = tpu.memref_slice %arg5[%dma_wait3A_109] : memref<71680xf32, #tpu.memory_space<vmem_shared>> -> memref<71680xf32, #tpu.memory_space<vmem_shared>>
      tpu.wait_indirect_dma semaphore(%arg11 : memref<!tpu.dma_semaphore, #tpu.memory_space<semaphore_mem>>) src(%arg6 : memref<128xf32, #tpu.memory_space<vmem>>) dst(%dma_wait3A_110 : memref<71680xf32, #tpu.memory_space<vmem_shared>>)
      %dma_wait3A_111 = arith.constant 0 : i32
      %dma_wait3A_112 = tpu.memref_slice %arg9[%dma_wait3A_111] : memref<1024xi32, #tpu.memory_space<vmem>> -> memref<128xi32, #tpu.memory_space<vmem>>
      %dma_wait3A_113 = arith.constant 0 : i32
      %dma_wait3A_114 = tpu.memref_slice %arg5[%dma_wait3A_113] : memref<71680xf32, #tpu.memory_space<vmem_shared>> -> memref<71680xf32, #tpu.memory_space<vmem_shared>>
      tpu.wait_indirect_dma semaphore(%arg11 : memref<!tpu.dma_semaphore, #tpu.memory_space<semaphore_mem>>) src(%arg6 : memref<128xf32, #tpu.memory_space<vmem>>) dst(%dma_wait3A_114 : memref<71680xf32, #tpu.memory_space<vmem_shared>>)
      %scan3A_115 = arith.constant 0 : i32
      scf.yield %scan3A_115 : i32
    }
    %scan3A_30 = arith.constant 10 : i32
    %barrier3A_31 = arith.constant 0 : index
    tpu.barrier barrier_id(%barrier3A_31)
    %scan3A_32 = arith.constant 0 : i32
    %scan3A_33 = arith.constant 0 : i32
    %scan3A_34 = arith.constant 2 : i32
    %scan3A_35 = arith.addi %scan3A_33, %scan3A_34 : i32
    %scan3A_36 = arith.constant 1 : i32
    %scan3A_37 = scf.for %scan3A_39 = %scan3A_33 to %scan3A_35 step %scan3A_36 iter_args(%scan3A_40 = %scan3A_32) -> (i32)  : i32 {
      %mul3A_41 = arith.constant 4480 : i32
      %mul3A_42 = arith.muli %arg1, %mul3A_41 : i32
      %mul3A_43 = arith.constant 2240 : i32
      %mul3A_44 = arith.muli %scan3A_39, %mul3A_43 : i32
      %add3A_45 = arith.addi %mul3A_42, %mul3A_44 : i32
      "tpu.region"() ({
        %run_scoped3A = tpu.sem_alloc : memref<!tpu.dma_semaphore, #tpu.memory_space<semaphore_mem>>
        %dma_start3A = tpu.memref_slice %arg5[%add3A_45] : memref<71680xf32, #tpu.memory_space<vmem_shared>> -> memref<2240xf32, #tpu.memory_space<vmem_shared>>
        %dma_start3A_50 = tpu.memref_slice %arg5[%add3A_45] : memref<71680xf32, #tpu.memory_space<vmem_shared>> -> memref<2240xf32, #tpu.memory_space<vmem_shared>>
        tpu.enqueue_dma source(%dma_start3A_50 : memref<2240xf32, #tpu.memory_space<vmem_shared>>) target(%arg10 : memref<2240xf32, #tpu.memory_space<vmem>>) target_semaphore(%run_scoped3A : memref<!tpu.dma_semaphore, #tpu.memory_space<semaphore_mem>>)
        %dma_wait3A = tpu.memref_slice %arg5[%add3A_45] : memref<71680xf32, #tpu.memory_space<vmem_shared>> -> memref<2240xf32, #tpu.memory_space<vmem_shared>>
        %dma_wait3A_51 = tpu.memref_slice %arg5[%add3A_45] : memref<71680xf32, #tpu.memory_space<vmem_shared>> -> memref<2240xf32, #tpu.memory_space<vmem_shared>>
        tpu.wait_dma2 semaphore(%run_scoped3A : memref<!tpu.dma_semaphore, #tpu.memory_space<semaphore_mem>>) src(%dma_wait3A_51 : memref<2240xf32, #tpu.memory_space<vmem_shared>>) dst(%arg10 : memref<2240xf32, #tpu.memory_space<vmem>>)
        tpu.yield
      }) : () -> ()
      %mul3A_46 = arith.constant 71680 : i32
      %mul3A_47 = arith.muli %arg0, %mul3A_46 : i32
      %add3A_48 = arith.addi %mul3A_47, %add3A_45 : i32
      "tpu.region"() ({
        %run_scoped3A = tpu.sem_alloc : memref<!tpu.dma_semaphore, #tpu.memory_space<semaphore_mem>>
        %dma_start3A = tpu.memref_slice %arg4[%add3A_48] : memref<143360xf32, #tpu.memory_space<hbm>> -> memref<2240xf32, #tpu.memory_space<hbm>>
        %dma_start3A_50 = tpu.memref_slice %arg4[%add3A_48] : memref<143360xf32, #tpu.memory_space<hbm>> -> memref<2240xf32, #tpu.memory_space<hbm>>
        tpu.enqueue_dma source(%arg10 : memref<2240xf32, #tpu.memory_space<vmem>>) target(%dma_start3A_50 : memref<2240xf32, #tpu.memory_space<hbm>>) target_semaphore(%run_scoped3A : memref<!tpu.dma_semaphore, #tpu.memory_space<semaphore_mem>>)
        %dma_wait3A = tpu.memref_slice %arg4[%add3A_48] : memref<143360xf32, #tpu.memory_space<hbm>> -> memref<2240xf32, #tpu.memory_space<hbm>>
        %dma_wait3A_51 = tpu.memref_slice %arg4[%add3A_48] : memref<143360xf32, #tpu.memory_space<hbm>> -> memref<2240xf32, #tpu.memory_space<hbm>>
        tpu.wait_dma2 semaphore(%run_scoped3A : memref<!tpu.dma_semaphore, #tpu.memory_space<semaphore_mem>>) src(%arg10 : memref<2240xf32, #tpu.memory_space<vmem>>) dst(%dma_wait3A_51 : memref<2240xf32, #tpu.memory_space<hbm>>)
        tpu.yield
      }) : () -> ()
      %scan3A_49 = arith.constant 0 : i32
      scf.yield %scan3A_49 : i32
    }
    %scan3A_38 = arith.constant 2 : i32
    return
  }
}

#map = affine_map<(d0, d1) -> (0)>
#map1 = affine_map<(d0, d1) -> (0, 0)>
#map2 = affine_map<(d0, d1) -> (0, 0, 0)>
module attributes {stable_mosaic.version = 14 : i64} {
  func.func @_sc_main(%arg0: i32, %arg1: i32, %arg2: memref<327680xi32, #tpu.memory_space<hbm>>, %arg3: memref<327680xi32, #tpu.memory_space<hbm>>, %arg4: memref<327680xi32, #tpu.memory_space<hbm>>, %arg5: memref<70000x128xf32, #tpu.memory_space<hbm>>, %arg6: memref<71680xf32, #tpu.memory_space<hbm>>, %arg7: memref<2x10240x128xf32, #tpu.memory_space<hbm>>, %arg8: memref<10240x128xf32, #tpu.memory_space<vmem_shared>>, %arg9: memref<1024xi32, #tpu.memory_space<vmem>>, %arg10: memref<1024xi32, #tpu.memory_space<vmem>>, %arg11: memref<1024xi32, #tpu.memory_space<vmem>>, %arg12: memref<1024xi32, #tpu.memory_space<vmem>>, %arg13: memref<1024xi32, #tpu.memory_space<vmem>>, %arg14: memref<128xi32, #tpu.memory_space<vmem>>, %arg15: memref<128xi32, #tpu.memory_space<vmem>>, %arg16: memref<128xf32, #tpu.memory_space<vmem>>, %arg17: memref<128xf32, #tpu.memory_space<vmem>>, %arg18: memref<128x128xf32, #tpu.memory_space<vmem>>, %arg19: memref<128x128xf32, #tpu.memory_space<vmem>>, %arg20: memref<!tpu.dma_semaphore, #tpu.memory_space<semaphore_mem>>, %arg21: memref<!tpu.dma_semaphore, #tpu.memory_space<semaphore_mem>>, %arg22: memref<!tpu.dma_semaphore, #tpu.memory_space<semaphore_mem>>, %arg23: memref<!tpu.dma_semaphore, #tpu.memory_space<semaphore_mem>>, %arg24: memref<!tpu.dma_semaphore, #tpu.memory_space<semaphore_mem>>, %arg25: memref<!tpu.dma_semaphore, #tpu.memory_space<semaphore_mem>>) attributes {dimension_semantics = [#tpu.dimension_semantics<core_parallel>, #tpu.dimension_semantics<subcore_parallel>], iteration_bounds = array<i64: 2, 16>, scalar_prefetch = 0 : i64, scratch_operands = 18 : i64, tpu.core_type = #tpu.core_type<sc_vector_subcore>, window_params = [{transform_indices = #map}, {transform_indices = #map}, {transform_indices = #map}, {transform_indices = #map1}, {transform_indices = #map}, {transform_indices = #map2}]} {
    %mul3A = arith.constant 16 : i32
    %mul3A_0 = arith.muli %arg0, %mul3A : i32
    %add3A = arith.addi %mul3A_0, %arg1 : i32
    %broadcast_in_dim3A = arith.constant 0.000000e+00 : f32
    %broadcast_in_dim3A_1 = vector.broadcast %broadcast_in_dim3A : f32 to vector<16xf32>
    %scan3A = arith.constant 0 : i32
    %scan3A_2 = arith.constant 0 : i32
    %scan3A_3 = arith.constant 128 : i32
    %scan3A_4 = arith.addi %scan3A_2, %scan3A_3 : i32
    %scan3A_5 = arith.constant 1 : i32
    %scan3A_6 = scf.for %scan3A_58 = %scan3A_2 to %scan3A_4 step %scan3A_5 iter_args(%scan3A_59 = %scan3A) -> (i32)  : i32 {
      %swap3A = arith.index_cast %scan3A_58 : i32 to index
      %swap3A_60 = arith.constant 0 : index
      %swap3A_61 = tpu.vector_load %arg18[%swap3A, %swap3A_60] {strides = array<i32>} : memref<128x128xf32, #tpu.memory_space<vmem>>, vector<16xf32>,
      tpu.vector_store %arg18[%swap3A, %swap3A_60], %broadcast_in_dim3A_1 {strides = array<i32>} : memref<128x128xf32, #tpu.memory_space<vmem>>, vector<16xf32>,
      %swap3A_62 = arith.index_cast %scan3A_58 : i32 to index
      %swap3A_63 = arith.constant 16 : index
      %swap3A_64 = tpu.vector_load %arg18[%swap3A_62, %swap3A_63] {strides = array<i32>} : memref<128x128xf32, #tpu.memory_space<vmem>>, vector<16xf32>,
      tpu.vector_store %arg18[%swap3A_62, %swap3A_63], %broadcast_in_dim3A_1 {strides = array<i32>} : memref<128x128xf32, #tpu.memory_space<vmem>>, vector<16xf32>,
      %swap3A_65 = arith.index_cast %scan3A_58 : i32 to index
      %swap3A_66 = arith.constant 32 : index
      %swap3A_67 = tpu.vector_load %arg18[%swap3A_65, %swap3A_66] {strides = array<i32>} : memref<128x128xf32, #tpu.memory_space<vmem>>, vector<16xf32>,
      tpu.vector_store %arg18[%swap3A_65, %swap3A_66], %broadcast_in_dim3A_1 {strides = array<i32>} : memref<128x128xf32, #tpu.memory_space<vmem>>, vector<16xf32>,
      %swap3A_68 = arith.index_cast %scan3A_58 : i32 to index
      %swap3A_69 = arith.constant 48 : index
      %swap3A_70 = tpu.vector_load %arg18[%swap3A_68, %swap3A_69] {strides = array<i32>} : memref<128x128xf32, #tpu.memory_space<vmem>>, vector<16xf32>,
      tpu.vector_store %arg18[%swap3A_68, %swap3A_69], %broadcast_in_dim3A_1 {strides = array<i32>} : memref<128x128xf32, #tpu.memory_space<vmem>>, vector<16xf32>,
      %swap3A_71 = arith.index_cast %scan3A_58 : i32 to index
      %swap3A_72 = arith.constant 64 : index
      %swap3A_73 = tpu.vector_load %arg18[%swap3A_71, %swap3A_72] {strides = array<i32>} : memref<128x128xf32, #tpu.memory_space<vmem>>, vector<16xf32>,
      tpu.vector_store %arg18[%swap3A_71, %swap3A_72], %broadcast_in_dim3A_1 {strides = array<i32>} : memref<128x128xf32, #tpu.memory_space<vmem>>, vector<16xf32>,
      %swap3A_74 = arith.index_cast %scan3A_58 : i32 to index
      %swap3A_75 = arith.constant 80 : index
      %swap3A_76 = tpu.vector_load %arg18[%swap3A_74, %swap3A_75] {strides = array<i32>} : memref<128x128xf32, #tpu.memory_space<vmem>>, vector<16xf32>,
      tpu.vector_store %arg18[%swap3A_74, %swap3A_75], %broadcast_in_dim3A_1 {strides = array<i32>} : memref<128x128xf32, #tpu.memory_space<vmem>>, vector<16xf32>,
      %swap3A_77 = arith.index_cast %scan3A_58 : i32 to index
      %swap3A_78 = arith.constant 96 : index
      %swap3A_79 = tpu.vector_load %arg18[%swap3A_77, %swap3A_78] {strides = array<i32>} : memref<128x128xf32, #tpu.memory_space<vmem>>, vector<16xf32>,
      tpu.vector_store %arg18[%swap3A_77, %swap3A_78], %broadcast_in_dim3A_1 {strides = array<i32>} : memref<128x128xf32, #tpu.memory_space<vmem>>, vector<16xf32>,
      %swap3A_80 = arith.index_cast %scan3A_58 : i32 to index
      %swap3A_81 = arith.constant 112 : index
      %swap3A_82 = tpu.vector_load %arg18[%swap3A_80, %swap3A_81] {strides = array<i32>} : memref<128x128xf32, #tpu.memory_space<vmem>>, vector<16xf32>,
      tpu.vector_store %arg18[%swap3A_80, %swap3A_81], %broadcast_in_dim3A_1 {strides = array<i32>} : memref<128x128xf32, #tpu.memory_space<vmem>>, vector<16xf32>,
      %scan3A_83 = arith.constant 0 : i32
      scf.yield %scan3A_83 : i32
    }
    %scan3A_7 = arith.constant 128 : i32
    %scan3A_8 = arith.constant 0 : i32
    %scan3A_9 = arith.constant 0 : i32
    %scan3A_10 = arith.constant 5 : i32
    %scan3A_11 = arith.addi %scan3A_9, %scan3A_10 : i32
    %scan3A_12 = arith.constant 1 : i32
    %scan3A_13 = scf.for %scan3A_58 = %scan3A_9 to %scan3A_11 step %scan3A_12 iter_args(%scan3A_59 = %scan3A_8) -> (i32)  : i32 {
      %mul3A_60 = arith.constant 640 : i32
      %mul3A_61 = arith.muli %arg1, %mul3A_60 : i32
      %mul3A_62 = arith.constant 128 : i32
      %mul3A_63 = arith.muli %scan3A_58, %mul3A_62 : i32
      %add3A_64 = arith.addi %mul3A_61, %mul3A_63 : i32
      "tpu.region"() ({
        %run_scoped3A = tpu.sem_alloc : memref<!tpu.dma_semaphore, #tpu.memory_space<semaphore_mem>>
        %dma_start3A = arith.constant 0 : i32
        %dma_start3A_66 = tpu.memref_slice %arg8[%add3A_64, %dma_start3A] : memref<10240x128xf32, #tpu.memory_space<vmem_shared>> -> memref<128x128xf32, #tpu.memory_space<vmem_shared>>
        %dma_start3A_67 = arith.constant 0 : i32
        %dma_start3A_68 = tpu.memref_slice %arg8[%add3A_64, %dma_start3A_67] : memref<10240x128xf32, #tpu.memory_space<vmem_shared>> -> memref<128x128xf32, #tpu.memory_space<vmem_shared>>
        tpu.enqueue_dma source(%arg18 : memref<128x128xf32, #tpu.memory_space<vmem>>) target(%dma_start3A_68 : memref<128x128xf32, #tpu.memory_space<vmem_shared>>) target_semaphore(%run_scoped3A : memref<!tpu.dma_semaphore, #tpu.memory_space<semaphore_mem>>)
        %dma_wait3A = arith.constant 0 : i32
        %dma_wait3A_69 = tpu.memref_slice %arg8[%add3A_64, %dma_wait3A] : memref<10240x128xf32, #tpu.memory_space<vmem_shared>> -> memref<128x128xf32, #tpu.memory_space<vmem_shared>>
        %dma_wait3A_70 = arith.constant 0 : i32
        %dma_wait3A_71 = tpu.memref_slice %arg8[%add3A_64, %dma_wait3A_70] : memref<10240x128xf32, #tpu.memory_space<vmem_shared>> -> memref<128x128xf32, #tpu.memory_space<vmem_shared>>
        tpu.wait_dma2 semaphore(%run_scoped3A : memref<!tpu.dma_semaphore, #tpu.memory_space<semaphore_mem>>) src(%arg18 : memref<128x128xf32, #tpu.memory_space<vmem>>) dst(%dma_wait3A_71 : memref<128x128xf32, #tpu.memory_space<vmem_shared>>)
        tpu.yield
      }) : () -> ()
      %scan3A_65 = arith.constant 0 : i32
      scf.yield %scan3A_65 : i32
    }
    %scan3A_14 = arith.constant 5 : i32
    %barrier3A = arith.constant 0 : index
    tpu.barrier barrier_id(%barrier3A)
    %eq3A = arith.constant 0 : i32
    %eq3A_15 = arith.cmpi eq, %arg0, %eq3A : i32
    %jit3A = arith.constant 18432 : i32
    %jit3A_16 = arith.constant 2048 : i32
    %select_n3A = arith.select %eq3A_15, %jit3A, %jit3A_16 : i32
    %mul3A_17 = arith.constant 294912 : i32
    %mul3A_18 = arith.muli %arg0, %mul3A_17 : i32
    %mul3A_19 = arith.muli %arg1, %select_n3A : i32
    %add3A_20 = arith.addi %mul3A_18, %mul3A_19 : i32
    %jit3A_21 = arith.constant 1024 : i32
    %div3A = arith.divsi %select_n3A, %jit3A_21 : i32
    %sign3A = arith.constant 0 : i32
    %sign3A_22 = arith.cmpi sgt, %select_n3A, %sign3A : i32
    %sign3A_23 = arith.extui %sign3A_22 : i1 to i32
    %sign3A_24 = arith.constant 0 : i32
    %sign3A_25 = arith.cmpi slt, %select_n3A, %sign3A_24 : i32
    %sign3A_26 = arith.extui %sign3A_25 : i1 to i32
    %sign3A_27 = arith.subi %sign3A_23, %sign3A_26 : i32
    %sign3A_28 = arith.constant 0 : i32
    %sign3A_29 = arith.cmpi sgt, %jit3A_21, %sign3A_28 : i32
    %sign3A_30 = arith.extui %sign3A_29 : i1 to i32
    %sign3A_31 = arith.constant 0 : i32
    %sign3A_32 = arith.cmpi slt, %jit3A_21, %sign3A_31 : i32
    %sign3A_33 = arith.extui %sign3A_32 : i1 to i32
    %sign3A_34 = arith.subi %sign3A_30, %sign3A_33 : i32
    %ne3A = arith.cmpi ne, %sign3A_27, %sign3A_34 : i32
    %rem3A = arith.remsi %select_n3A, %jit3A_21 : i32
    %ne3A_35 = arith.constant 0 : i32
    %ne3A_36 = arith.cmpi ne, %rem3A, %ne3A_35 : i32
    %and3A = arith.andi %ne3A, %ne3A_36 : i1
    %sub3A = arith.constant 1 : i32
    %sub3A_37 = arith.subi %div3A, %sub3A : i32
    %select_n3A_38 = arith.select %and3A, %sub3A_37, %div3A : i32
    %while3A = arith.constant 0 : i32
    %while3A_39 = arith.constant 0 : i32
    %while3A_40 = arith.subi %select_n3A_38, %while3A : i32
    %while3A_41 = arith.addi %while3A, %while3A_40 : i32
    %while3A_42 = arith.constant 1 : i32
    %while3A_43 = arith.divsi %while3A_40, %while3A_42 : i32
    %while3A_44 = arith.muli %while3A_43, %while3A_42 : i32
    %while3A_45 = arith.addi %while3A, %while3A_44 : i32
    %while3A_46 = arith.constant 1 : i32
    %while3A_47 = scf.for %while3A_58 = %while3A to %while3A_45 step %while3A_46 iter_args(%while3A_59 = %while3A_39) -> (i32)  : i32 {
      %mul3A_60 = arith.constant 1024 : i32
      %mul3A_61 = arith.muli %while3A_58, %mul3A_60 : i32
      %add3A_62 = arith.addi %add3A_20, %mul3A_61 : i32
      "tpu.region"() ({
        %run_scoped3A = tpu.sem_alloc : memref<!tpu.dma_semaphore, #tpu.memory_space<semaphore_mem>>
        %dma_start3A_200 = tpu.memref_slice %arg2[%add3A_62] : memref<327680xi32, #tpu.memory_space<hbm>> -> memref<1024xi32, #tpu.memory_space<hbm>>
        %dma_start3A_201 = tpu.memref_slice %arg2[%add3A_62] : memref<327680xi32, #tpu.memory_space<hbm>> -> memref<1024xi32, #tpu.memory_space<hbm>>
        tpu.enqueue_dma source(%dma_start3A_201 : memref<1024xi32, #tpu.memory_space<hbm>>) target(%arg9 : memref<1024xi32, #tpu.memory_space<vmem>>) target_semaphore(%run_scoped3A : memref<!tpu.dma_semaphore, #tpu.memory_space<semaphore_mem>>)
        %dma_wait3A_202 = tpu.memref_slice %arg2[%add3A_62] : memref<327680xi32, #tpu.memory_space<hbm>> -> memref<1024xi32, #tpu.memory_space<hbm>>
        %dma_wait3A_203 = tpu.memref_slice %arg2[%add3A_62] : memref<327680xi32, #tpu.memory_space<hbm>> -> memref<1024xi32, #tpu.memory_space<hbm>>
        tpu.wait_dma2 semaphore(%run_scoped3A : memref<!tpu.dma_semaphore, #tpu.memory_space<semaphore_mem>>) src(%dma_wait3A_203 : memref<1024xi32, #tpu.memory_space<hbm>>) dst(%arg9 : memref<1024xi32, #tpu.memory_space<vmem>>)
        tpu.yield
      }) : () -> ()
      "tpu.region"() ({
        %run_scoped3A = tpu.sem_alloc : memref<!tpu.dma_semaphore, #tpu.memory_space<semaphore_mem>>
        %dma_start3A_200 = tpu.memref_slice %arg3[%add3A_62] : memref<327680xi32, #tpu.memory_space<hbm>> -> memref<1024xi32, #tpu.memory_space<hbm>>
        %dma_start3A_201 = tpu.memref_slice %arg3[%add3A_62] : memref<327680xi32, #tpu.memory_space<hbm>> -> memref<1024xi32, #tpu.memory_space<hbm>>
        tpu.enqueue_dma source(%dma_start3A_201 : memref<1024xi32, #tpu.memory_space<hbm>>) target(%arg10 : memref<1024xi32, #tpu.memory_space<vmem>>) target_semaphore(%run_scoped3A : memref<!tpu.dma_semaphore, #tpu.memory_space<semaphore_mem>>)
        %dma_wait3A_202 = tpu.memref_slice %arg3[%add3A_62] : memref<327680xi32, #tpu.memory_space<hbm>> -> memref<1024xi32, #tpu.memory_space<hbm>>
        %dma_wait3A_203 = tpu.memref_slice %arg3[%add3A_62] : memref<327680xi32, #tpu.memory_space<hbm>> -> memref<1024xi32, #tpu.memory_space<hbm>>
        tpu.wait_dma2 semaphore(%run_scoped3A : memref<!tpu.dma_semaphore, #tpu.memory_space<semaphore_mem>>) src(%dma_wait3A_203 : memref<1024xi32, #tpu.memory_space<hbm>>) dst(%arg10 : memref<1024xi32, #tpu.memory_space<vmem>>)
        tpu.yield
      }) : () -> ()
      "tpu.region"() ({
        %run_scoped3A = tpu.sem_alloc : memref<!tpu.dma_semaphore, #tpu.memory_space<semaphore_mem>>
        %dma_start3A_200 = tpu.memref_slice %arg4[%add3A_62] : memref<327680xi32, #tpu.memory_space<hbm>> -> memref<1024xi32, #tpu.memory_space<hbm>>
        %dma_start3A_201 = tpu.memref_slice %arg4[%add3A_62] : memref<327680xi32, #tpu.memory_space<hbm>> -> memref<1024xi32, #tpu.memory_space<hbm>>
        tpu.enqueue_dma source(%dma_start3A_201 : memref<1024xi32, #tpu.memory_space<hbm>>) target(%arg11 : memref<1024xi32, #tpu.memory_space<vmem>>) target_semaphore(%run_scoped3A : memref<!tpu.dma_semaphore, #tpu.memory_space<semaphore_mem>>)
        %dma_wait3A_202 = tpu.memref_slice %arg4[%add3A_62] : memref<327680xi32, #tpu.memory_space<hbm>> -> memref<1024xi32, #tpu.memory_space<hbm>>
        %dma_wait3A_203 = tpu.memref_slice %arg4[%add3A_62] : memref<327680xi32, #tpu.memory_space<hbm>> -> memref<1024xi32, #tpu.memory_space<hbm>>
        tpu.wait_dma2 semaphore(%run_scoped3A : memref<!tpu.dma_semaphore, #tpu.memory_space<semaphore_mem>>) src(%dma_wait3A_203 : memref<1024xi32, #tpu.memory_space<hbm>>) dst(%arg11 : memref<1024xi32, #tpu.memory_space<vmem>>)
        tpu.yield
      }) : () -> ()
      %scan3A_63 = arith.constant 0 : i32
      %scan3A_64 = arith.constant 0 : i32
      %scan3A_65 = arith.constant 64 : i32
      %scan3A_66 = arith.addi %scan3A_64, %scan3A_65 : i32
      %scan3A_67 = arith.constant 1 : i32
      %scan3A_68 = scf.for %scan3A_200 = %scan3A_64 to %scan3A_66 step %scan3A_67 iter_args(%scan3A_201 = %scan3A_63) -> (i32)  : i32 {
        %mul3A_202 = arith.constant 16 : i32
        %mul3A_203 = arith.muli %scan3A_200, %mul3A_202 : i32
        %get3A_204 = arith.index_cast %mul3A_203 : i32 to index
        %get3A_205 = tpu.vector_load %arg9[%get3A_204] {strides = array<i32>} : memref<1024xi32, #tpu.memory_space<vmem>>, vector<16xi32>,
        %get3A_206 = arith.index_cast %mul3A_203 : i32 to index
        %get3A_207 = tpu.vector_load %arg11[%get3A_206] {strides = array<i32>} : memref<1024xi32, #tpu.memory_space<vmem>>, vector<16xi32>,
        %mul3A_208 = arith.constant 7 : i32
        %mul3A_209 = vector.broadcast %mul3A_208 : i32 to vector<16xi32>
        %mul3A_210 = arith.muli %get3A_205, %mul3A_209 : vector<16xi32>
        %add3A_211 = arith.addi %mul3A_210, %get3A_207 : vector<16xi32>
        %swap3A_212 = arith.index_cast %mul3A_203 : i32 to index
        %swap3A_213 = tpu.vector_load %arg12[%swap3A_212] {strides = array<i32>} : memref<1024xi32, #tpu.memory_space<vmem>>, vector<16xi32>,
        tpu.vector_store %arg12[%swap3A_212], %add3A_211 {strides = array<i32>} : memref<1024xi32, #tpu.memory_space<vmem>>, vector<16xi32>,
        %mul3A_214 = arith.constant 10000 : i32
        %mul3A_215 = vector.broadcast %mul3A_214 : i32 to vector<16xi32>
        %mul3A_216 = arith.muli %get3A_207, %mul3A_215 : vector<16xi32>
        %get3A_217 = arith.index_cast %mul3A_203 : i32 to index
        %get3A_218 = tpu.vector_load %arg10[%get3A_217] {strides = array<i32>} : memref<1024xi32, #tpu.memory_space<vmem>>, vector<16xi32>,
        %add3A_219 = arith.addi %mul3A_216, %get3A_218 : vector<16xi32>
        %swap3A_220 = arith.index_cast %mul3A_203 : i32 to index
        %swap3A_221 = tpu.vector_load %arg13[%swap3A_220] {strides = array<i32>} : memref<1024xi32, #tpu.memory_space<vmem>>, vector<16xi32>,
        tpu.vector_store %arg13[%swap3A_220], %add3A_219 {strides = array<i32>} : memref<1024xi32, #tpu.memory_space<vmem>>, vector<16xi32>,
        %scan3A_222 = arith.constant 0 : i32
        scf.yield %scan3A_222 : i32
      }
      %scan3A_69 = arith.constant 64 : i32
      %dma_start3A = arith.constant 0 : i32
      %dma_start3A_70 = tpu.memref_slice %arg13[%dma_start3A] : memref<1024xi32, #tpu.memory_space<vmem>> -> memref<128xi32, #tpu.memory_space<vmem>>
      %dma_start3A_71 = arith.constant 0 : i32
      %dma_start3A_72 = arith.constant 0 : i32
      %dma_start3A_73 = tpu.memref_slice %arg5[%dma_start3A_71, %dma_start3A_72] : memref<70000x128xf32, #tpu.memory_space<hbm>> -> memref<70000x128xf32, #tpu.memory_space<hbm>>
      tpu.enqueue_indirect_dma source(%dma_start3A_73 : memref<70000x128xf32, #tpu.memory_space<hbm>>) target(%arg18 : memref<128x128xf32, #tpu.memory_space<vmem>>) offsets(%dma_start3A_70 : memref<128xi32, #tpu.memory_space<vmem>>) semaphore(%arg20 : memref<!tpu.dma_semaphore, #tpu.memory_space<semaphore_mem>>)
      %dma_start3A_74 = arith.constant 0 : i32
      %dma_start3A_75 = tpu.memref_slice %arg12[%dma_start3A_74] : memref<1024xi32, #tpu.memory_space<vmem>> -> memref<128xi32, #tpu.memory_space<vmem>>
      %dma_start3A_76 = arith.constant 0 : i32
      %dma_start3A_77 = tpu.memref_slice %arg6[%dma_start3A_76] : memref<71680xf32, #tpu.memory_space<hbm>> -> memref<71680xf32, #tpu.memory_space<hbm>>
      tpu.enqueue_indirect_dma source(%dma_start3A_77 : memref<71680xf32, #tpu.memory_space<hbm>>) target(%arg16 : memref<128xf32, #tpu.memory_space<vmem>>) offsets(%dma_start3A_75 : memref<128xi32, #tpu.memory_space<vmem>>) semaphore(%arg21 : memref<!tpu.dma_semaphore, #tpu.memory_space<semaphore_mem>>)
      %get3A = arith.constant 0 : index
      %get3A_78 = tpu.vector_load %arg9[%get3A] {strides = array<i32>} : memref<1024xi32, #tpu.memory_space<vmem>>, vector<16xi32>,
      %swap3A = arith.constant 0 : index
      %swap3A_79 = tpu.vector_load %arg14[%swap3A] {strides = array<i32>} : memref<128xi32, #tpu.memory_space<vmem>>, vector<16xi32>,
      tpu.vector_store %arg14[%swap3A], %get3A_78 {strides = array<i32>} : memref<128xi32, #tpu.memory_space<vmem>>, vector<16xi32>,
      %get3A_80 = arith.constant 16 : index
      %get3A_81 = tpu.vector_load %arg9[%get3A_80] {strides = array<i32>} : memref<1024xi32, #tpu.memory_space<vmem>>, vector<16xi32>,
      %swap3A_82 = arith.constant 16 : index
      %swap3A_83 = tpu.vector_load %arg14[%swap3A_82] {strides = array<i32>} : memref<128xi32, #tpu.memory_space<vmem>>, vector<16xi32>,
      tpu.vector_store %arg14[%swap3A_82], %get3A_81 {strides = array<i32>} : memref<128xi32, #tpu.memory_space<vmem>>, vector<16xi32>,
      %get3A_84 = arith.constant 32 : index
      %get3A_85 = tpu.vector_load %arg9[%get3A_84] {strides = array<i32>} : memref<1024xi32, #tpu.memory_space<vmem>>, vector<16xi32>,
      %swap3A_86 = arith.constant 32 : index
      %swap3A_87 = tpu.vector_load %arg14[%swap3A_86] {strides = array<i32>} : memref<128xi32, #tpu.memory_space<vmem>>, vector<16xi32>,
      tpu.vector_store %arg14[%swap3A_86], %get3A_85 {strides = array<i32>} : memref<128xi32, #tpu.memory_space<vmem>>, vector<16xi32>,
      %get3A_88 = arith.constant 48 : index
      %get3A_89 = tpu.vector_load %arg9[%get3A_88] {strides = array<i32>} : memref<1024xi32, #tpu.memory_space<vmem>>, vector<16xi32>,
      %swap3A_90 = arith.constant 48 : index
      %swap3A_91 = tpu.vector_load %arg14[%swap3A_90] {strides = array<i32>} : memref<128xi32, #tpu.memory_space<vmem>>, vector<16xi32>,
      tpu.vector_store %arg14[%swap3A_90], %get3A_89 {strides = array<i32>} : memref<128xi32, #tpu.memory_space<vmem>>, vector<16xi32>,
      %get3A_92 = arith.constant 64 : index
      %get3A_93 = tpu.vector_load %arg9[%get3A_92] {strides = array<i32>} : memref<1024xi32, #tpu.memory_space<vmem>>, vector<16xi32>,
      %swap3A_94 = arith.constant 64 : index
      %swap3A_95 = tpu.vector_load %arg14[%swap3A_94] {strides = array<i32>} : memref<128xi32, #tpu.memory_space<vmem>>, vector<16xi32>,
      tpu.vector_store %arg14[%swap3A_94], %get3A_93 {strides = array<i32>} : memref<128xi32, #tpu.memory_space<vmem>>, vector<16xi32>,
      %get3A_96 = arith.constant 80 : index
      %get3A_97 = tpu.vector_load %arg9[%get3A_96] {strides = array<i32>} : memref<1024xi32, #tpu.memory_space<vmem>>, vector<16xi32>,
      %swap3A_98 = arith.constant 80 : index
      %swap3A_99 = tpu.vector_load %arg14[%swap3A_98] {strides = array<i32>} : memref<128xi32, #tpu.memory_space<vmem>>, vector<16xi32>,
      tpu.vector_store %arg14[%swap3A_98], %get3A_97 {strides = array<i32>} : memref<128xi32, #tpu.memory_space<vmem>>, vector<16xi32>,
      %get3A_100 = arith.constant 96 : index
      %get3A_101 = tpu.vector_load %arg9[%get3A_100] {strides = array<i32>} : memref<1024xi32, #tpu.memory_space<vmem>>, vector<16xi32>,
      %swap3A_102 = arith.constant 96 : index
      %swap3A_103 = tpu.vector_load %arg14[%swap3A_102] {strides = array<i32>} : memref<128xi32, #tpu.memory_space<vmem>>, vector<16xi32>,
      tpu.vector_store %arg14[%swap3A_102], %get3A_101 {strides = array<i32>} : memref<128xi32, #tpu.memory_space<vmem>>, vector<16xi32>,
      %get3A_104 = arith.constant 112 : index
      %get3A_105 = tpu.vector_load %arg9[%get3A_104] {strides = array<i32>} : memref<1024xi32, #tpu.memory_space<vmem>>, vector<16xi32>,
      %swap3A_106 = arith.constant 112 : index
      %swap3A_107 = tpu.vector_load %arg14[%swap3A_106] {strides = array<i32>} : memref<128xi32, #tpu.memory_space<vmem>>, vector<16xi32>,
      tpu.vector_store %arg14[%swap3A_106], %get3A_105 {strides = array<i32>} : memref<128xi32, #tpu.memory_space<vmem>>, vector<16xi32>,
      %dma_start3A_108 = arith.constant 128 : i32
      %dma_start3A_109 = tpu.memref_slice %arg13[%dma_start3A_108] : memref<1024xi32, #tpu.memory_space<vmem>> -> memref<128xi32, #tpu.memory_space<vmem>>
      %dma_start3A_110 = arith.constant 0 : i32
      %dma_start3A_111 = arith.constant 0 : i32
      %dma_start3A_112 = tpu.memref_slice %arg5[%dma_start3A_110, %dma_start3A_111] : memref<70000x128xf32, #tpu.memory_space<hbm>> -> memref<70000x128xf32, #tpu.memory_space<hbm>>
      tpu.enqueue_indirect_dma source(%dma_start3A_112 : memref<70000x128xf32, #tpu.memory_space<hbm>>) target(%arg19 : memref<128x128xf32, #tpu.memory_space<vmem>>) offsets(%dma_start3A_109 : memref<128xi32, #tpu.memory_space<vmem>>) semaphore(%arg23 : memref<!tpu.dma_semaphore, #tpu.memory_space<semaphore_mem>>)
      %dma_start3A_113 = arith.constant 128 : i32
      %dma_start3A_114 = tpu.memref_slice %arg12[%dma_start3A_113] : memref<1024xi32, #tpu.memory_space<vmem>> -> memref<128xi32, #tpu.memory_space<vmem>>
      %dma_start3A_115 = arith.constant 0 : i32
      %dma_start3A_116 = tpu.memref_slice %arg6[%dma_start3A_115] : memref<71680xf32, #tpu.memory_space<hbm>> -> memref<71680xf32, #tpu.memory_space<hbm>>
      tpu.enqueue_indirect_dma source(%dma_start3A_116 : memref<71680xf32, #tpu.memory_space<hbm>>) target(%arg17 : memref<128xf32, #tpu.memory_space<vmem>>) offsets(%dma_start3A_114 : memref<128xi32, #tpu.memory_space<vmem>>) semaphore(%arg24 : memref<!tpu.dma_semaphore, #tpu.memory_space<semaphore_mem>>)
      %get3A_117 = arith.constant 128 : index
      %get3A_118 = tpu.vector_load %arg9[%get3A_117] {strides = array<i32>} : memref<1024xi32, #tpu.memory_space<vmem>>, vector<16xi32>,
      %swap3A_119 = arith.constant 0 : index
      %swap3A_120 = tpu.vector_load %arg15[%swap3A_119] {strides = array<i32>} : memref<128xi32, #tpu.memory_space<vmem>>, vector<16xi32>,
      tpu.vector_store %arg15[%swap3A_119], %get3A_118 {strides = array<i32>} : memref<128xi32, #tpu.memory_space<vmem>>, vector<16xi32>,
      %get3A_121 = arith.constant 144 : index
      %get3A_122 = tpu.vector_load %arg9[%get3A_121] {strides = array<i32>} : memref<1024xi32, #tpu.memory_space<vmem>>, vector<16xi32>,
      %swap3A_123 = arith.constant 16 : index
      %swap3A_124 = tpu.vector_load %arg15[%swap3A_123] {strides = array<i32>} : memref<128xi32, #tpu.memory_space<vmem>>, vector<16xi32>,
      tpu.vector_store %arg15[%swap3A_123], %get3A_122 {strides = array<i32>} : memref<128xi32, #tpu.memory_space<vmem>>, vector<16xi32>,
      %get3A_125 = arith.constant 160 : index
      %get3A_126 = tpu.vector_load %arg9[%get3A_125] {strides = array<i32>} : memref<1024xi32, #tpu.memory_space<vmem>>, vector<16xi32>,
      %swap3A_127 = arith.constant 32 : index
      %swap3A_128 = tpu.vector_load %arg15[%swap3A_127] {strides = array<i32>} : memref<128xi32, #tpu.memory_space<vmem>>, vector<16xi32>,
      tpu.vector_store %arg15[%swap3A_127], %get3A_126 {strides = array<i32>} : memref<128xi32, #tpu.memory_space<vmem>>, vector<16xi32>,
      %get3A_129 = arith.constant 176 : index
      %get3A_130 = tpu.vector_load %arg9[%get3A_129] {strides = array<i32>} : memref<1024xi32, #tpu.memory_space<vmem>>, vector<16xi32>,
      %swap3A_131 = arith.constant 48 : index
      %swap3A_132 = tpu.vector_load %arg15[%swap3A_131] {strides = array<i32>} : memref<128xi32, #tpu.memory_space<vmem>>, vector<16xi32>,
      tpu.vector_store %arg15[%swap3A_131], %get3A_130 {strides = array<i32>} : memref<128xi32, #tpu.memory_space<vmem>>, vector<16xi32>,
      %get3A_133 = arith.constant 192 : index
      %get3A_134 = tpu.vector_load %arg9[%get3A_133] {strides = array<i32>} : memref<1024xi32, #tpu.memory_space<vmem>>, vector<16xi32>,
      %swap3A_135 = arith.constant 64 : index
      %swap3A_136 = tpu.vector_load %arg15[%swap3A_135] {strides = array<i32>} : memref<128xi32, #tpu.memory_space<vmem>>, vector<16xi32>,
      tpu.vector_store %arg15[%swap3A_135], %get3A_134 {strides = array<i32>} : memref<128xi32, #tpu.memory_space<vmem>>, vector<16xi32>,
      %get3A_137 = arith.constant 208 : index
      %get3A_138 = tpu.vector_load %arg9[%get3A_137] {strides = array<i32>} : memref<1024xi32, #tpu.memory_space<vmem>>, vector<16xi32>,
      %swap3A_139 = arith.constant 80 : index
      %swap3A_140 = tpu.vector_load %arg15[%swap3A_139] {strides = array<i32>} : memref<128xi32, #tpu.memory_space<vmem>>, vector<16xi32>,
      tpu.vector_store %arg15[%swap3A_139], %get3A_138 {strides = array<i32>} : memref<128xi32, #tpu.memory_space<vmem>>, vector<16xi32>,
      %get3A_141 = arith.constant 224 : index
      %get3A_142 = tpu.vector_load %arg9[%get3A_141] {strides = array<i32>} : memref<1024xi32, #tpu.memory_space<vmem>>, vector<16xi32>,
      %swap3A_143 = arith.constant 96 : index
      %swap3A_144 = tpu.vector_load %arg15[%swap3A_143] {strides = array<i32>} : memref<128xi32, #tpu.memory_space<vmem>>, vector<16xi32>,
      tpu.vector_store %arg15[%swap3A_143], %get3A_142 {strides = array<i32>} : memref<128xi32, #tpu.memory_space<vmem>>, vector<16xi32>,
      %get3A_145 = arith.constant 240 : index
      %get3A_146 = tpu.vector_load %arg9[%get3A_145] {strides = array<i32>} : memref<1024xi32, #tpu.memory_space<vmem>>, vector<16xi32>,
      %swap3A_147 = arith.constant 112 : index
      %swap3A_148 = tpu.vector_load %arg15[%swap3A_147] {strides = array<i32>} : memref<128xi32, #tpu.memory_space<vmem>>, vector<16xi32>,
      tpu.vector_store %arg15[%swap3A_147], %get3A_146 {strides = array<i32>} : memref<128xi32, #tpu.memory_space<vmem>>, vector<16xi32>,
      %scan3A_149 = arith.constant 0 : i32
      %scan3A_150 = arith.constant 0 : i32
      %scan3A_151 = arith.constant 3 : i32
      %scan3A_152 = arith.addi %scan3A_150, %scan3A_151 : i32
      %scan3A_153 = arith.constant 1 : i32
      %scan3A_154 = scf.for %scan3A_200 = %scan3A_150 to %scan3A_152 step %scan3A_153 iter_args(%scan3A_201 = %scan3A_149) -> (i32)  : i32 {
        %dma_wait3A_202 = arith.constant 0 : i32
        %dma_wait3A_203 = tpu.memref_slice %arg13[%dma_wait3A_202] : memref<1024xi32, #tpu.memory_space<vmem>> -> memref<128xi32, #tpu.memory_space<vmem>>
        %dma_wait3A_204 = arith.constant 0 : i32
        %dma_wait3A_205 = arith.constant 0 : i32
        %dma_wait3A_206 = tpu.memref_slice %arg5[%dma_wait3A_204, %dma_wait3A_205] : memref<70000x128xf32, #tpu.memory_space<hbm>> -> memref<70000x128xf32, #tpu.memory_space<hbm>>
        tpu.wait_indirect_dma semaphore(%arg20 : memref<!tpu.dma_semaphore, #tpu.memory_space<semaphore_mem>>) src(%dma_wait3A_206 : memref<70000x128xf32, #tpu.memory_space<hbm>>) dst(%arg18 : memref<128x128xf32, #tpu.memory_space<vmem>>)
        %dma_wait3A_207 = arith.constant 0 : i32
        %dma_wait3A_208 = tpu.memref_slice %arg12[%dma_wait3A_207] : memref<1024xi32, #tpu.memory_space<vmem>> -> memref<128xi32, #tpu.memory_space<vmem>>
        %dma_wait3A_209 = arith.constant 0 : i32
        %dma_wait3A_210 = tpu.memref_slice %arg6[%dma_wait3A_209] : memref<71680xf32, #tpu.memory_space<hbm>> -> memref<71680xf32, #tpu.memory_space<hbm>>
        tpu.wait_indirect_dma semaphore(%arg21 : memref<!tpu.dma_semaphore, #tpu.memory_space<semaphore_mem>>) src(%dma_wait3A_210 : memref<71680xf32, #tpu.memory_space<hbm>>) dst(%arg16 : memref<128xf32, #tpu.memory_space<vmem>>)
        %scan3A_211 = arith.constant 0 : i32
        %scan3A_212 = arith.constant 0 : i32
        %scan3A_213 = arith.constant 128 : i32
        %scan3A_214 = arith.addi %scan3A_212, %scan3A_213 : i32
        %scan3A_215 = arith.constant 1 : i32
        %scan3A_216 = scf.for %scan3A_369 = %scan3A_212 to %scan3A_214 step %scan3A_215 iter_args(%scan3A_370 = %scan3A_211) -> (i32)  : i32 {
          %broadcast_in_dim3A_371 = vector.broadcast %scan3A_369 : i32 to vector<16xi32>
          %gather3A = tpu.vector_load_idx %arg16[%broadcast_in_dim3A_371] : memref<128xf32, #tpu.memory_space<vmem>>[vector<16xi32>], vector<16xf32>,
          %get3A_372 = arith.index_cast %scan3A_369 : i32 to index
          %get3A_373 = arith.constant 0 : index
          %get3A_374 = tpu.vector_load %arg18[%get3A_372, %get3A_373] {strides = array<i32>} : memref<128x128xf32, #tpu.memory_space<vmem>>, vector<16xf32>,
          %mul3A_375 = arith.mulf %get3A_374, %gather3A : vector<16xf32>
          %swap3A_376 = arith.index_cast %scan3A_369 : i32 to index
          %swap3A_377 = arith.constant 0 : index
          %swap3A_378 = tpu.vector_load %arg18[%swap3A_376, %swap3A_377] {strides = array<i32>} : memref<128x128xf32, #tpu.memory_space<vmem>>, vector<16xf32>,
          tpu.vector_store %arg18[%swap3A_376, %swap3A_377], %mul3A_375 {strides = array<i32>} : memref<128x128xf32, #tpu.memory_space<vmem>>, vector<16xf32>,
          %get3A_379 = arith.index_cast %scan3A_369 : i32 to index
          %get3A_380 = arith.constant 16 : index
          %get3A_381 = tpu.vector_load %arg18[%get3A_379, %get3A_380] {strides = array<i32>} : memref<128x128xf32, #tpu.memory_space<vmem>>, vector<16xf32>,
          %mul3A_382 = arith.mulf %get3A_381, %gather3A : vector<16xf32>
          %swap3A_383 = arith.index_cast %scan3A_369 : i32 to index
          %swap3A_384 = arith.constant 16 : index
          %swap3A_385 = tpu.vector_load %arg18[%swap3A_383, %swap3A_384] {strides = array<i32>} : memref<128x128xf32, #tpu.memory_space<vmem>>, vector<16xf32>,
          tpu.vector_store %arg18[%swap3A_383, %swap3A_384], %mul3A_382 {strides = array<i32>} : memref<128x128xf32, #tpu.memory_space<vmem>>, vector<16xf32>,
          %get3A_386 = arith.index_cast %scan3A_369 : i32 to index
          %get3A_387 = arith.constant 32 : index
          %get3A_388 = tpu.vector_load %arg18[%get3A_386, %get3A_387] {strides = array<i32>} : memref<128x128xf32, #tpu.memory_space<vmem>>, vector<16xf32>,
          %mul3A_389 = arith.mulf %get3A_388, %gather3A : vector<16xf32>
          %swap3A_390 = arith.index_cast %scan3A_369 : i32 to index
          %swap3A_391 = arith.constant 32 : index
          %swap3A_392 = tpu.vector_load %arg18[%swap3A_390, %swap3A_391] {strides = array<i32>} : memref<128x128xf32, #tpu.memory_space<vmem>>, vector<16xf32>,
          tpu.vector_store %arg18[%swap3A_390, %swap3A_391], %mul3A_389 {strides = array<i32>} : memref<128x128xf32, #tpu.memory_space<vmem>>, vector<16xf32>,
          %get3A_393 = arith.index_cast %scan3A_369 : i32 to index
          %get3A_394 = arith.constant 48 : index
          %get3A_395 = tpu.vector_load %arg18[%get3A_393, %get3A_394] {strides = array<i32>} : memref<128x128xf32, #tpu.memory_space<vmem>>, vector<16xf32>,
          %mul3A_396 = arith.mulf %get3A_395, %gather3A : vector<16xf32>
          %swap3A_397 = arith.index_cast %scan3A_369 : i32 to index
          %swap3A_398 = arith.constant 48 : index
          %swap3A_399 = tpu.vector_load %arg18[%swap3A_397, %swap3A_398] {strides = array<i32>} : memref<128x128xf32, #tpu.memory_space<vmem>>, vector<16xf32>,
          tpu.vector_store %arg18[%swap3A_397, %swap3A_398], %mul3A_396 {strides = array<i32>} : memref<128x128xf32, #tpu.memory_space<vmem>>, vector<16xf32>,
          %get3A_400 = arith.index_cast %scan3A_369 : i32 to index
          %get3A_401 = arith.constant 64 : index
          %get3A_402 = tpu.vector_load %arg18[%get3A_400, %get3A_401] {strides = array<i32>} : memref<128x128xf32, #tpu.memory_space<vmem>>, vector<16xf32>,
          %mul3A_403 = arith.mulf %get3A_402, %gather3A : vector<16xf32>
          %swap3A_404 = arith.index_cast %scan3A_369 : i32 to index
          %swap3A_405 = arith.constant 64 : index
          %swap3A_406 = tpu.vector_load %arg18[%swap3A_404, %swap3A_405] {strides = array<i32>} : memref<128x128xf32, #tpu.memory_space<vmem>>, vector<16xf32>,
          tpu.vector_store %arg18[%swap3A_404, %swap3A_405], %mul3A_403 {strides = array<i32>} : memref<128x128xf32, #tpu.memory_space<vmem>>, vector<16xf32>,
          %get3A_407 = arith.index_cast %scan3A_369 : i32 to index
          %get3A_408 = arith.constant 80 : index
          %get3A_409 = tpu.vector_load %arg18[%get3A_407, %get3A_408] {strides = array<i32>} : memref<128x128xf32, #tpu.memory_space<vmem>>, vector<16xf32>,
          %mul3A_410 = arith.mulf %get3A_409, %gather3A : vector<16xf32>
          %swap3A_411 = arith.index_cast %scan3A_369 : i32 to index
          %swap3A_412 = arith.constant 80 : index
          %swap3A_413 = tpu.vector_load %arg18[%swap3A_411, %swap3A_412] {strides = array<i32>} : memref<128x128xf32, #tpu.memory_space<vmem>>, vector<16xf32>,
          tpu.vector_store %arg18[%swap3A_411, %swap3A_412], %mul3A_410 {strides = array<i32>} : memref<128x128xf32, #tpu.memory_space<vmem>>, vector<16xf32>,
          %get3A_414 = arith.index_cast %scan3A_369 : i32 to index
          %get3A_415 = arith.constant 96 : index
          %get3A_416 = tpu.vector_load %arg18[%get3A_414, %get3A_415] {strides = array<i32>} : memref<128x128xf32, #tpu.memory_space<vmem>>, vector<16xf32>,
          %mul3A_417 = arith.mulf %get3A_416, %gather3A : vector<16xf32>
          %swap3A_418 = arith.index_cast %scan3A_369 : i32 to index
          %swap3A_419 = arith.constant 96 : index
          %swap3A_420 = tpu.vector_load %arg18[%swap3A_418, %swap3A_419] {strides = array<i32>} : memref<128x128xf32, #tpu.memory_space<vmem>>, vector<16xf32>,
          tpu.vector_store %arg18[%swap3A_418, %swap3A_419], %mul3A_417 {strides = array<i32>} : memref<128x128xf32, #tpu.memory_space<vmem>>, vector<16xf32>,
          %get3A_421 = arith.index_cast %scan3A_369 : i32 to index
          %get3A_422 = arith.constant 112 : index
          %get3A_423 = tpu.vector_load %arg18[%get3A_421, %get3A_422] {strides = array<i32>} : memref<128x128xf32, #tpu.memory_space<vmem>>, vector<16xf32>,
          %mul3A_424 = arith.mulf %get3A_423, %gather3A : vector<16xf32>
          %swap3A_425 = arith.index_cast %scan3A_369 : i32 to index
          %swap3A_426 = arith.constant 112 : index
          %swap3A_427 = tpu.vector_load %arg18[%swap3A_425, %swap3A_426] {strides = array<i32>} : memref<128x128xf32, #tpu.memory_space<vmem>>, vector<16xf32>,
          tpu.vector_store %arg18[%swap3A_425, %swap3A_426], %mul3A_424 {strides = array<i32>} : memref<128x128xf32, #tpu.memory_space<vmem>>, vector<16xf32>,
          %scan3A_428 = arith.constant 0 : i32
          scf.yield %scan3A_428 : i32
        }
        %scan3A_217 = arith.constant 128 : i32
        %dma_start3A_218 = arith.constant 0 : i32
        %dma_start3A_219 = arith.constant 0 : i32
        %dma_start3A_220 = tpu.memref_slice %arg8[%dma_start3A_218, %dma_start3A_219] : memref<10240x128xf32, #tpu.memory_space<vmem_shared>> -> memref<10240x128xf32, #tpu.memory_space<vmem_shared>>
        tpu.enqueue_indirect_dma source(%arg18 : memref<128x128xf32, #tpu.memory_space<vmem>>) target(%dma_start3A_220 : memref<10240x128xf32, #tpu.memory_space<vmem_shared>>) offsets(%arg14 : memref<128xi32, #tpu.memory_space<vmem>>) semaphore(%arg22 : memref<!tpu.dma_semaphore, #tpu.memory_space<semaphore_mem>>) {add = true}
        %dma_wait3A_221 = arith.constant 0 : i32
        %dma_wait3A_222 = tpu.memref_slice %arg13[%dma_wait3A_221] : memref<1024xi32, #tpu.memory_space<vmem>> -> memref<128xi32, #tpu.memory_space<vmem>>
        %dma_wait3A_223 = arith.constant 0 : i32
        %dma_wait3A_224 = arith.constant 0 : i32
        %dma_wait3A_225 = tpu.memref_slice %arg5[%dma_wait3A_223, %dma_wait3A_224] : memref<70000x128xf32, #tpu.memory_space<hbm>> -> memref<70000x128xf32, #tpu.memory_space<hbm>>
        tpu.wait_indirect_dma semaphore(%arg23 : memref<!tpu.dma_semaphore, #tpu.memory_space<semaphore_mem>>) src(%dma_wait3A_225 : memref<70000x128xf32, #tpu.memory_space<hbm>>) dst(%arg19 : memref<128x128xf32, #tpu.memory_space<vmem>>)
        %dma_wait3A_226 = arith.constant 0 : i32
        %dma_wait3A_227 = tpu.memref_slice %arg12[%dma_wait3A_226] : memref<1024xi32, #tpu.memory_space<vmem>> -> memref<128xi32, #tpu.memory_space<vmem>>
        %dma_wait3A_228 = arith.constant 0 : i32
        %dma_wait3A_229 = tpu.memref_slice %arg6[%dma_wait3A_228] : memref<71680xf32, #tpu.memory_space<hbm>> -> memref<71680xf32, #tpu.memory_space<hbm>>
        tpu.wait_indirect_dma semaphore(%arg24 : memref<!tpu.dma_semaphore, #tpu.memory_space<semaphore_mem>>) src(%dma_wait3A_229 : memref<71680xf32, #tpu.memory_space<hbm>>) dst(%arg17 : memref<128xf32, #tpu.memory_space<vmem>>)
        %scan3A_230 = arith.constant 0 : i32
        %scan3A_231 = arith.constant 0 : i32
        %scan3A_232 = arith.constant 128 : i32
        %scan3A_233 = arith.addi %scan3A_231, %scan3A_232 : i32
        %scan3A_234 = arith.constant 1 : i32
        %scan3A_235 = scf.for %scan3A_369 = %scan3A_231 to %scan3A_233 step %scan3A_234 iter_args(%scan3A_370 = %scan3A_230) -> (i32)  : i32 {
          %broadcast_in_dim3A_371 = vector.broadcast %scan3A_369 : i32 to vector<16xi32>
          %gather3A = tpu.vector_load_idx %arg17[%broadcast_in_dim3A_371] : memref<128xf32, #tpu.memory_space<vmem>>[vector<16xi32>], vector<16xf32>,
          %get3A_372 = arith.index_cast %scan3A_369 : i32 to index
          %get3A_373 = arith.constant 0 : index
          %get3A_374 = tpu.vector_load %arg19[%get3A_372, %get3A_373] {strides = array<i32>} : memref<128x128xf32, #tpu.memory_space<vmem>>, vector<16xf32>,
          %mul3A_375 = arith.mulf %get3A_374, %gather3A : vector<16xf32>
          %swap3A_376 = arith.index_cast %scan3A_369 : i32 to index
          %swap3A_377 = arith.constant 0 : index
          %swap3A_378 = tpu.vector_load %arg19[%swap3A_376, %swap3A_377] {strides = array<i32>} : memref<128x128xf32, #tpu.memory_space<vmem>>, vector<16xf32>,
          tpu.vector_store %arg19[%swap3A_376, %swap3A_377], %mul3A_375 {strides = array<i32>} : memref<128x128xf32, #tpu.memory_space<vmem>>, vector<16xf32>,
          %get3A_379 = arith.index_cast %scan3A_369 : i32 to index
          %get3A_380 = arith.constant 16 : index
          %get3A_381 = tpu.vector_load %arg19[%get3A_379, %get3A_380] {strides = array<i32>} : memref<128x128xf32, #tpu.memory_space<vmem>>, vector<16xf32>,
          %mul3A_382 = arith.mulf %get3A_381, %gather3A : vector<16xf32>
          %swap3A_383 = arith.index_cast %scan3A_369 : i32 to index
          %swap3A_384 = arith.constant 16 : index
          %swap3A_385 = tpu.vector_load %arg19[%swap3A_383, %swap3A_384] {strides = array<i32>} : memref<128x128xf32, #tpu.memory_space<vmem>>, vector<16xf32>,
          tpu.vector_store %arg19[%swap3A_383, %swap3A_384], %mul3A_382 {strides = array<i32>} : memref<128x128xf32, #tpu.memory_space<vmem>>, vector<16xf32>,
          %get3A_386 = arith.index_cast %scan3A_369 : i32 to index
          %get3A_387 = arith.constant 32 : index
          %get3A_388 = tpu.vector_load %arg19[%get3A_386, %get3A_387] {strides = array<i32>} : memref<128x128xf32, #tpu.memory_space<vmem>>, vector<16xf32>,
          %mul3A_389 = arith.mulf %get3A_388, %gather3A : vector<16xf32>
          %swap3A_390 = arith.index_cast %scan3A_369 : i32 to index
          %swap3A_391 = arith.constant 32 : index
          %swap3A_392 = tpu.vector_load %arg19[%swap3A_390, %swap3A_391] {strides = array<i32>} : memref<128x128xf32, #tpu.memory_space<vmem>>, vector<16xf32>,
          tpu.vector_store %arg19[%swap3A_390, %swap3A_391], %mul3A_389 {strides = array<i32>} : memref<128x128xf32, #tpu.memory_space<vmem>>, vector<16xf32>,
          %get3A_393 = arith.index_cast %scan3A_369 : i32 to index
          %get3A_394 = arith.constant 48 : index
          %get3A_395 = tpu.vector_load %arg19[%get3A_393, %get3A_394] {strides = array<i32>} : memref<128x128xf32, #tpu.memory_space<vmem>>, vector<16xf32>,
          %mul3A_396 = arith.mulf %get3A_395, %gather3A : vector<16xf32>
          %swap3A_397 = arith.index_cast %scan3A_369 : i32 to index
          %swap3A_398 = arith.constant 48 : index
          %swap3A_399 = tpu.vector_load %arg19[%swap3A_397, %swap3A_398] {strides = array<i32>} : memref<128x128xf32, #tpu.memory_space<vmem>>, vector<16xf32>,
          tpu.vector_store %arg19[%swap3A_397, %swap3A_398], %mul3A_396 {strides = array<i32>} : memref<128x128xf32, #tpu.memory_space<vmem>>, vector<16xf32>,
          %get3A_400 = arith.index_cast %scan3A_369 : i32 to index
          %get3A_401 = arith.constant 64 : index
          %get3A_402 = tpu.vector_load %arg19[%get3A_400, %get3A_401] {strides = array<i32>} : memref<128x128xf32, #tpu.memory_space<vmem>>, vector<16xf32>,
          %mul3A_403 = arith.mulf %get3A_402, %gather3A : vector<16xf32>
          %swap3A_404 = arith.index_cast %scan3A_369 : i32 to index
          %swap3A_405 = arith.constant 64 : index
          %swap3A_406 = tpu.vector_load %arg19[%swap3A_404, %swap3A_405] {strides = array<i32>} : memref<128x128xf32, #tpu.memory_space<vmem>>, vector<16xf32>,
          tpu.vector_store %arg19[%swap3A_404, %swap3A_405], %mul3A_403 {strides = array<i32>} : memref<128x128xf32, #tpu.memory_space<vmem>>, vector<16xf32>,
          %get3A_407 = arith.index_cast %scan3A_369 : i32 to index
          %get3A_408 = arith.constant 80 : index
          %get3A_409 = tpu.vector_load %arg19[%get3A_407, %get3A_408] {strides = array<i32>} : memref<128x128xf32, #tpu.memory_space<vmem>>, vector<16xf32>,
          %mul3A_410 = arith.mulf %get3A_409, %gather3A : vector<16xf32>
          %swap3A_411 = arith.index_cast %scan3A_369 : i32 to index
          %swap3A_412 = arith.constant 80 : index
          %swap3A_413 = tpu.vector_load %arg19[%swap3A_411, %swap3A_412] {strides = array<i32>} : memref<128x128xf32, #tpu.memory_space<vmem>>, vector<16xf32>,
          tpu.vector_store %arg19[%swap3A_411, %swap3A_412], %mul3A_410 {strides = array<i32>} : memref<128x128xf32, #tpu.memory_space<vmem>>, vector<16xf32>,
          %get3A_414 = arith.index_cast %scan3A_369 : i32 to index
          %get3A_415 = arith.constant 96 : index
          %get3A_416 = tpu.vector_load %arg19[%get3A_414, %get3A_415] {strides = array<i32>} : memref<128x128xf32, #tpu.memory_space<vmem>>, vector<16xf32>,
          %mul3A_417 = arith.mulf %get3A_416, %gather3A : vector<16xf32>
          %swap3A_418 = arith.index_cast %scan3A_369 : i32 to index
          %swap3A_419 = arith.constant 96 : index
          %swap3A_420 = tpu.vector_load %arg19[%swap3A_418, %swap3A_419] {strides = array<i32>} : memref<128x128xf32, #tpu.memory_space<vmem>>, vector<16xf32>,
          tpu.vector_store %arg19[%swap3A_418, %swap3A_419], %mul3A_417 {strides = array<i32>} : memref<128x128xf32, #tpu.memory_space<vmem>>, vector<16xf32>,
          %get3A_421 = arith.index_cast %scan3A_369 : i32 to index
          %get3A_422 = arith.constant 112 : index
          %get3A_423 = tpu.vector_load %arg19[%get3A_421, %get3A_422] {strides = array<i32>} : memref<128x128xf32, #tpu.memory_space<vmem>>, vector<16xf32>,
          %mul3A_424 = arith.mulf %get3A_423, %gather3A : vector<16xf32>
          %swap3A_425 = arith.index_cast %scan3A_369 : i32 to index
          %swap3A_426 = arith.constant 112 : index
          %swap3A_427 = tpu.vector_load %arg19[%swap3A_425, %swap3A_426] {strides = array<i32>} : memref<128x128xf32, #tpu.memory_space<vmem>>, vector<16xf32>,
          tpu.vector_store %arg19[%swap3A_425, %swap3A_426], %mul3A_424 {strides = array<i32>} : memref<128x128xf32, #tpu.memory_space<vmem>>, vector<16xf32>,
          %scan3A_428 = arith.constant 0 : i32
          scf.yield %scan3A_428 : i32
        }
        %scan3A_236 = arith.constant 128 : i32
        %dma_start3A_237 = arith.constant 0 : i32
        %dma_start3A_238 = arith.constant 0 : i32
        %dma_start3A_239 = tpu.memref_slice %arg8[%dma_start3A_237, %dma_start3A_238] : memref<10240x128xf32, #tpu.memory_space<vmem_shared>> -> memref<10240x128xf32, #tpu.memory_space<vmem_shared>>
        tpu.enqueue_indirect_dma source(%arg19 : memref<128x128xf32, #tpu.memory_space<vmem>>) target(%dma_start3A_239 : memref<10240x128xf32, #tpu.memory_space<vmem_shared>>) offsets(%arg15 : memref<128xi32, #tpu.memory_space<vmem>>) semaphore(%arg25 : memref<!tpu.dma_semaphore, #tpu.memory_space<semaphore_mem>>) {add = true}
        %dma_wait3A_240 = arith.constant 0 : i32
        %dma_wait3A_241 = arith.constant 0 : i32
        %dma_wait3A_242 = tpu.memref_slice %arg8[%dma_wait3A_240, %dma_wait3A_241] : memref<10240x128xf32, #tpu.memory_space<vmem_shared>> -> memref<10240x128xf32, #tpu.memory_space<vmem_shared>>
        tpu.wait_indirect_dma semaphore(%arg22 : memref<!tpu.dma_semaphore, #tpu.memory_space<semaphore_mem>>) src(%arg18 : memref<128x128xf32, #tpu.memory_space<vmem>>) dst(%dma_wait3A_242 : memref<10240x128xf32, #tpu.memory_space<vmem_shared>>)
        %mul3A_243 = arith.constant 2 : i32
        %mul3A_244 = arith.muli %mul3A_243, %scan3A_200 : i32
        %add3A_245 = arith.constant 2 : i32
        %add3A_246 = arith.addi %mul3A_244, %add3A_245 : i32
        %mul3A_247 = arith.constant 128 : i32
        %mul3A_248 = arith.muli %add3A_246, %mul3A_247 : i32
        %dma_start3A_249 = tpu.memref_slice %arg13[%mul3A_248] : memref<1024xi32, #tpu.memory_space<vmem>> -> memref<128xi32, #tpu.memory_space<vmem>>
        %dma_start3A_250 = arith.constant 0 : i32
        %dma_start3A_251 = arith.constant 0 : i32
        %dma_start3A_252 = tpu.memref_slice %arg5[%dma_start3A_250, %dma_start3A_251] : memref<70000x128xf32, #tpu.memory_space<hbm>> -> memref<70000x128xf32, #tpu.memory_space<hbm>>
        tpu.enqueue_indirect_dma source(%dma_start3A_252 : memref<70000x128xf32, #tpu.memory_space<hbm>>) target(%arg18 : memref<128x128xf32, #tpu.memory_space<vmem>>) offsets(%dma_start3A_249 : memref<128xi32, #tpu.memory_space<vmem>>) semaphore(%arg20 : memref<!tpu.dma_semaphore, #tpu.memory_space<semaphore_mem>>)
        %dma_start3A_253 = tpu.memref_slice %arg12[%mul3A_248] : memref<1024xi32, #tpu.memory_space<vmem>> -> memref<128xi32, #tpu.memory_space<vmem>>
        %dma_start3A_254 = arith.constant 0 : i32
        %dma_start3A_255 = tpu.memref_slice %arg6[%dma_start3A_254] : memref<71680xf32, #tpu.memory_space<hbm>> -> memref<71680xf32, #tpu.memory_space<hbm>>
        tpu.enqueue_indirect_dma source(%dma_start3A_255 : memref<71680xf32, #tpu.memory_space<hbm>>) target(%arg16 : memref<128xf32, #tpu.memory_space<vmem>>) offsets(%dma_start3A_253 : memref<128xi32, #tpu.memory_space<vmem>>) semaphore(%arg21 : memref<!tpu.dma_semaphore, #tpu.memory_space<semaphore_mem>>)
        %add3A_256 = arith.constant 0 : i32
        %add3A_257 = arith.addi %mul3A_248, %add3A_256 : i32
        %get3A_258 = arith.index_cast %add3A_257 : i32 to index
        %get3A_259 = tpu.vector_load %arg9[%get3A_258] {strides = array<i32>} : memref<1024xi32, #tpu.memory_space<vmem>>, vector<16xi32>,
        %swap3A_260 = arith.constant 0 : index
        %swap3A_261 = tpu.vector_load %arg14[%swap3A_260] {strides = array<i32>} : memref<128xi32, #tpu.memory_space<vmem>>, vector<16xi32>,
        tpu.vector_store %arg14[%swap3A_260], %get3A_259 {strides = array<i32>} : memref<128xi32, #tpu.memory_space<vmem>>, vector<16xi32>,
        %add3A_262 = arith.constant 16 : i32
        %add3A_263 = arith.addi %mul3A_248, %add3A_262 : i32
        %get3A_264 = arith.index_cast %add3A_263 : i32 to index
        %get3A_265 = tpu.vector_load %arg9[%get3A_264] {strides = array<i32>} : memref<1024xi32, #tpu.memory_space<vmem>>, vector<16xi32>,
        %swap3A_266 = arith.constant 16 : index
        %swap3A_267 = tpu.vector_load %arg14[%swap3A_266] {strides = array<i32>} : memref<128xi32, #tpu.memory_space<vmem>>, vector<16xi32>,
        tpu.vector_store %arg14[%swap3A_266], %get3A_265 {strides = array<i32>} : memref<128xi32, #tpu.memory_space<vmem>>, vector<16xi32>,
        %add3A_268 = arith.constant 32 : i32
        %add3A_269 = arith.addi %mul3A_248, %add3A_268 : i32
        %get3A_270 = arith.index_cast %add3A_269 : i32 to index
        %get3A_271 = tpu.vector_load %arg9[%get3A_270] {strides = array<i32>} : memref<1024xi32, #tpu.memory_space<vmem>>, vector<16xi32>,
        %swap3A_272 = arith.constant 32 : index
        %swap3A_273 = tpu.vector_load %arg14[%swap3A_272] {strides = array<i32>} : memref<128xi32, #tpu.memory_space<vmem>>, vector<16xi32>,
        tpu.vector_store %arg14[%swap3A_272], %get3A_271 {strides = array<i32>} : memref<128xi32, #tpu.memory_space<vmem>>, vector<16xi32>,
        %add3A_274 = arith.constant 48 : i32
        %add3A_275 = arith.addi %mul3A_248, %add3A_274 : i32
        %get3A_276 = arith.index_cast %add3A_275 : i32 to index
        %get3A_277 = tpu.vector_load %arg9[%get3A_276] {strides = array<i32>} : memref<1024xi32, #tpu.memory_space<vmem>>, vector<16xi32>,
        %swap3A_278 = arith.constant 48 : index
        %swap3A_279 = tpu.vector_load %arg14[%swap3A_278] {strides = array<i32>} : memref<128xi32, #tpu.memory_space<vmem>>, vector<16xi32>,
        tpu.vector_store %arg14[%swap3A_278], %get3A_277 {strides = array<i32>} : memref<128xi32, #tpu.memory_space<vmem>>, vector<16xi32>,
        %add3A_280 = arith.constant 64 : i32
        %add3A_281 = arith.addi %mul3A_248, %add3A_280 : i32
        %get3A_282 = arith.index_cast %add3A_281 : i32 to index
        %get3A_283 = tpu.vector_load %arg9[%get3A_282] {strides = array<i32>} : memref<1024xi32, #tpu.memory_space<vmem>>, vector<16xi32>,
        %swap3A_284 = arith.constant 64 : index
        %swap3A_285 = tpu.vector_load %arg14[%swap3A_284] {strides = array<i32>} : memref<128xi32, #tpu.memory_space<vmem>>, vector<16xi32>,
        tpu.vector_store %arg14[%swap3A_284], %get3A_283 {strides = array<i32>} : memref<128xi32, #tpu.memory_space<vmem>>, vector<16xi32>,
        %add3A_286 = arith.constant 80 : i32
        %add3A_287 = arith.addi %mul3A_248, %add3A_286 : i32
        %get3A_288 = arith.index_cast %add3A_287 : i32 to index
        %get3A_289 = tpu.vector_load %arg9[%get3A_288] {strides = array<i32>} : memref<1024xi32, #tpu.memory_space<vmem>>, vector<16xi32>,
        %swap3A_290 = arith.constant 80 : index
        %swap3A_291 = tpu.vector_load %arg14[%swap3A_290] {strides = array<i32>} : memref<128xi32, #tpu.memory_space<vmem>>, vector<16xi32>,
        tpu.vector_store %arg14[%swap3A_290], %get3A_289 {strides = array<i32>} : memref<128xi32, #tpu.memory_space<vmem>>, vector<16xi32>,
        %add3A_292 = arith.constant 96 : i32
        %add3A_293 = arith.addi %mul3A_248, %add3A_292 : i32
        %get3A_294 = arith.index_cast %add3A_293 : i32 to index
        %get3A_295 = tpu.vector_load %arg9[%get3A_294] {strides = array<i32>} : memref<1024xi32, #tpu.memory_space<vmem>>, vector<16xi32>,
        %swap3A_296 = arith.constant 96 : index
        %swap3A_297 = tpu.vector_load %arg14[%swap3A_296] {strides = array<i32>} : memref<128xi32, #tpu.memory_space<vmem>>, vector<16xi32>,
        tpu.vector_store %arg14[%swap3A_296], %get3A_295 {strides = array<i32>} : memref<128xi32, #tpu.memory_space<vmem>>, vector<16xi32>,
        %add3A_298 = arith.constant 112 : i32
        %add3A_299 = arith.addi %mul3A_248, %add3A_298 : i32
        %get3A_300 = arith.index_cast %add3A_299 : i32 to index
        %get3A_301 = tpu.vector_load %arg9[%get3A_300] {strides = array<i32>} : memref<1024xi32, #tpu.memory_space<vmem>>, vector<16xi32>,
        %swap3A_302 = arith.constant 112 : index
        %swap3A_303 = tpu.vector_load %arg14[%swap3A_302] {strides = array<i32>} : memref<128xi32, #tpu.memory_space<vmem>>, vector<16xi32>,
        tpu.vector_store %arg14[%swap3A_302], %get3A_301 {strides = array<i32>} : memref<128xi32, #tpu.memory_space<vmem>>, vector<16xi32>,
        %dma_wait3A_304 = arith.constant 0 : i32
        %dma_wait3A_305 = arith.constant 0 : i32
        %dma_wait3A_306 = tpu.memref_slice %arg8[%dma_wait3A_304, %dma_wait3A_305] : memref<10240x128xf32, #tpu.memory_space<vmem_shared>> -> memref<10240x128xf32, #tpu.memory_space<vmem_shared>>
        tpu.wait_indirect_dma semaphore(%arg25 : memref<!tpu.dma_semaphore, #tpu.memory_space<semaphore_mem>>) src(%arg19 : memref<128x128xf32, #tpu.memory_space<vmem>>) dst(%dma_wait3A_306 : memref<10240x128xf32, #tpu.memory_space<vmem_shared>>)
        %mul3A_307 = arith.constant 2 : i32
        %mul3A_308 = arith.muli %mul3A_307, %scan3A_200 : i32
        %add3A_309 = arith.constant 3 : i32
        %add3A_310 = arith.addi %mul3A_308, %add3A_309 : i32
        %mul3A_311 = arith.constant 128 : i32
        %mul3A_312 = arith.muli %add3A_310, %mul3A_311 : i32
        %dma_start3A_313 = tpu.memref_slice %arg13[%mul3A_312] : memref<1024xi32, #tpu.memory_space<vmem>> -> memref<128xi32, #tpu.memory_space<vmem>>
        %dma_start3A_314 = arith.constant 0 : i32
        %dma_start3A_315 = arith.constant 0 : i32
        %dma_start3A_316 = tpu.memref_slice %arg5[%dma_start3A_314, %dma_start3A_315] : memref<70000x128xf32, #tpu.memory_space<hbm>> -> memref<70000x128xf32, #tpu.memory_space<hbm>>
        tpu.enqueue_indirect_dma source(%dma_start3A_316 : memref<70000x128xf32, #tpu.memory_space<hbm>>) target(%arg19 : memref<128x128xf32, #tpu.memory_space<vmem>>) offsets(%dma_start3A_313 : memref<128xi32, #tpu.memory_space<vmem>>) semaphore(%arg23 : memref<!tpu.dma_semaphore, #tpu.memory_space<semaphore_mem>>)
        %dma_start3A_317 = tpu.memref_slice %arg12[%mul3A_312] : memref<1024xi32, #tpu.memory_space<vmem>> -> memref<128xi32, #tpu.memory_space<vmem>>
        %dma_start3A_318 = arith.constant 0 : i32
        %dma_start3A_319 = tpu.memref_slice %arg6[%dma_start3A_318] : memref<71680xf32, #tpu.memory_space<hbm>> -> memref<71680xf32, #tpu.memory_space<hbm>>
        tpu.enqueue_indirect_dma source(%dma_start3A_319 : memref<71680xf32, #tpu.memory_space<hbm>>) target(%arg17 : memref<128xf32, #tpu.memory_space<vmem>>) offsets(%dma_start3A_317 : memref<128xi32, #tpu.memory_space<vmem>>) semaphore(%arg24 : memref<!tpu.dma_semaphore, #tpu.memory_space<semaphore_mem>>)
        %add3A_320 = arith.constant 0 : i32
        %add3A_321 = arith.addi %mul3A_312, %add3A_320 : i32
        %get3A_322 = arith.index_cast %add3A_321 : i32 to index
        %get3A_323 = tpu.vector_load %arg9[%get3A_322] {strides = array<i32>} : memref<1024xi32, #tpu.memory_space<vmem>>, vector<16xi32>,
        %swap3A_324 = arith.constant 0 : index
        %swap3A_325 = tpu.vector_load %arg15[%swap3A_324] {strides = array<i32>} : memref<128xi32, #tpu.memory_space<vmem>>, vector<16xi32>,
        tpu.vector_store %arg15[%swap3A_324], %get3A_323 {strides = array<i32>} : memref<128xi32, #tpu.memory_space<vmem>>, vector<16xi32>,
        %add3A_326 = arith.constant 16 : i32
        %add3A_327 = arith.addi %mul3A_312, %add3A_326 : i32
        %get3A_328 = arith.index_cast %add3A_327 : i32 to index
        %get3A_329 = tpu.vector_load %arg9[%get3A_328] {strides = array<i32>} : memref<1024xi32, #tpu.memory_space<vmem>>, vector<16xi32>,
        %swap3A_330 = arith.constant 16 : index
        %swap3A_331 = tpu.vector_load %arg15[%swap3A_330] {strides = array<i32>} : memref<128xi32, #tpu.memory_space<vmem>>, vector<16xi32>,
        tpu.vector_store %arg15[%swap3A_330], %get3A_329 {strides = array<i32>} : memref<128xi32, #tpu.memory_space<vmem>>, vector<16xi32>,
        %add3A_332 = arith.constant 32 : i32
        %add3A_333 = arith.addi %mul3A_312, %add3A_332 : i32
        %get3A_334 = arith.index_cast %add3A_333 : i32 to index
        %get3A_335 = tpu.vector_load %arg9[%get3A_334] {strides = array<i32>} : memref<1024xi32, #tpu.memory_space<vmem>>, vector<16xi32>,
        %swap3A_336 = arith.constant 32 : index
        %swap3A_337 = tpu.vector_load %arg15[%swap3A_336] {strides = array<i32>} : memref<128xi32, #tpu.memory_space<vmem>>, vector<16xi32>,
        tpu.vector_store %arg15[%swap3A_336], %get3A_335 {strides = array<i32>} : memref<128xi32, #tpu.memory_space<vmem>>, vector<16xi32>,
        %add3A_338 = arith.constant 48 : i32
        %add3A_339 = arith.addi %mul3A_312, %add3A_338 : i32
        %get3A_340 = arith.index_cast %add3A_339 : i32 to index
        %get3A_341 = tpu.vector_load %arg9[%get3A_340] {strides = array<i32>} : memref<1024xi32, #tpu.memory_space<vmem>>, vector<16xi32>,
        %swap3A_342 = arith.constant 48 : index
        %swap3A_343 = tpu.vector_load %arg15[%swap3A_342] {strides = array<i32>} : memref<128xi32, #tpu.memory_space<vmem>>, vector<16xi32>,
        tpu.vector_store %arg15[%swap3A_342], %get3A_341 {strides = array<i32>} : memref<128xi32, #tpu.memory_space<vmem>>, vector<16xi32>,
        %add3A_344 = arith.constant 64 : i32
        %add3A_345 = arith.addi %mul3A_312, %add3A_344 : i32
        %get3A_346 = arith.index_cast %add3A_345 : i32 to index
        %get3A_347 = tpu.vector_load %arg9[%get3A_346] {strides = array<i32>} : memref<1024xi32, #tpu.memory_space<vmem>>, vector<16xi32>,
        %swap3A_348 = arith.constant 64 : index
        %swap3A_349 = tpu.vector_load %arg15[%swap3A_348] {strides = array<i32>} : memref<128xi32, #tpu.memory_space<vmem>>, vector<16xi32>,
        tpu.vector_store %arg15[%swap3A_348], %get3A_347 {strides = array<i32>} : memref<128xi32, #tpu.memory_space<vmem>>, vector<16xi32>,
        %add3A_350 = arith.constant 80 : i32
        %add3A_351 = arith.addi %mul3A_312, %add3A_350 : i32
        %get3A_352 = arith.index_cast %add3A_351 : i32 to index
        %get3A_353 = tpu.vector_load %arg9[%get3A_352] {strides = array<i32>} : memref<1024xi32, #tpu.memory_space<vmem>>, vector<16xi32>,
        %swap3A_354 = arith.constant 80 : index
        %swap3A_355 = tpu.vector_load %arg15[%swap3A_354] {strides = array<i32>} : memref<128xi32, #tpu.memory_space<vmem>>, vector<16xi32>,
        tpu.vector_store %arg15[%swap3A_354], %get3A_353 {strides = array<i32>} : memref<128xi32, #tpu.memory_space<vmem>>, vector<16xi32>,
        %add3A_356 = arith.constant 96 : i32
        %add3A_357 = arith.addi %mul3A_312, %add3A_356 : i32
        %get3A_358 = arith.index_cast %add3A_357 : i32 to index
        %get3A_359 = tpu.vector_load %arg9[%get3A_358] {strides = array<i32>} : memref<1024xi32, #tpu.memory_space<vmem>>, vector<16xi32>,
        %swap3A_360 = arith.constant 96 : index
        %swap3A_361 = tpu.vector_load %arg15[%swap3A_360] {strides = array<i32>} : memref<128xi32, #tpu.memory_space<vmem>>, vector<16xi32>,
        tpu.vector_store %arg15[%swap3A_360], %get3A_359 {strides = array<i32>} : memref<128xi32, #tpu.memory_space<vmem>>, vector<16xi32>,
        %add3A_362 = arith.constant 112 : i32
        %add3A_363 = arith.addi %mul3A_312, %add3A_362 : i32
        %get3A_364 = arith.index_cast %add3A_363 : i32 to index
        %get3A_365 = tpu.vector_load %arg9[%get3A_364] {strides = array<i32>} : memref<1024xi32, #tpu.memory_space<vmem>>, vector<16xi32>,
        %swap3A_366 = arith.constant 112 : index
        %swap3A_367 = tpu.vector_load %arg15[%swap3A_366] {strides = array<i32>} : memref<128xi32, #tpu.memory_space<vmem>>, vector<16xi32>,
        tpu.vector_store %arg15[%swap3A_366], %get3A_365 {strides = array<i32>} : memref<128xi32, #tpu.memory_space<vmem>>, vector<16xi32>,
        %scan3A_368 = arith.constant 0 : i32
        scf.yield %scan3A_368 : i32
      }
      %scan3A_155 = arith.constant 3 : i32
      %dma_wait3A = arith.constant 0 : i32
      %dma_wait3A_156 = tpu.memref_slice %arg13[%dma_wait3A] : memref<1024xi32, #tpu.memory_space<vmem>> -> memref<128xi32, #tpu.memory_space<vmem>>
      %dma_wait3A_157 = arith.constant 0 : i32
      %dma_wait3A_158 = arith.constant 0 : i32
      %dma_wait3A_159 = tpu.memref_slice %arg5[%dma_wait3A_157, %dma_wait3A_158] : memref<70000x128xf32, #tpu.memory_space<hbm>> -> memref<70000x128xf32, #tpu.memory_space<hbm>>
      tpu.wait_indirect_dma semaphore(%arg20 : memref<!tpu.dma_semaphore, #tpu.memory_space<semaphore_mem>>) src(%dma_wait3A_159 : memref<70000x128xf32, #tpu.memory_space<hbm>>) dst(%arg18 : memref<128x128xf32, #tpu.memory_space<vmem>>)
      %dma_wait3A_160 = arith.constant 0 : i32
      %dma_wait3A_161 = tpu.memref_slice %arg12[%dma_wait3A_160] : memref<1024xi32, #tpu.memory_space<vmem>> -> memref<128xi32, #tpu.memory_space<vmem>>
      %dma_wait3A_162 = arith.constant 0 : i32
      %dma_wait3A_163 = tpu.memref_slice %arg6[%dma_wait3A_162] : memref<71680xf32, #tpu.memory_space<hbm>> -> memref<71680xf32, #tpu.memory_space<hbm>>
      tpu.wait_indirect_dma semaphore(%arg21 : memref<!tpu.dma_semaphore, #tpu.memory_space<semaphore_mem>>) src(%dma_wait3A_163 : memref<71680xf32, #tpu.memory_space<hbm>>) dst(%arg16 : memref<128xf32, #tpu.memory_space<vmem>>)
      %scan3A_164 = arith.constant 0 : i32
      %scan3A_165 = arith.constant 0 : i32
      %scan3A_166 = arith.constant 128 : i32
      %scan3A_167 = arith.addi %scan3A_165, %scan3A_166 : i32
      %scan3A_168 = arith.constant 1 : i32
      %scan3A_169 = scf.for %scan3A_200 = %scan3A_165 to %scan3A_167 step %scan3A_168 iter_args(%scan3A_201 = %scan3A_164) -> (i32)  : i32 {
        %broadcast_in_dim3A_202 = vector.broadcast %scan3A_200 : i32 to vector<16xi32>
        %gather3A = tpu.vector_load_idx %arg16[%broadcast_in_dim3A_202] : memref<128xf32, #tpu.memory_space<vmem>>[vector<16xi32>], vector<16xf32>,
        %get3A_203 = arith.index_cast %scan3A_200 : i32 to index
        %get3A_204 = arith.constant 0 : index
        %get3A_205 = tpu.vector_load %arg18[%get3A_203, %get3A_204] {strides = array<i32>} : memref<128x128xf32, #tpu.memory_space<vmem>>, vector<16xf32>,
        %mul3A_206 = arith.mulf %get3A_205, %gather3A : vector<16xf32>
        %swap3A_207 = arith.index_cast %scan3A_200 : i32 to index
        %swap3A_208 = arith.constant 0 : index
        %swap3A_209 = tpu.vector_load %arg18[%swap3A_207, %swap3A_208] {strides = array<i32>} : memref<128x128xf32, #tpu.memory_space<vmem>>, vector<16xf32>,
        tpu.vector_store %arg18[%swap3A_207, %swap3A_208], %mul3A_206 {strides = array<i32>} : memref<128x128xf32, #tpu.memory_space<vmem>>, vector<16xf32>,
        %get3A_210 = arith.index_cast %scan3A_200 : i32 to index
        %get3A_211 = arith.constant 16 : index
        %get3A_212 = tpu.vector_load %arg18[%get3A_210, %get3A_211] {strides = array<i32>} : memref<128x128xf32, #tpu.memory_space<vmem>>, vector<16xf32>,
        %mul3A_213 = arith.mulf %get3A_212, %gather3A : vector<16xf32>
        %swap3A_214 = arith.index_cast %scan3A_200 : i32 to index
        %swap3A_215 = arith.constant 16 : index
        %swap3A_216 = tpu.vector_load %arg18[%swap3A_214, %swap3A_215] {strides = array<i32>} : memref<128x128xf32, #tpu.memory_space<vmem>>, vector<16xf32>,
        tpu.vector_store %arg18[%swap3A_214, %swap3A_215], %mul3A_213 {strides = array<i32>} : memref<128x128xf32, #tpu.memory_space<vmem>>, vector<16xf32>,
        %get3A_217 = arith.index_cast %scan3A_200 : i32 to index
        %get3A_218 = arith.constant 32 : index
        %get3A_219 = tpu.vector_load %arg18[%get3A_217, %get3A_218] {strides = array<i32>} : memref<128x128xf32, #tpu.memory_space<vmem>>, vector<16xf32>,
        %mul3A_220 = arith.mulf %get3A_219, %gather3A : vector<16xf32>
        %swap3A_221 = arith.index_cast %scan3A_200 : i32 to index
        %swap3A_222 = arith.constant 32 : index
        %swap3A_223 = tpu.vector_load %arg18[%swap3A_221, %swap3A_222] {strides = array<i32>} : memref<128x128xf32, #tpu.memory_space<vmem>>, vector<16xf32>,
        tpu.vector_store %arg18[%swap3A_221, %swap3A_222], %mul3A_220 {strides = array<i32>} : memref<128x128xf32, #tpu.memory_space<vmem>>, vector<16xf32>,
        %get3A_224 = arith.index_cast %scan3A_200 : i32 to index
        %get3A_225 = arith.constant 48 : index
        %get3A_226 = tpu.vector_load %arg18[%get3A_224, %get3A_225] {strides = array<i32>} : memref<128x128xf32, #tpu.memory_space<vmem>>, vector<16xf32>,
        %mul3A_227 = arith.mulf %get3A_226, %gather3A : vector<16xf32>
        %swap3A_228 = arith.index_cast %scan3A_200 : i32 to index
        %swap3A_229 = arith.constant 48 : index
        %swap3A_230 = tpu.vector_load %arg18[%swap3A_228, %swap3A_229] {strides = array<i32>} : memref<128x128xf32, #tpu.memory_space<vmem>>, vector<16xf32>,
        tpu.vector_store %arg18[%swap3A_228, %swap3A_229], %mul3A_227 {strides = array<i32>} : memref<128x128xf32, #tpu.memory_space<vmem>>, vector<16xf32>,
        %get3A_231 = arith.index_cast %scan3A_200 : i32 to index
        %get3A_232 = arith.constant 64 : index
        %get3A_233 = tpu.vector_load %arg18[%get3A_231, %get3A_232] {strides = array<i32>} : memref<128x128xf32, #tpu.memory_space<vmem>>, vector<16xf32>,
        %mul3A_234 = arith.mulf %get3A_233, %gather3A : vector<16xf32>
        %swap3A_235 = arith.index_cast %scan3A_200 : i32 to index
        %swap3A_236 = arith.constant 64 : index
        %swap3A_237 = tpu.vector_load %arg18[%swap3A_235, %swap3A_236] {strides = array<i32>} : memref<128x128xf32, #tpu.memory_space<vmem>>, vector<16xf32>,
        tpu.vector_store %arg18[%swap3A_235, %swap3A_236], %mul3A_234 {strides = array<i32>} : memref<128x128xf32, #tpu.memory_space<vmem>>, vector<16xf32>,
        %get3A_238 = arith.index_cast %scan3A_200 : i32 to index
        %get3A_239 = arith.constant 80 : index
        %get3A_240 = tpu.vector_load %arg18[%get3A_238, %get3A_239] {strides = array<i32>} : memref<128x128xf32, #tpu.memory_space<vmem>>, vector<16xf32>,
        %mul3A_241 = arith.mulf %get3A_240, %gather3A : vector<16xf32>
        %swap3A_242 = arith.index_cast %scan3A_200 : i32 to index
        %swap3A_243 = arith.constant 80 : index
        %swap3A_244 = tpu.vector_load %arg18[%swap3A_242, %swap3A_243] {strides = array<i32>} : memref<128x128xf32, #tpu.memory_space<vmem>>, vector<16xf32>,
        tpu.vector_store %arg18[%swap3A_242, %swap3A_243], %mul3A_241 {strides = array<i32>} : memref<128x128xf32, #tpu.memory_space<vmem>>, vector<16xf32>,
        %get3A_245 = arith.index_cast %scan3A_200 : i32 to index
        %get3A_246 = arith.constant 96 : index
        %get3A_247 = tpu.vector_load %arg18[%get3A_245, %get3A_246] {strides = array<i32>} : memref<128x128xf32, #tpu.memory_space<vmem>>, vector<16xf32>,
        %mul3A_248 = arith.mulf %get3A_247, %gather3A : vector<16xf32>
        %swap3A_249 = arith.index_cast %scan3A_200 : i32 to index
        %swap3A_250 = arith.constant 96 : index
        %swap3A_251 = tpu.vector_load %arg18[%swap3A_249, %swap3A_250] {strides = array<i32>} : memref<128x128xf32, #tpu.memory_space<vmem>>, vector<16xf32>,
        tpu.vector_store %arg18[%swap3A_249, %swap3A_250], %mul3A_248 {strides = array<i32>} : memref<128x128xf32, #tpu.memory_space<vmem>>, vector<16xf32>,
        %get3A_252 = arith.index_cast %scan3A_200 : i32 to index
        %get3A_253 = arith.constant 112 : index
        %get3A_254 = tpu.vector_load %arg18[%get3A_252, %get3A_253] {strides = array<i32>} : memref<128x128xf32, #tpu.memory_space<vmem>>, vector<16xf32>,
        %mul3A_255 = arith.mulf %get3A_254, %gather3A : vector<16xf32>
        %swap3A_256 = arith.index_cast %scan3A_200 : i32 to index
        %swap3A_257 = arith.constant 112 : index
        %swap3A_258 = tpu.vector_load %arg18[%swap3A_256, %swap3A_257] {strides = array<i32>} : memref<128x128xf32, #tpu.memory_space<vmem>>, vector<16xf32>,
        tpu.vector_store %arg18[%swap3A_256, %swap3A_257], %mul3A_255 {strides = array<i32>} : memref<128x128xf32, #tpu.memory_space<vmem>>, vector<16xf32>,
        %scan3A_259 = arith.constant 0 : i32
        scf.yield %scan3A_259 : i32
      }
      %scan3A_170 = arith.constant 128 : i32
      %dma_start3A_171 = arith.constant 0 : i32
      %dma_start3A_172 = arith.constant 0 : i32
      %dma_start3A_173 = tpu.memref_slice %arg8[%dma_start3A_171, %dma_start3A_172] : memref<10240x128xf32, #tpu.memory_space<vmem_shared>> -> memref<10240x128xf32, #tpu.memory_space<vmem_shared>>
      tpu.enqueue_indirect_dma source(%arg18 : memref<128x128xf32, #tpu.memory_space<vmem>>) target(%dma_start3A_173 : memref<10240x128xf32, #tpu.memory_space<vmem_shared>>) offsets(%arg14 : memref<128xi32, #tpu.memory_space<vmem>>) semaphore(%arg22 : memref<!tpu.dma_semaphore, #tpu.memory_space<semaphore_mem>>) {add = true}
      %dma_wait3A_174 = arith.constant 0 : i32
      %dma_wait3A_175 = tpu.memref_slice %arg13[%dma_wait3A_174] : memref<1024xi32, #tpu.memory_space<vmem>> -> memref<128xi32, #tpu.memory_space<vmem>>
      %dma_wait3A_176 = arith.constant 0 : i32
      %dma_wait3A_177 = arith.constant 0 : i32
      %dma_wait3A_178 = tpu.memref_slice %arg5[%dma_wait3A_176, %dma_wait3A_177] : memref<70000x128xf32, #tpu.memory_space<hbm>> -> memref<70000x128xf32, #tpu.memory_space<hbm>>
      tpu.wait_indirect_dma semaphore(%arg23 : memref<!tpu.dma_semaphore, #tpu.memory_space<semaphore_mem>>) src(%dma_wait3A_178 : memref<70000x128xf32, #tpu.memory_space<hbm>>) dst(%arg19 : memref<128x128xf32, #tpu.memory_space<vmem>>)
      %dma_wait3A_179 = arith.constant 0 : i32
      %dma_wait3A_180 = tpu.memref_slice %arg12[%dma_wait3A_179] : memref<1024xi32, #tpu.memory_space<vmem>> -> memref<128xi32, #tpu.memory_space<vmem>>
      %dma_wait3A_181 = arith.constant 0 : i32
      %dma_wait3A_182 = tpu.memref_slice %arg6[%dma_wait3A_181] : memref<71680xf32, #tpu.memory_space<hbm>> -> memref<71680xf32, #tpu.memory_space<hbm>>
      tpu.wait_indirect_dma semaphore(%arg24 : memref<!tpu.dma_semaphore, #tpu.memory_space<semaphore_mem>>) src(%dma_wait3A_182 : memref<71680xf32, #tpu.memory_space<hbm>>) dst(%arg17 : memref<128xf32, #tpu.memory_space<vmem>>)
      %scan3A_183 = arith.constant 0 : i32
      %scan3A_184 = arith.constant 0 : i32
      %scan3A_185 = arith.constant 128 : i32
      %scan3A_186 = arith.addi %scan3A_184, %scan3A_185 : i32
      %scan3A_187 = arith.constant 1 : i32
      %scan3A_188 = scf.for %scan3A_200 = %scan3A_184 to %scan3A_186 step %scan3A_187 iter_args(%scan3A_201 = %scan3A_183) -> (i32)  : i32 {
        %broadcast_in_dim3A_202 = vector.broadcast %scan3A_200 : i32 to vector<16xi32>
        %gather3A = tpu.vector_load_idx %arg17[%broadcast_in_dim3A_202] : memref<128xf32, #tpu.memory_space<vmem>>[vector<16xi32>], vector<16xf32>,
        %get3A_203 = arith.index_cast %scan3A_200 : i32 to index
        %get3A_204 = arith.constant 0 : index
        %get3A_205 = tpu.vector_load %arg19[%get3A_203, %get3A_204] {strides = array<i32>} : memref<128x128xf32, #tpu.memory_space<vmem>>, vector<16xf32>,
        %mul3A_206 = arith.mulf %get3A_205, %gather3A : vector<16xf32>
        %swap3A_207 = arith.index_cast %scan3A_200 : i32 to index
        %swap3A_208 = arith.constant 0 : index
        %swap3A_209 = tpu.vector_load %arg19[%swap3A_207, %swap3A_208] {strides = array<i32>} : memref<128x128xf32, #tpu.memory_space<vmem>>, vector<16xf32>,
        tpu.vector_store %arg19[%swap3A_207, %swap3A_208], %mul3A_206 {strides = array<i32>} : memref<128x128xf32, #tpu.memory_space<vmem>>, vector<16xf32>,
        %get3A_210 = arith.index_cast %scan3A_200 : i32 to index
        %get3A_211 = arith.constant 16 : index
        %get3A_212 = tpu.vector_load %arg19[%get3A_210, %get3A_211] {strides = array<i32>} : memref<128x128xf32, #tpu.memory_space<vmem>>, vector<16xf32>,
        %mul3A_213 = arith.mulf %get3A_212, %gather3A : vector<16xf32>
        %swap3A_214 = arith.index_cast %scan3A_200 : i32 to index
        %swap3A_215 = arith.constant 16 : index
        %swap3A_216 = tpu.vector_load %arg19[%swap3A_214, %swap3A_215] {strides = array<i32>} : memref<128x128xf32, #tpu.memory_space<vmem>>, vector<16xf32>,
        tpu.vector_store %arg19[%swap3A_214, %swap3A_215], %mul3A_213 {strides = array<i32>} : memref<128x128xf32, #tpu.memory_space<vmem>>, vector<16xf32>,
        %get3A_217 = arith.index_cast %scan3A_200 : i32 to index
        %get3A_218 = arith.constant 32 : index
        %get3A_219 = tpu.vector_load %arg19[%get3A_217, %get3A_218] {strides = array<i32>} : memref<128x128xf32, #tpu.memory_space<vmem>>, vector<16xf32>,
        %mul3A_220 = arith.mulf %get3A_219, %gather3A : vector<16xf32>
        %swap3A_221 = arith.index_cast %scan3A_200 : i32 to index
        %swap3A_222 = arith.constant 32 : index
        %swap3A_223 = tpu.vector_load %arg19[%swap3A_221, %swap3A_222] {strides = array<i32>} : memref<128x128xf32, #tpu.memory_space<vmem>>, vector<16xf32>,
        tpu.vector_store %arg19[%swap3A_221, %swap3A_222], %mul3A_220 {strides = array<i32>} : memref<128x128xf32, #tpu.memory_space<vmem>>, vector<16xf32>,
        %get3A_224 = arith.index_cast %scan3A_200 : i32 to index
        %get3A_225 = arith.constant 48 : index
        %get3A_226 = tpu.vector_load %arg19[%get3A_224, %get3A_225] {strides = array<i32>} : memref<128x128xf32, #tpu.memory_space<vmem>>, vector<16xf32>,
        %mul3A_227 = arith.mulf %get3A_226, %gather3A : vector<16xf32>
        %swap3A_228 = arith.index_cast %scan3A_200 : i32 to index
        %swap3A_229 = arith.constant 48 : index
        %swap3A_230 = tpu.vector_load %arg19[%swap3A_228, %swap3A_229] {strides = array<i32>} : memref<128x128xf32, #tpu.memory_space<vmem>>, vector<16xf32>,
        tpu.vector_store %arg19[%swap3A_228, %swap3A_229], %mul3A_227 {strides = array<i32>} : memref<128x128xf32, #tpu.memory_space<vmem>>, vector<16xf32>,
        %get3A_231 = arith.index_cast %scan3A_200 : i32 to index
        %get3A_232 = arith.constant 64 : index
        %get3A_233 = tpu.vector_load %arg19[%get3A_231, %get3A_232] {strides = array<i32>} : memref<128x128xf32, #tpu.memory_space<vmem>>, vector<16xf32>,
        %mul3A_234 = arith.mulf %get3A_233, %gather3A : vector<16xf32>
        %swap3A_235 = arith.index_cast %scan3A_200 : i32 to index
        %swap3A_236 = arith.constant 64 : index
        %swap3A_237 = tpu.vector_load %arg19[%swap3A_235, %swap3A_236] {strides = array<i32>} : memref<128x128xf32, #tpu.memory_space<vmem>>, vector<16xf32>,
        tpu.vector_store %arg19[%swap3A_235, %swap3A_236], %mul3A_234 {strides = array<i32>} : memref<128x128xf32, #tpu.memory_space<vmem>>, vector<16xf32>,
        %get3A_238 = arith.index_cast %scan3A_200 : i32 to index
        %get3A_239 = arith.constant 80 : index
        %get3A_240 = tpu.vector_load %arg19[%get3A_238, %get3A_239] {strides = array<i32>} : memref<128x128xf32, #tpu.memory_space<vmem>>, vector<16xf32>,
        %mul3A_241 = arith.mulf %get3A_240, %gather3A : vector<16xf32>
        %swap3A_242 = arith.index_cast %scan3A_200 : i32 to index
        %swap3A_243 = arith.constant 80 : index
        %swap3A_244 = tpu.vector_load %arg19[%swap3A_242, %swap3A_243] {strides = array<i32>} : memref<128x128xf32, #tpu.memory_space<vmem>>, vector<16xf32>,
        tpu.vector_store %arg19[%swap3A_242, %swap3A_243], %mul3A_241 {strides = array<i32>} : memref<128x128xf32, #tpu.memory_space<vmem>>, vector<16xf32>,
        %get3A_245 = arith.index_cast %scan3A_200 : i32 to index
        %get3A_246 = arith.constant 96 : index
        %get3A_247 = tpu.vector_load %arg19[%get3A_245, %get3A_246] {strides = array<i32>} : memref<128x128xf32, #tpu.memory_space<vmem>>, vector<16xf32>,
        %mul3A_248 = arith.mulf %get3A_247, %gather3A : vector<16xf32>
        %swap3A_249 = arith.index_cast %scan3A_200 : i32 to index
        %swap3A_250 = arith.constant 96 : index
        %swap3A_251 = tpu.vector_load %arg19[%swap3A_249, %swap3A_250] {strides = array<i32>} : memref<128x128xf32, #tpu.memory_space<vmem>>, vector<16xf32>,
        tpu.vector_store %arg19[%swap3A_249, %swap3A_250], %mul3A_248 {strides = array<i32>} : memref<128x128xf32, #tpu.memory_space<vmem>>, vector<16xf32>,
        %get3A_252 = arith.index_cast %scan3A_200 : i32 to index
        %get3A_253 = arith.constant 112 : index
        %get3A_254 = tpu.vector_load %arg19[%get3A_252, %get3A_253] {strides = array<i32>} : memref<128x128xf32, #tpu.memory_space<vmem>>, vector<16xf32>,
        %mul3A_255 = arith.mulf %get3A_254, %gather3A : vector<16xf32>
        %swap3A_256 = arith.index_cast %scan3A_200 : i32 to index
        %swap3A_257 = arith.constant 112 : index
        %swap3A_258 = tpu.vector_load %arg19[%swap3A_256, %swap3A_257] {strides = array<i32>} : memref<128x128xf32, #tpu.memory_space<vmem>>, vector<16xf32>,
        tpu.vector_store %arg19[%swap3A_256, %swap3A_257], %mul3A_255 {strides = array<i32>} : memref<128x128xf32, #tpu.memory_space<vmem>>, vector<16xf32>,
        %scan3A_259 = arith.constant 0 : i32
        scf.yield %scan3A_259 : i32
      }
      %scan3A_189 = arith.constant 128 : i32
      %dma_start3A_190 = arith.constant 0 : i32
      %dma_start3A_191 = arith.constant 0 : i32
      %dma_start3A_192 = tpu.memref_slice %arg8[%dma_start3A_190, %dma_start3A_191] : memref<10240x128xf32, #tpu.memory_space<vmem_shared>> -> memref<10240x128xf32, #tpu.memory_space<vmem_shared>>
      tpu.enqueue_indirect_dma source(%arg19 : memref<128x128xf32, #tpu.memory_space<vmem>>) target(%dma_start3A_192 : memref<10240x128xf32, #tpu.memory_space<vmem_shared>>) offsets(%arg15 : memref<128xi32, #tpu.memory_space<vmem>>) semaphore(%arg25 : memref<!tpu.dma_semaphore, #tpu.memory_space<semaphore_mem>>) {add = true}
      %dma_wait3A_193 = arith.constant 0 : i32
      %dma_wait3A_194 = arith.constant 0 : i32
      %dma_wait3A_195 = tpu.memref_slice %arg8[%dma_wait3A_193, %dma_wait3A_194] : memref<10240x128xf32, #tpu.memory_space<vmem_shared>> -> memref<10240x128xf32, #tpu.memory_space<vmem_shared>>
      tpu.wait_indirect_dma semaphore(%arg22 : memref<!tpu.dma_semaphore, #tpu.memory_space<semaphore_mem>>) src(%arg18 : memref<128x128xf32, #tpu.memory_space<vmem>>) dst(%dma_wait3A_195 : memref<10240x128xf32, #tpu.memory_space<vmem_shared>>)
      %dma_wait3A_196 = arith.constant 0 : i32
      %dma_wait3A_197 = arith.constant 0 : i32
      %dma_wait3A_198 = tpu.memref_slice %arg8[%dma_wait3A_196, %dma_wait3A_197] : memref<10240x128xf32, #tpu.memory_space<vmem_shared>> -> memref<10240x128xf32, #tpu.memory_space<vmem_shared>>
      tpu.wait_indirect_dma semaphore(%arg25 : memref<!tpu.dma_semaphore, #tpu.memory_space<semaphore_mem>>) src(%arg19 : memref<128x128xf32, #tpu.memory_space<vmem>>) dst(%dma_wait3A_198 : memref<10240x128xf32, #tpu.memory_space<vmem_shared>>)
      %while3A_199 = arith.constant 0 : i32
      scf.yield %while3A_199 : i32
    }
    %while3A_48 = arith.constant 1 : i32
    %while3A_49 = scf.for %while3A_58 = %while3A_45 to %while3A_41 step %while3A_48 iter_args(%while3A_59 = %while3A_47) -> (i32)  : i32 {
      %mul3A_60 = arith.constant 1024 : i32
      %mul3A_61 = arith.muli %while3A_58, %mul3A_60 : i32
      %add3A_62 = arith.addi %add3A_20, %mul3A_61 : i32
      "tpu.region"() ({
        %run_scoped3A = tpu.sem_alloc : memref<!tpu.dma_semaphore, #tpu.memory_space<semaphore_mem>>
        %dma_start3A_200 = tpu.memref_slice %arg2[%add3A_62] : memref<327680xi32, #tpu.memory_space<hbm>> -> memref<1024xi32, #tpu.memory_space<hbm>>
        %dma_start3A_201 = tpu.memref_slice %arg2[%add3A_62] : memref<327680xi32, #tpu.memory_space<hbm>> -> memref<1024xi32, #tpu.memory_space<hbm>>
        tpu.enqueue_dma source(%dma_start3A_201 : memref<1024xi32, #tpu.memory_space<hbm>>) target(%arg9 : memref<1024xi32, #tpu.memory_space<vmem>>) target_semaphore(%run_scoped3A : memref<!tpu.dma_semaphore, #tpu.memory_space<semaphore_mem>>)
        %dma_wait3A_202 = tpu.memref_slice %arg2[%add3A_62] : memref<327680xi32, #tpu.memory_space<hbm>> -> memref<1024xi32, #tpu.memory_space<hbm>>
        %dma_wait3A_203 = tpu.memref_slice %arg2[%add3A_62] : memref<327680xi32, #tpu.memory_space<hbm>> -> memref<1024xi32, #tpu.memory_space<hbm>>
        tpu.wait_dma2 semaphore(%run_scoped3A : memref<!tpu.dma_semaphore, #tpu.memory_space<semaphore_mem>>) src(%dma_wait3A_203 : memref<1024xi32, #tpu.memory_space<hbm>>) dst(%arg9 : memref<1024xi32, #tpu.memory_space<vmem>>)
        tpu.yield
      }) : () -> ()
      "tpu.region"() ({
        %run_scoped3A = tpu.sem_alloc : memref<!tpu.dma_semaphore, #tpu.memory_space<semaphore_mem>>
        %dma_start3A_200 = tpu.memref_slice %arg3[%add3A_62] : memref<327680xi32, #tpu.memory_space<hbm>> -> memref<1024xi32, #tpu.memory_space<hbm>>
        %dma_start3A_201 = tpu.memref_slice %arg3[%add3A_62] : memref<327680xi32, #tpu.memory_space<hbm>> -> memref<1024xi32, #tpu.memory_space<hbm>>
        tpu.enqueue_dma source(%dma_start3A_201 : memref<1024xi32, #tpu.memory_space<hbm>>) target(%arg10 : memref<1024xi32, #tpu.memory_space<vmem>>) target_semaphore(%run_scoped3A : memref<!tpu.dma_semaphore, #tpu.memory_space<semaphore_mem>>)
        %dma_wait3A_202 = tpu.memref_slice %arg3[%add3A_62] : memref<327680xi32, #tpu.memory_space<hbm>> -> memref<1024xi32, #tpu.memory_space<hbm>>
        %dma_wait3A_203 = tpu.memref_slice %arg3[%add3A_62] : memref<327680xi32, #tpu.memory_space<hbm>> -> memref<1024xi32, #tpu.memory_space<hbm>>
        tpu.wait_dma2 semaphore(%run_scoped3A : memref<!tpu.dma_semaphore, #tpu.memory_space<semaphore_mem>>) src(%dma_wait3A_203 : memref<1024xi32, #tpu.memory_space<hbm>>) dst(%arg10 : memref<1024xi32, #tpu.memory_space<vmem>>)
        tpu.yield
      }) : () -> ()
      "tpu.region"() ({
        %run_scoped3A = tpu.sem_alloc : memref<!tpu.dma_semaphore, #tpu.memory_space<semaphore_mem>>
        %dma_start3A_200 = tpu.memref_slice %arg4[%add3A_62] : memref<327680xi32, #tpu.memory_space<hbm>> -> memref<1024xi32, #tpu.memory_space<hbm>>
        %dma_start3A_201 = tpu.memref_slice %arg4[%add3A_62] : memref<327680xi32, #tpu.memory_space<hbm>> -> memref<1024xi32, #tpu.memory_space<hbm>>
        tpu.enqueue_dma source(%dma_start3A_201 : memref<1024xi32, #tpu.memory_space<hbm>>) target(%arg11 : memref<1024xi32, #tpu.memory_space<vmem>>) target_semaphore(%run_scoped3A : memref<!tpu.dma_semaphore, #tpu.memory_space<semaphore_mem>>)
        %dma_wait3A_202 = tpu.memref_slice %arg4[%add3A_62] : memref<327680xi32, #tpu.memory_space<hbm>> -> memref<1024xi32, #tpu.memory_space<hbm>>
        %dma_wait3A_203 = tpu.memref_slice %arg4[%add3A_62] : memref<327680xi32, #tpu.memory_space<hbm>> -> memref<1024xi32, #tpu.memory_space<hbm>>
        tpu.wait_dma2 semaphore(%run_scoped3A : memref<!tpu.dma_semaphore, #tpu.memory_space<semaphore_mem>>) src(%dma_wait3A_203 : memref<1024xi32, #tpu.memory_space<hbm>>) dst(%arg11 : memref<1024xi32, #tpu.memory_space<vmem>>)
        tpu.yield
      }) : () -> ()
      %scan3A_63 = arith.constant 0 : i32
      %scan3A_64 = arith.constant 0 : i32
      %scan3A_65 = arith.constant 64 : i32
      %scan3A_66 = arith.addi %scan3A_64, %scan3A_65 : i32
      %scan3A_67 = arith.constant 1 : i32
      %scan3A_68 = scf.for %scan3A_200 = %scan3A_64 to %scan3A_66 step %scan3A_67 iter_args(%scan3A_201 = %scan3A_63) -> (i32)  : i32 {
        %mul3A_202 = arith.constant 16 : i32
        %mul3A_203 = arith.muli %scan3A_200, %mul3A_202 : i32
        %get3A_204 = arith.index_cast %mul3A_203 : i32 to index
        %get3A_205 = tpu.vector_load %arg9[%get3A_204] {strides = array<i32>} : memref<1024xi32, #tpu.memory_space<vmem>>, vector<16xi32>,
        %get3A_206 = arith.index_cast %mul3A_203 : i32 to index
        %get3A_207 = tpu.vector_load %arg11[%get3A_206] {strides = array<i32>} : memref<1024xi32, #tpu.memory_space<vmem>>, vector<16xi32>,
        %mul3A_208 = arith.constant 7 : i32
        %mul3A_209 = vector.broadcast %mul3A_208 : i32 to vector<16xi32>
        %mul3A_210 = arith.muli %get3A_205, %mul3A_209 : vector<16xi32>
        %add3A_211 = arith.addi %mul3A_210, %get3A_207 : vector<16xi32>
        %swap3A_212 = arith.index_cast %mul3A_203 : i32 to index
        %swap3A_213 = tpu.vector_load %arg12[%swap3A_212] {strides = array<i32>} : memref<1024xi32, #tpu.memory_space<vmem>>, vector<16xi32>,
        tpu.vector_store %arg12[%swap3A_212], %add3A_211 {strides = array<i32>} : memref<1024xi32, #tpu.memory_space<vmem>>, vector<16xi32>,
        %mul3A_214 = arith.constant 10000 : i32
        %mul3A_215 = vector.broadcast %mul3A_214 : i32 to vector<16xi32>
        %mul3A_216 = arith.muli %get3A_207, %mul3A_215 : vector<16xi32>
        %get3A_217 = arith.index_cast %mul3A_203 : i32 to index
        %get3A_218 = tpu.vector_load %arg10[%get3A_217] {strides = array<i32>} : memref<1024xi32, #tpu.memory_space<vmem>>, vector<16xi32>,
        %add3A_219 = arith.addi %mul3A_216, %get3A_218 : vector<16xi32>
        %swap3A_220 = arith.index_cast %mul3A_203 : i32 to index
        %swap3A_221 = tpu.vector_load %arg13[%swap3A_220] {strides = array<i32>} : memref<1024xi32, #tpu.memory_space<vmem>>, vector<16xi32>,
        tpu.vector_store %arg13[%swap3A_220], %add3A_219 {strides = array<i32>} : memref<1024xi32, #tpu.memory_space<vmem>>, vector<16xi32>,
        %scan3A_222 = arith.constant 0 : i32
        scf.yield %scan3A_222 : i32
      }
      %scan3A_69 = arith.constant 64 : i32
      %dma_start3A = arith.constant 0 : i32
      %dma_start3A_70 = tpu.memref_slice %arg13[%dma_start3A] : memref<1024xi32, #tpu.memory_space<vmem>> -> memref<128xi32, #tpu.memory_space<vmem>>
      %dma_start3A_71 = arith.constant 0 : i32
      %dma_start3A_72 = arith.constant 0 : i32
      %dma_start3A_73 = tpu.memref_slice %arg5[%dma_start3A_71, %dma_start3A_72] : memref<70000x128xf32, #tpu.memory_space<hbm>> -> memref<70000x128xf32, #tpu.memory_space<hbm>>
      tpu.enqueue_indirect_dma source(%dma_start3A_73 : memref<70000x128xf32, #tpu.memory_space<hbm>>) target(%arg18 : memref<128x128xf32, #tpu.memory_space<vmem>>) offsets(%dma_start3A_70 : memref<128xi32, #tpu.memory_space<vmem>>) semaphore(%arg20 : memref<!tpu.dma_semaphore, #tpu.memory_space<semaphore_mem>>)
      %dma_start3A_74 = arith.constant 0 : i32
      %dma_start3A_75 = tpu.memref_slice %arg12[%dma_start3A_74] : memref<1024xi32, #tpu.memory_space<vmem>> -> memref<128xi32, #tpu.memory_space<vmem>>
      %dma_start3A_76 = arith.constant 0 : i32
      %dma_start3A_77 = tpu.memref_slice %arg6[%dma_start3A_76] : memref<71680xf32, #tpu.memory_space<hbm>> -> memref<71680xf32, #tpu.memory_space<hbm>>
      tpu.enqueue_indirect_dma source(%dma_start3A_77 : memref<71680xf32, #tpu.memory_space<hbm>>) target(%arg16 : memref<128xf32, #tpu.memory_space<vmem>>) offsets(%dma_start3A_75 : memref<128xi32, #tpu.memory_space<vmem>>) semaphore(%arg21 : memref<!tpu.dma_semaphore, #tpu.memory_space<semaphore_mem>>)
      %get3A = arith.constant 0 : index
      %get3A_78 = tpu.vector_load %arg9[%get3A] {strides = array<i32>} : memref<1024xi32, #tpu.memory_space<vmem>>, vector<16xi32>,
      %swap3A = arith.constant 0 : index
      %swap3A_79 = tpu.vector_load %arg14[%swap3A] {strides = array<i32>} : memref<128xi32, #tpu.memory_space<vmem>>, vector<16xi32>,
      tpu.vector_store %arg14[%swap3A], %get3A_78 {strides = array<i32>} : memref<128xi32, #tpu.memory_space<vmem>>, vector<16xi32>,
      %get3A_80 = arith.constant 16 : index
      %get3A_81 = tpu.vector_load %arg9[%get3A_80] {strides = array<i32>} : memref<1024xi32, #tpu.memory_space<vmem>>, vector<16xi32>,
      %swap3A_82 = arith.constant 16 : index
      %swap3A_83 = tpu.vector_load %arg14[%swap3A_82] {strides = array<i32>} : memref<128xi32, #tpu.memory_space<vmem>>, vector<16xi32>,
      tpu.vector_store %arg14[%swap3A_82], %get3A_81 {strides = array<i32>} : memref<128xi32, #tpu.memory_space<vmem>>, vector<16xi32>,
      %get3A_84 = arith.constant 32 : index
      %get3A_85 = tpu.vector_load %arg9[%get3A_84] {strides = array<i32>} : memref<1024xi32, #tpu.memory_space<vmem>>, vector<16xi32>,
      %swap3A_86 = arith.constant 32 : index
      %swap3A_87 = tpu.vector_load %arg14[%swap3A_86] {strides = array<i32>} : memref<128xi32, #tpu.memory_space<vmem>>, vector<16xi32>,
      tpu.vector_store %arg14[%swap3A_86], %get3A_85 {strides = array<i32>} : memref<128xi32, #tpu.memory_space<vmem>>, vector<16xi32>,
      %get3A_88 = arith.constant 48 : index
      %get3A_89 = tpu.vector_load %arg9[%get3A_88] {strides = array<i32>} : memref<1024xi32, #tpu.memory_space<vmem>>, vector<16xi32>,
      %swap3A_90 = arith.constant 48 : index
      %swap3A_91 = tpu.vector_load %arg14[%swap3A_90] {strides = array<i32>} : memref<128xi32, #tpu.memory_space<vmem>>, vector<16xi32>,
      tpu.vector_store %arg14[%swap3A_90], %get3A_89 {strides = array<i32>} : memref<128xi32, #tpu.memory_space<vmem>>, vector<16xi32>,
      %get3A_92 = arith.constant 64 : index
      %get3A_93 = tpu.vector_load %arg9[%get3A_92] {strides = array<i32>} : memref<1024xi32, #tpu.memory_space<vmem>>, vector<16xi32>,
      %swap3A_94 = arith.constant 64 : index
      %swap3A_95 = tpu.vector_load %arg14[%swap3A_94] {strides = array<i32>} : memref<128xi32, #tpu.memory_space<vmem>>, vector<16xi32>,
      tpu.vector_store %arg14[%swap3A_94], %get3A_93 {strides = array<i32>} : memref<128xi32, #tpu.memory_space<vmem>>, vector<16xi32>,
      %get3A_96 = arith.constant 80 : index
      %get3A_97 = tpu.vector_load %arg9[%get3A_96] {strides = array<i32>} : memref<1024xi32, #tpu.memory_space<vmem>>, vector<16xi32>,
      %swap3A_98 = arith.constant 80 : index
      %swap3A_99 = tpu.vector_load %arg14[%swap3A_98] {strides = array<i32>} : memref<128xi32, #tpu.memory_space<vmem>>, vector<16xi32>,
      tpu.vector_store %arg14[%swap3A_98], %get3A_97 {strides = array<i32>} : memref<128xi32, #tpu.memory_space<vmem>>, vector<16xi32>,
      %get3A_100 = arith.constant 96 : index
      %get3A_101 = tpu.vector_load %arg9[%get3A_100] {strides = array<i32>} : memref<1024xi32, #tpu.memory_space<vmem>>, vector<16xi32>,
      %swap3A_102 = arith.constant 96 : index
      %swap3A_103 = tpu.vector_load %arg14[%swap3A_102] {strides = array<i32>} : memref<128xi32, #tpu.memory_space<vmem>>, vector<16xi32>,
      tpu.vector_store %arg14[%swap3A_102], %get3A_101 {strides = array<i32>} : memref<128xi32, #tpu.memory_space<vmem>>, vector<16xi32>,
      %get3A_104 = arith.constant 112 : index
      %get3A_105 = tpu.vector_load %arg9[%get3A_104] {strides = array<i32>} : memref<1024xi32, #tpu.memory_space<vmem>>, vector<16xi32>,
      %swap3A_106 = arith.constant 112 : index
      %swap3A_107 = tpu.vector_load %arg14[%swap3A_106] {strides = array<i32>} : memref<128xi32, #tpu.memory_space<vmem>>, vector<16xi32>,
      tpu.vector_store %arg14[%swap3A_106], %get3A_105 {strides = array<i32>} : memref<128xi32, #tpu.memory_space<vmem>>, vector<16xi32>,
      %dma_start3A_108 = arith.constant 128 : i32
      %dma_start3A_109 = tpu.memref_slice %arg13[%dma_start3A_108] : memref<1024xi32, #tpu.memory_space<vmem>> -> memref<128xi32, #tpu.memory_space<vmem>>
      %dma_start3A_110 = arith.constant 0 : i32
      %dma_start3A_111 = arith.constant 0 : i32
      %dma_start3A_112 = tpu.memref_slice %arg5[%dma_start3A_110, %dma_start3A_111] : memref<70000x128xf32, #tpu.memory_space<hbm>> -> memref<70000x128xf32, #tpu.memory_space<hbm>>
      tpu.enqueue_indirect_dma source(%dma_start3A_112 : memref<70000x128xf32, #tpu.memory_space<hbm>>) target(%arg19 : memref<128x128xf32, #tpu.memory_space<vmem>>) offsets(%dma_start3A_109 : memref<128xi32, #tpu.memory_space<vmem>>) semaphore(%arg23 : memref<!tpu.dma_semaphore, #tpu.memory_space<semaphore_mem>>)
      %dma_start3A_113 = arith.constant 128 : i32
      %dma_start3A_114 = tpu.memref_slice %arg12[%dma_start3A_113] : memref<1024xi32, #tpu.memory_space<vmem>> -> memref<128xi32, #tpu.memory_space<vmem>>
      %dma_start3A_115 = arith.constant 0 : i32
      %dma_start3A_116 = tpu.memref_slice %arg6[%dma_start3A_115] : memref<71680xf32, #tpu.memory_space<hbm>> -> memref<71680xf32, #tpu.memory_space<hbm>>
      tpu.enqueue_indirect_dma source(%dma_start3A_116 : memref<71680xf32, #tpu.memory_space<hbm>>) target(%arg17 : memref<128xf32, #tpu.memory_space<vmem>>) offsets(%dma_start3A_114 : memref<128xi32, #tpu.memory_space<vmem>>) semaphore(%arg24 : memref<!tpu.dma_semaphore, #tpu.memory_space<semaphore_mem>>)
      %get3A_117 = arith.constant 128 : index
      %get3A_118 = tpu.vector_load %arg9[%get3A_117] {strides = array<i32>} : memref<1024xi32, #tpu.memory_space<vmem>>, vector<16xi32>,
      %swap3A_119 = arith.constant 0 : index
      %swap3A_120 = tpu.vector_load %arg15[%swap3A_119] {strides = array<i32>} : memref<128xi32, #tpu.memory_space<vmem>>, vector<16xi32>,
      tpu.vector_store %arg15[%swap3A_119], %get3A_118 {strides = array<i32>} : memref<128xi32, #tpu.memory_space<vmem>>, vector<16xi32>,
      %get3A_121 = arith.constant 144 : index
      %get3A_122 = tpu.vector_load %arg9[%get3A_121] {strides = array<i32>} : memref<1024xi32, #tpu.memory_space<vmem>>, vector<16xi32>,
      %swap3A_123 = arith.constant 16 : index
      %swap3A_124 = tpu.vector_load %arg15[%swap3A_123] {strides = array<i32>} : memref<128xi32, #tpu.memory_space<vmem>>, vector<16xi32>,
      tpu.vector_store %arg15[%swap3A_123], %get3A_122 {strides = array<i32>} : memref<128xi32, #tpu.memory_space<vmem>>, vector<16xi32>,
      %get3A_125 = arith.constant 160 : index
      %get3A_126 = tpu.vector_load %arg9[%get3A_125] {strides = array<i32>} : memref<1024xi32, #tpu.memory_space<vmem>>, vector<16xi32>,
      %swap3A_127 = arith.constant 32 : index
      %swap3A_128 = tpu.vector_load %arg15[%swap3A_127] {strides = array<i32>} : memref<128xi32, #tpu.memory_space<vmem>>, vector<16xi32>,
      tpu.vector_store %arg15[%swap3A_127], %get3A_126 {strides = array<i32>} : memref<128xi32, #tpu.memory_space<vmem>>, vector<16xi32>,
      %get3A_129 = arith.constant 176 : index
      %get3A_130 = tpu.vector_load %arg9[%get3A_129] {strides = array<i32>} : memref<1024xi32, #tpu.memory_space<vmem>>, vector<16xi32>,
      %swap3A_131 = arith.constant 48 : index
      %swap3A_132 = tpu.vector_load %arg15[%swap3A_131] {strides = array<i32>} : memref<128xi32, #tpu.memory_space<vmem>>, vector<16xi32>,
      tpu.vector_store %arg15[%swap3A_131], %get3A_130 {strides = array<i32>} : memref<128xi32, #tpu.memory_space<vmem>>, vector<16xi32>,
      %get3A_133 = arith.constant 192 : index
      %get3A_134 = tpu.vector_load %arg9[%get3A_133] {strides = array<i32>} : memref<1024xi32, #tpu.memory_space<vmem>>, vector<16xi32>,
      %swap3A_135 = arith.constant 64 : index
      %swap3A_136 = tpu.vector_load %arg15[%swap3A_135] {strides = array<i32>} : memref<128xi32, #tpu.memory_space<vmem>>, vector<16xi32>,
      tpu.vector_store %arg15[%swap3A_135], %get3A_134 {strides = array<i32>} : memref<128xi32, #tpu.memory_space<vmem>>, vector<16xi32>,
      %get3A_137 = arith.constant 208 : index
      %get3A_138 = tpu.vector_load %arg9[%get3A_137] {strides = array<i32>} : memref<1024xi32, #tpu.memory_space<vmem>>, vector<16xi32>,
      %swap3A_139 = arith.constant 80 : index
      %swap3A_140 = tpu.vector_load %arg15[%swap3A_139] {strides = array<i32>} : memref<128xi32, #tpu.memory_space<vmem>>, vector<16xi32>,
      tpu.vector_store %arg15[%swap3A_139], %get3A_138 {strides = array<i32>} : memref<128xi32, #tpu.memory_space<vmem>>, vector<16xi32>,
      %get3A_141 = arith.constant 224 : index
      %get3A_142 = tpu.vector_load %arg9[%get3A_141] {strides = array<i32>} : memref<1024xi32, #tpu.memory_space<vmem>>, vector<16xi32>,
      %swap3A_143 = arith.constant 96 : index
      %swap3A_144 = tpu.vector_load %arg15[%swap3A_143] {strides = array<i32>} : memref<128xi32, #tpu.memory_space<vmem>>, vector<16xi32>,
      tpu.vector_store %arg15[%swap3A_143], %get3A_142 {strides = array<i32>} : memref<128xi32, #tpu.memory_space<vmem>>, vector<16xi32>,
      %get3A_145 = arith.constant 240 : index
      %get3A_146 = tpu.vector_load %arg9[%get3A_145] {strides = array<i32>} : memref<1024xi32, #tpu.memory_space<vmem>>, vector<16xi32>,
      %swap3A_147 = arith.constant 112 : index
      %swap3A_148 = tpu.vector_load %arg15[%swap3A_147] {strides = array<i32>} : memref<128xi32, #tpu.memory_space<vmem>>, vector<16xi32>,
      tpu.vector_store %arg15[%swap3A_147], %get3A_146 {strides = array<i32>} : memref<128xi32, #tpu.memory_space<vmem>>, vector<16xi32>,
      %scan3A_149 = arith.constant 0 : i32
      %scan3A_150 = arith.constant 0 : i32
      %scan3A_151 = arith.constant 3 : i32
      %scan3A_152 = arith.addi %scan3A_150, %scan3A_151 : i32
      %scan3A_153 = arith.constant 1 : i32
      %scan3A_154 = scf.for %scan3A_200 = %scan3A_150 to %scan3A_152 step %scan3A_153 iter_args(%scan3A_201 = %scan3A_149) -> (i32)  : i32 {
        %dma_wait3A_202 = arith.constant 0 : i32
        %dma_wait3A_203 = tpu.memref_slice %arg13[%dma_wait3A_202] : memref<1024xi32, #tpu.memory_space<vmem>> -> memref<128xi32, #tpu.memory_space<vmem>>
        %dma_wait3A_204 = arith.constant 0 : i32
        %dma_wait3A_205 = arith.constant 0 : i32
        %dma_wait3A_206 = tpu.memref_slice %arg5[%dma_wait3A_204, %dma_wait3A_205] : memref<70000x128xf32, #tpu.memory_space<hbm>> -> memref<70000x128xf32, #tpu.memory_space<hbm>>
        tpu.wait_indirect_dma semaphore(%arg20 : memref<!tpu.dma_semaphore, #tpu.memory_space<semaphore_mem>>) src(%dma_wait3A_206 : memref<70000x128xf32, #tpu.memory_space<hbm>>) dst(%arg18 : memref<128x128xf32, #tpu.memory_space<vmem>>)
        %dma_wait3A_207 = arith.constant 0 : i32
        %dma_wait3A_208 = tpu.memref_slice %arg12[%dma_wait3A_207] : memref<1024xi32, #tpu.memory_space<vmem>> -> memref<128xi32, #tpu.memory_space<vmem>>
        %dma_wait3A_209 = arith.constant 0 : i32
        %dma_wait3A_210 = tpu.memref_slice %arg6[%dma_wait3A_209] : memref<71680xf32, #tpu.memory_space<hbm>> -> memref<71680xf32, #tpu.memory_space<hbm>>
        tpu.wait_indirect_dma semaphore(%arg21 : memref<!tpu.dma_semaphore, #tpu.memory_space<semaphore_mem>>) src(%dma_wait3A_210 : memref<71680xf32, #tpu.memory_space<hbm>>) dst(%arg16 : memref<128xf32, #tpu.memory_space<vmem>>)
        %scan3A_211 = arith.constant 0 : i32
        %scan3A_212 = arith.constant 0 : i32
        %scan3A_213 = arith.constant 128 : i32
        %scan3A_214 = arith.addi %scan3A_212, %scan3A_213 : i32
        %scan3A_215 = arith.constant 1 : i32
        %scan3A_216 = scf.for %scan3A_369 = %scan3A_212 to %scan3A_214 step %scan3A_215 iter_args(%scan3A_370 = %scan3A_211) -> (i32)  : i32 {
          %broadcast_in_dim3A_371 = vector.broadcast %scan3A_369 : i32 to vector<16xi32>
          %gather3A = tpu.vector_load_idx %arg16[%broadcast_in_dim3A_371] : memref<128xf32, #tpu.memory_space<vmem>>[vector<16xi32>], vector<16xf32>,
          %get3A_372 = arith.index_cast %scan3A_369 : i32 to index
          %get3A_373 = arith.constant 0 : index
          %get3A_374 = tpu.vector_load %arg18[%get3A_372, %get3A_373] {strides = array<i32>} : memref<128x128xf32, #tpu.memory_space<vmem>>, vector<16xf32>,
          %mul3A_375 = arith.mulf %get3A_374, %gather3A : vector<16xf32>
          %swap3A_376 = arith.index_cast %scan3A_369 : i32 to index
          %swap3A_377 = arith.constant 0 : index
          %swap3A_378 = tpu.vector_load %arg18[%swap3A_376, %swap3A_377] {strides = array<i32>} : memref<128x128xf32, #tpu.memory_space<vmem>>, vector<16xf32>,
          tpu.vector_store %arg18[%swap3A_376, %swap3A_377], %mul3A_375 {strides = array<i32>} : memref<128x128xf32, #tpu.memory_space<vmem>>, vector<16xf32>,
          %get3A_379 = arith.index_cast %scan3A_369 : i32 to index
          %get3A_380 = arith.constant 16 : index
          %get3A_381 = tpu.vector_load %arg18[%get3A_379, %get3A_380] {strides = array<i32>} : memref<128x128xf32, #tpu.memory_space<vmem>>, vector<16xf32>,
          %mul3A_382 = arith.mulf %get3A_381, %gather3A : vector<16xf32>
          %swap3A_383 = arith.index_cast %scan3A_369 : i32 to index
          %swap3A_384 = arith.constant 16 : index
          %swap3A_385 = tpu.vector_load %arg18[%swap3A_383, %swap3A_384] {strides = array<i32>} : memref<128x128xf32, #tpu.memory_space<vmem>>, vector<16xf32>,
          tpu.vector_store %arg18[%swap3A_383, %swap3A_384], %mul3A_382 {strides = array<i32>} : memref<128x128xf32, #tpu.memory_space<vmem>>, vector<16xf32>,
          %get3A_386 = arith.index_cast %scan3A_369 : i32 to index
          %get3A_387 = arith.constant 32 : index
          %get3A_388 = tpu.vector_load %arg18[%get3A_386, %get3A_387] {strides = array<i32>} : memref<128x128xf32, #tpu.memory_space<vmem>>, vector<16xf32>,
          %mul3A_389 = arith.mulf %get3A_388, %gather3A : vector<16xf32>
          %swap3A_390 = arith.index_cast %scan3A_369 : i32 to index
          %swap3A_391 = arith.constant 32 : index
          %swap3A_392 = tpu.vector_load %arg18[%swap3A_390, %swap3A_391] {strides = array<i32>} : memref<128x128xf32, #tpu.memory_space<vmem>>, vector<16xf32>,
          tpu.vector_store %arg18[%swap3A_390, %swap3A_391], %mul3A_389 {strides = array<i32>} : memref<128x128xf32, #tpu.memory_space<vmem>>, vector<16xf32>,
          %get3A_393 = arith.index_cast %scan3A_369 : i32 to index
          %get3A_394 = arith.constant 48 : index
          %get3A_395 = tpu.vector_load %arg18[%get3A_393, %get3A_394] {strides = array<i32>} : memref<128x128xf32, #tpu.memory_space<vmem>>, vector<16xf32>,
          %mul3A_396 = arith.mulf %get3A_395, %gather3A : vector<16xf32>
          %swap3A_397 = arith.index_cast %scan3A_369 : i32 to index
          %swap3A_398 = arith.constant 48 : index
          %swap3A_399 = tpu.vector_load %arg18[%swap3A_397, %swap3A_398] {strides = array<i32>} : memref<128x128xf32, #tpu.memory_space<vmem>>, vector<16xf32>,
          tpu.vector_store %arg18[%swap3A_397, %swap3A_398], %mul3A_396 {strides = array<i32>} : memref<128x128xf32, #tpu.memory_space<vmem>>, vector<16xf32>,
          %get3A_400 = arith.index_cast %scan3A_369 : i32 to index
          %get3A_401 = arith.constant 64 : index
          %get3A_402 = tpu.vector_load %arg18[%get3A_400, %get3A_401] {strides = array<i32>} : memref<128x128xf32, #tpu.memory_space<vmem>>, vector<16xf32>,
          %mul3A_403 = arith.mulf %get3A_402, %gather3A : vector<16xf32>
          %swap3A_404 = arith.index_cast %scan3A_369 : i32 to index
          %swap3A_405 = arith.constant 64 : index
          %swap3A_406 = tpu.vector_load %arg18[%swap3A_404, %swap3A_405] {strides = array<i32>} : memref<128x128xf32, #tpu.memory_space<vmem>>, vector<16xf32>,
          tpu.vector_store %arg18[%swap3A_404, %swap3A_405], %mul3A_403 {strides = array<i32>} : memref<128x128xf32, #tpu.memory_space<vmem>>, vector<16xf32>,
          %get3A_407 = arith.index_cast %scan3A_369 : i32 to index
          %get3A_408 = arith.constant 80 : index
          %get3A_409 = tpu.vector_load %arg18[%get3A_407, %get3A_408] {strides = array<i32>} : memref<128x128xf32, #tpu.memory_space<vmem>>, vector<16xf32>,
          %mul3A_410 = arith.mulf %get3A_409, %gather3A : vector<16xf32>
          %swap3A_411 = arith.index_cast %scan3A_369 : i32 to index
          %swap3A_412 = arith.constant 80 : index
          %swap3A_413 = tpu.vector_load %arg18[%swap3A_411, %swap3A_412] {strides = array<i32>} : memref<128x128xf32, #tpu.memory_space<vmem>>, vector<16xf32>,
          tpu.vector_store %arg18[%swap3A_411, %swap3A_412], %mul3A_410 {strides = array<i32>} : memref<128x128xf32, #tpu.memory_space<vmem>>, vector<16xf32>,
          %get3A_414 = arith.index_cast %scan3A_369 : i32 to index
          %get3A_415 = arith.constant 96 : index
          %get3A_416 = tpu.vector_load %arg18[%get3A_414, %get3A_415] {strides = array<i32>} : memref<128x128xf32, #tpu.memory_space<vmem>>, vector<16xf32>,
          %mul3A_417 = arith.mulf %get3A_416, %gather3A : vector<16xf32>
          %swap3A_418 = arith.index_cast %scan3A_369 : i32 to index
          %swap3A_419 = arith.constant 96 : index
          %swap3A_420 = tpu.vector_load %arg18[%swap3A_418, %swap3A_419] {strides = array<i32>} : memref<128x128xf32, #tpu.memory_space<vmem>>, vector<16xf32>,
          tpu.vector_store %arg18[%swap3A_418, %swap3A_419], %mul3A_417 {strides = array<i32>} : memref<128x128xf32, #tpu.memory_space<vmem>>, vector<16xf32>,
          %get3A_421 = arith.index_cast %scan3A_369 : i32 to index
          %get3A_422 = arith.constant 112 : index
          %get3A_423 = tpu.vector_load %arg18[%get3A_421, %get3A_422] {strides = array<i32>} : memref<128x128xf32, #tpu.memory_space<vmem>>, vector<16xf32>,
          %mul3A_424 = arith.mulf %get3A_423, %gather3A : vector<16xf32>
          %swap3A_425 = arith.index_cast %scan3A_369 : i32 to index
          %swap3A_426 = arith.constant 112 : index
          %swap3A_427 = tpu.vector_load %arg18[%swap3A_425, %swap3A_426] {strides = array<i32>} : memref<128x128xf32, #tpu.memory_space<vmem>>, vector<16xf32>,
          tpu.vector_store %arg18[%swap3A_425, %swap3A_426], %mul3A_424 {strides = array<i32>} : memref<128x128xf32, #tpu.memory_space<vmem>>, vector<16xf32>,
          %scan3A_428 = arith.constant 0 : i32
          scf.yield %scan3A_428 : i32
        }
        %scan3A_217 = arith.constant 128 : i32
        %dma_start3A_218 = arith.constant 0 : i32
        %dma_start3A_219 = arith.constant 0 : i32
        %dma_start3A_220 = tpu.memref_slice %arg8[%dma_start3A_218, %dma_start3A_219] : memref<10240x128xf32, #tpu.memory_space<vmem_shared>> -> memref<10240x128xf32, #tpu.memory_space<vmem_shared>>
        tpu.enqueue_indirect_dma source(%arg18 : memref<128x128xf32, #tpu.memory_space<vmem>>) target(%dma_start3A_220 : memref<10240x128xf32, #tpu.memory_space<vmem_shared>>) offsets(%arg14 : memref<128xi32, #tpu.memory_space<vmem>>) semaphore(%arg22 : memref<!tpu.dma_semaphore, #tpu.memory_space<semaphore_mem>>) {add = true}
        %dma_wait3A_221 = arith.constant 0 : i32
        %dma_wait3A_222 = tpu.memref_slice %arg13[%dma_wait3A_221] : memref<1024xi32, #tpu.memory_space<vmem>> -> memref<128xi32, #tpu.memory_space<vmem>>
        %dma_wait3A_223 = arith.constant 0 : i32
        %dma_wait3A_224 = arith.constant 0 : i32
        %dma_wait3A_225 = tpu.memref_slice %arg5[%dma_wait3A_223, %dma_wait3A_224] : memref<70000x128xf32, #tpu.memory_space<hbm>> -> memref<70000x128xf32, #tpu.memory_space<hbm>>
        tpu.wait_indirect_dma semaphore(%arg23 : memref<!tpu.dma_semaphore, #tpu.memory_space<semaphore_mem>>) src(%dma_wait3A_225 : memref<70000x128xf32, #tpu.memory_space<hbm>>) dst(%arg19 : memref<128x128xf32, #tpu.memory_space<vmem>>)
        %dma_wait3A_226 = arith.constant 0 : i32
        %dma_wait3A_227 = tpu.memref_slice %arg12[%dma_wait3A_226] : memref<1024xi32, #tpu.memory_space<vmem>> -> memref<128xi32, #tpu.memory_space<vmem>>
        %dma_wait3A_228 = arith.constant 0 : i32
        %dma_wait3A_229 = tpu.memref_slice %arg6[%dma_wait3A_228] : memref<71680xf32, #tpu.memory_space<hbm>> -> memref<71680xf32, #tpu.memory_space<hbm>>
        tpu.wait_indirect_dma semaphore(%arg24 : memref<!tpu.dma_semaphore, #tpu.memory_space<semaphore_mem>>) src(%dma_wait3A_229 : memref<71680xf32, #tpu.memory_space<hbm>>) dst(%arg17 : memref<128xf32, #tpu.memory_space<vmem>>)
        %scan3A_230 = arith.constant 0 : i32
        %scan3A_231 = arith.constant 0 : i32
        %scan3A_232 = arith.constant 128 : i32
        %scan3A_233 = arith.addi %scan3A_231, %scan3A_232 : i32
        %scan3A_234 = arith.constant 1 : i32
        %scan3A_235 = scf.for %scan3A_369 = %scan3A_231 to %scan3A_233 step %scan3A_234 iter_args(%scan3A_370 = %scan3A_230) -> (i32)  : i32 {
          %broadcast_in_dim3A_371 = vector.broadcast %scan3A_369 : i32 to vector<16xi32>
          %gather3A = tpu.vector_load_idx %arg17[%broadcast_in_dim3A_371] : memref<128xf32, #tpu.memory_space<vmem>>[vector<16xi32>], vector<16xf32>,
          %get3A_372 = arith.index_cast %scan3A_369 : i32 to index
          %get3A_373 = arith.constant 0 : index
          %get3A_374 = tpu.vector_load %arg19[%get3A_372, %get3A_373] {strides = array<i32>} : memref<128x128xf32, #tpu.memory_space<vmem>>, vector<16xf32>,
          %mul3A_375 = arith.mulf %get3A_374, %gather3A : vector<16xf32>
          %swap3A_376 = arith.index_cast %scan3A_369 : i32 to index
          %swap3A_377 = arith.constant 0 : index
          %swap3A_378 = tpu.vector_load %arg19[%swap3A_376, %swap3A_377] {strides = array<i32>} : memref<128x128xf32, #tpu.memory_space<vmem>>, vector<16xf32>,
          tpu.vector_store %arg19[%swap3A_376, %swap3A_377], %mul3A_375 {strides = array<i32>} : memref<128x128xf32, #tpu.memory_space<vmem>>, vector<16xf32>,
          %get3A_379 = arith.index_cast %scan3A_369 : i32 to index
          %get3A_380 = arith.constant 16 : index
          %get3A_381 = tpu.vector_load %arg19[%get3A_379, %get3A_380] {strides = array<i32>} : memref<128x128xf32, #tpu.memory_space<vmem>>, vector<16xf32>,
          %mul3A_382 = arith.mulf %get3A_381, %gather3A : vector<16xf32>
          %swap3A_383 = arith.index_cast %scan3A_369 : i32 to index
          %swap3A_384 = arith.constant 16 : index
          %swap3A_385 = tpu.vector_load %arg19[%swap3A_383, %swap3A_384] {strides = array<i32>} : memref<128x128xf32, #tpu.memory_space<vmem>>, vector<16xf32>,
          tpu.vector_store %arg19[%swap3A_383, %swap3A_384], %mul3A_382 {strides = array<i32>} : memref<128x128xf32, #tpu.memory_space<vmem>>, vector<16xf32>,
          %get3A_386 = arith.index_cast %scan3A_369 : i32 to index
          %get3A_387 = arith.constant 32 : index
          %get3A_388 = tpu.vector_load %arg19[%get3A_386, %get3A_387] {strides = array<i32>} : memref<128x128xf32, #tpu.memory_space<vmem>>, vector<16xf32>,
          %mul3A_389 = arith.mulf %get3A_388, %gather3A : vector<16xf32>
          %swap3A_390 = arith.index_cast %scan3A_369 : i32 to index
          %swap3A_391 = arith.constant 32 : index
          %swap3A_392 = tpu.vector_load %arg19[%swap3A_390, %swap3A_391] {strides = array<i32>} : memref<128x128xf32, #tpu.memory_space<vmem>>, vector<16xf32>,
          tpu.vector_store %arg19[%swap3A_390, %swap3A_391], %mul3A_389 {strides = array<i32>} : memref<128x128xf32, #tpu.memory_space<vmem>>, vector<16xf32>,
          %get3A_393 = arith.index_cast %scan3A_369 : i32 to index
          %get3A_394 = arith.constant 48 : index
          %get3A_395 = tpu.vector_load %arg19[%get3A_393, %get3A_394] {strides = array<i32>} : memref<128x128xf32, #tpu.memory_space<vmem>>, vector<16xf32>,
          %mul3A_396 = arith.mulf %get3A_395, %gather3A : vector<16xf32>
          %swap3A_397 = arith.index_cast %scan3A_369 : i32 to index
          %swap3A_398 = arith.constant 48 : index
          %swap3A_399 = tpu.vector_load %arg19[%swap3A_397, %swap3A_398] {strides = array<i32>} : memref<128x128xf32, #tpu.memory_space<vmem>>, vector<16xf32>,
          tpu.vector_store %arg19[%swap3A_397, %swap3A_398], %mul3A_396 {strides = array<i32>} : memref<128x128xf32, #tpu.memory_space<vmem>>, vector<16xf32>,
          %get3A_400 = arith.index_cast %scan3A_369 : i32 to index
          %get3A_401 = arith.constant 64 : index
          %get3A_402 = tpu.vector_load %arg19[%get3A_400, %get3A_401] {strides = array<i32>} : memref<128x128xf32, #tpu.memory_space<vmem>>, vector<16xf32>,
          %mul3A_403 = arith.mulf %get3A_402, %gather3A : vector<16xf32>
          %swap3A_404 = arith.index_cast %scan3A_369 : i32 to index
          %swap3A_405 = arith.constant 64 : index
          %swap3A_406 = tpu.vector_load %arg19[%swap3A_404, %swap3A_405] {strides = array<i32>} : memref<128x128xf32, #tpu.memory_space<vmem>>, vector<16xf32>,
          tpu.vector_store %arg19[%swap3A_404, %swap3A_405], %mul3A_403 {strides = array<i32>} : memref<128x128xf32, #tpu.memory_space<vmem>>, vector<16xf32>,
          %get3A_407 = arith.index_cast %scan3A_369 : i32 to index
          %get3A_408 = arith.constant 80 : index
          %get3A_409 = tpu.vector_load %arg19[%get3A_407, %get3A_408] {strides = array<i32>} : memref<128x128xf32, #tpu.memory_space<vmem>>, vector<16xf32>,
          %mul3A_410 = arith.mulf %get3A_409, %gather3A : vector<16xf32>
          %swap3A_411 = arith.index_cast %scan3A_369 : i32 to index
          %swap3A_412 = arith.constant 80 : index
          %swap3A_413 = tpu.vector_load %arg19[%swap3A_411, %swap3A_412] {strides = array<i32>} : memref<128x128xf32, #tpu.memory_space<vmem>>, vector<16xf32>,
          tpu.vector_store %arg19[%swap3A_411, %swap3A_412], %mul3A_410 {strides = array<i32>} : memref<128x128xf32, #tpu.memory_space<vmem>>, vector<16xf32>,
          %get3A_414 = arith.index_cast %scan3A_369 : i32 to index
          %get3A_415 = arith.constant 96 : index
          %get3A_416 = tpu.vector_load %arg19[%get3A_414, %get3A_415] {strides = array<i32>} : memref<128x128xf32, #tpu.memory_space<vmem>>, vector<16xf32>,
          %mul3A_417 = arith.mulf %get3A_416, %gather3A : vector<16xf32>
          %swap3A_418 = arith.index_cast %scan3A_369 : i32 to index
          %swap3A_419 = arith.constant 96 : index
          %swap3A_420 = tpu.vector_load %arg19[%swap3A_418, %swap3A_419] {strides = array<i32>} : memref<128x128xf32, #tpu.memory_space<vmem>>, vector<16xf32>,
          tpu.vector_store %arg19[%swap3A_418, %swap3A_419], %mul3A_417 {strides = array<i32>} : memref<128x128xf32, #tpu.memory_space<vmem>>, vector<16xf32>,
          %get3A_421 = arith.index_cast %scan3A_369 : i32 to index
          %get3A_422 = arith.constant 112 : index
          %get3A_423 = tpu.vector_load %arg19[%get3A_421, %get3A_422] {strides = array<i32>} : memref<128x128xf32, #tpu.memory_space<vmem>>, vector<16xf32>,
          %mul3A_424 = arith.mulf %get3A_423, %gather3A : vector<16xf32>
          %swap3A_425 = arith.index_cast %scan3A_369 : i32 to index
          %swap3A_426 = arith.constant 112 : index
          %swap3A_427 = tpu.vector_load %arg19[%swap3A_425, %swap3A_426] {strides = array<i32>} : memref<128x128xf32, #tpu.memory_space<vmem>>, vector<16xf32>,
          tpu.vector_store %arg19[%swap3A_425, %swap3A_426], %mul3A_424 {strides = array<i32>} : memref<128x128xf32, #tpu.memory_space<vmem>>, vector<16xf32>,
          %scan3A_428 = arith.constant 0 : i32
          scf.yield %scan3A_428 : i32
        }
        %scan3A_236 = arith.constant 128 : i32
        %dma_start3A_237 = arith.constant 0 : i32
        %dma_start3A_238 = arith.constant 0 : i32
        %dma_start3A_239 = tpu.memref_slice %arg8[%dma_start3A_237, %dma_start3A_238] : memref<10240x128xf32, #tpu.memory_space<vmem_shared>> -> memref<10240x128xf32, #tpu.memory_space<vmem_shared>>
        tpu.enqueue_indirect_dma source(%arg19 : memref<128x128xf32, #tpu.memory_space<vmem>>) target(%dma_start3A_239 : memref<10240x128xf32, #tpu.memory_space<vmem_shared>>) offsets(%arg15 : memref<128xi32, #tpu.memory_space<vmem>>) semaphore(%arg25 : memref<!tpu.dma_semaphore, #tpu.memory_space<semaphore_mem>>) {add = true}
        %dma_wait3A_240 = arith.constant 0 : i32
        %dma_wait3A_241 = arith.constant 0 : i32
        %dma_wait3A_242 = tpu.memref_slice %arg8[%dma_wait3A_240, %dma_wait3A_241] : memref<10240x128xf32, #tpu.memory_space<vmem_shared>> -> memref<10240x128xf32, #tpu.memory_space<vmem_shared>>
        tpu.wait_indirect_dma semaphore(%arg22 : memref<!tpu.dma_semaphore, #tpu.memory_space<semaphore_mem>>) src(%arg18 : memref<128x128xf32, #tpu.memory_space<vmem>>) dst(%dma_wait3A_242 : memref<10240x128xf32, #tpu.memory_space<vmem_shared>>)
        %mul3A_243 = arith.constant 2 : i32
        %mul3A_244 = arith.muli %mul3A_243, %scan3A_200 : i32
        %add3A_245 = arith.constant 2 : i32
        %add3A_246 = arith.addi %mul3A_244, %add3A_245 : i32
        %mul3A_247 = arith.constant 128 : i32
        %mul3A_248 = arith.muli %add3A_246, %mul3A_247 : i32
        %dma_start3A_249 = tpu.memref_slice %arg13[%mul3A_248] : memref<1024xi32, #tpu.memory_space<vmem>> -> memref<128xi32, #tpu.memory_space<vmem>>
        %dma_start3A_250 = arith.constant 0 : i32
        %dma_start3A_251 = arith.constant 0 : i32
        %dma_start3A_252 = tpu.memref_slice %arg5[%dma_start3A_250, %dma_start3A_251] : memref<70000x128xf32, #tpu.memory_space<hbm>> -> memref<70000x128xf32, #tpu.memory_space<hbm>>
        tpu.enqueue_indirect_dma source(%dma_start3A_252 : memref<70000x128xf32, #tpu.memory_space<hbm>>) target(%arg18 : memref<128x128xf32, #tpu.memory_space<vmem>>) offsets(%dma_start3A_249 : memref<128xi32, #tpu.memory_space<vmem>>) semaphore(%arg20 : memref<!tpu.dma_semaphore, #tpu.memory_space<semaphore_mem>>)
        %dma_start3A_253 = tpu.memref_slice %arg12[%mul3A_248] : memref<1024xi32, #tpu.memory_space<vmem>> -> memref<128xi32, #tpu.memory_space<vmem>>
        %dma_start3A_254 = arith.constant 0 : i32
        %dma_start3A_255 = tpu.memref_slice %arg6[%dma_start3A_254] : memref<71680xf32, #tpu.memory_space<hbm>> -> memref<71680xf32, #tpu.memory_space<hbm>>
        tpu.enqueue_indirect_dma source(%dma_start3A_255 : memref<71680xf32, #tpu.memory_space<hbm>>) target(%arg16 : memref<128xf32, #tpu.memory_space<vmem>>) offsets(%dma_start3A_253 : memref<128xi32, #tpu.memory_space<vmem>>) semaphore(%arg21 : memref<!tpu.dma_semaphore, #tpu.memory_space<semaphore_mem>>)
        %add3A_256 = arith.constant 0 : i32
        %add3A_257 = arith.addi %mul3A_248, %add3A_256 : i32
        %get3A_258 = arith.index_cast %add3A_257 : i32 to index
        %get3A_259 = tpu.vector_load %arg9[%get3A_258] {strides = array<i32>} : memref<1024xi32, #tpu.memory_space<vmem>>, vector<16xi32>,
        %swap3A_260 = arith.constant 0 : index
        %swap3A_261 = tpu.vector_load %arg14[%swap3A_260] {strides = array<i32>} : memref<128xi32, #tpu.memory_space<vmem>>, vector<16xi32>,
        tpu.vector_store %arg14[%swap3A_260], %get3A_259 {strides = array<i32>} : memref<128xi32, #tpu.memory_space<vmem>>, vector<16xi32>,
        %add3A_262 = arith.constant 16 : i32
        %add3A_263 = arith.addi %mul3A_248, %add3A_262 : i32
        %get3A_264 = arith.index_cast %add3A_263 : i32 to index
        %get3A_265 = tpu.vector_load %arg9[%get3A_264] {strides = array<i32>} : memref<1024xi32, #tpu.memory_space<vmem>>, vector<16xi32>,
        %swap3A_266 = arith.constant 16 : index
        %swap3A_267 = tpu.vector_load %arg14[%swap3A_266] {strides = array<i32>} : memref<128xi32, #tpu.memory_space<vmem>>, vector<16xi32>,
        tpu.vector_store %arg14[%swap3A_266], %get3A_265 {strides = array<i32>} : memref<128xi32, #tpu.memory_space<vmem>>, vector<16xi32>,
        %add3A_268 = arith.constant 32 : i32
        %add3A_269 = arith.addi %mul3A_248, %add3A_268 : i32
        %get3A_270 = arith.index_cast %add3A_269 : i32 to index
        %get3A_271 = tpu.vector_load %arg9[%get3A_270] {strides = array<i32>} : memref<1024xi32, #tpu.memory_space<vmem>>, vector<16xi32>,
        %swap3A_272 = arith.constant 32 : index
        %swap3A_273 = tpu.vector_load %arg14[%swap3A_272] {strides = array<i32>} : memref<128xi32, #tpu.memory_space<vmem>>, vector<16xi32>,
        tpu.vector_store %arg14[%swap3A_272], %get3A_271 {strides = array<i32>} : memref<128xi32, #tpu.memory_space<vmem>>, vector<16xi32>,
        %add3A_274 = arith.constant 48 : i32
        %add3A_275 = arith.addi %mul3A_248, %add3A_274 : i32
        %get3A_276 = arith.index_cast %add3A_275 : i32 to index
        %get3A_277 = tpu.vector_load %arg9[%get3A_276] {strides = array<i32>} : memref<1024xi32, #tpu.memory_space<vmem>>, vector<16xi32>,
        %swap3A_278 = arith.constant 48 : index
        %swap3A_279 = tpu.vector_load %arg14[%swap3A_278] {strides = array<i32>} : memref<128xi32, #tpu.memory_space<vmem>>, vector<16xi32>,
        tpu.vector_store %arg14[%swap3A_278], %get3A_277 {strides = array<i32>} : memref<128xi32, #tpu.memory_space<vmem>>, vector<16xi32>,
        %add3A_280 = arith.constant 64 : i32
        %add3A_281 = arith.addi %mul3A_248, %add3A_280 : i32
        %get3A_282 = arith.index_cast %add3A_281 : i32 to index
        %get3A_283 = tpu.vector_load %arg9[%get3A_282] {strides = array<i32>} : memref<1024xi32, #tpu.memory_space<vmem>>, vector<16xi32>,
        %swap3A_284 = arith.constant 64 : index
        %swap3A_285 = tpu.vector_load %arg14[%swap3A_284] {strides = array<i32>} : memref<128xi32, #tpu.memory_space<vmem>>, vector<16xi32>,
        tpu.vector_store %arg14[%swap3A_284], %get3A_283 {strides = array<i32>} : memref<128xi32, #tpu.memory_space<vmem>>, vector<16xi32>,
        %add3A_286 = arith.constant 80 : i32
        %add3A_287 = arith.addi %mul3A_248, %add3A_286 : i32
        %get3A_288 = arith.index_cast %add3A_287 : i32 to index
        %get3A_289 = tpu.vector_load %arg9[%get3A_288] {strides = array<i32>} : memref<1024xi32, #tpu.memory_space<vmem>>, vector<16xi32>,
        %swap3A_290 = arith.constant 80 : index
        %swap3A_291 = tpu.vector_load %arg14[%swap3A_290] {strides = array<i32>} : memref<128xi32, #tpu.memory_space<vmem>>, vector<16xi32>,
        tpu.vector_store %arg14[%swap3A_290], %get3A_289 {strides = array<i32>} : memref<128xi32, #tpu.memory_space<vmem>>, vector<16xi32>,
        %add3A_292 = arith.constant 96 : i32
        %add3A_293 = arith.addi %mul3A_248, %add3A_292 : i32
        %get3A_294 = arith.index_cast %add3A_293 : i32 to index
        %get3A_295 = tpu.vector_load %arg9[%get3A_294] {strides = array<i32>} : memref<1024xi32, #tpu.memory_space<vmem>>, vector<16xi32>,
        %swap3A_296 = arith.constant 96 : index
        %swap3A_297 = tpu.vector_load %arg14[%swap3A_296] {strides = array<i32>} : memref<128xi32, #tpu.memory_space<vmem>>, vector<16xi32>,
        tpu.vector_store %arg14[%swap3A_296], %get3A_295 {strides = array<i32>} : memref<128xi32, #tpu.memory_space<vmem>>, vector<16xi32>,
        %add3A_298 = arith.constant 112 : i32
        %add3A_299 = arith.addi %mul3A_248, %add3A_298 : i32
        %get3A_300 = arith.index_cast %add3A_299 : i32 to index
        %get3A_301 = tpu.vector_load %arg9[%get3A_300] {strides = array<i32>} : memref<1024xi32, #tpu.memory_space<vmem>>, vector<16xi32>,
        %swap3A_302 = arith.constant 112 : index
        %swap3A_303 = tpu.vector_load %arg14[%swap3A_302] {strides = array<i32>} : memref<128xi32, #tpu.memory_space<vmem>>, vector<16xi32>,
        tpu.vector_store %arg14[%swap3A_302], %get3A_301 {strides = array<i32>} : memref<128xi32, #tpu.memory_space<vmem>>, vector<16xi32>,
        %dma_wait3A_304 = arith.constant 0 : i32
        %dma_wait3A_305 = arith.constant 0 : i32
        %dma_wait3A_306 = tpu.memref_slice %arg8[%dma_wait3A_304, %dma_wait3A_305] : memref<10240x128xf32, #tpu.memory_space<vmem_shared>> -> memref<10240x128xf32, #tpu.memory_space<vmem_shared>>
        tpu.wait_indirect_dma semaphore(%arg25 : memref<!tpu.dma_semaphore, #tpu.memory_space<semaphore_mem>>) src(%arg19 : memref<128x128xf32, #tpu.memory_space<vmem>>) dst(%dma_wait3A_306 : memref<10240x128xf32, #tpu.memory_space<vmem_shared>>)
        %mul3A_307 = arith.constant 2 : i32
        %mul3A_308 = arith.muli %mul3A_307, %scan3A_200 : i32
        %add3A_309 = arith.constant 3 : i32
        %add3A_310 = arith.addi %mul3A_308, %add3A_309 : i32
        %mul3A_311 = arith.constant 128 : i32
        %mul3A_312 = arith.muli %add3A_310, %mul3A_311 : i32
        %dma_start3A_313 = tpu.memref_slice %arg13[%mul3A_312] : memref<1024xi32, #tpu.memory_space<vmem>> -> memref<128xi32, #tpu.memory_space<vmem>>
        %dma_start3A_314 = arith.constant 0 : i32
        %dma_start3A_315 = arith.constant 0 : i32
        %dma_start3A_316 = tpu.memref_slice %arg5[%dma_start3A_314, %dma_start3A_315] : memref<70000x128xf32, #tpu.memory_space<hbm>> -> memref<70000x128xf32, #tpu.memory_space<hbm>>
        tpu.enqueue_indirect_dma source(%dma_start3A_316 : memref<70000x128xf32, #tpu.memory_space<hbm>>) target(%arg19 : memref<128x128xf32, #tpu.memory_space<vmem>>) offsets(%dma_start3A_313 : memref<128xi32, #tpu.memory_space<vmem>>) semaphore(%arg23 : memref<!tpu.dma_semaphore, #tpu.memory_space<semaphore_mem>>)
        %dma_start3A_317 = tpu.memref_slice %arg12[%mul3A_312] : memref<1024xi32, #tpu.memory_space<vmem>> -> memref<128xi32, #tpu.memory_space<vmem>>
        %dma_start3A_318 = arith.constant 0 : i32
        %dma_start3A_319 = tpu.memref_slice %arg6[%dma_start3A_318] : memref<71680xf32, #tpu.memory_space<hbm>> -> memref<71680xf32, #tpu.memory_space<hbm>>
        tpu.enqueue_indirect_dma source(%dma_start3A_319 : memref<71680xf32, #tpu.memory_space<hbm>>) target(%arg17 : memref<128xf32, #tpu.memory_space<vmem>>) offsets(%dma_start3A_317 : memref<128xi32, #tpu.memory_space<vmem>>) semaphore(%arg24 : memref<!tpu.dma_semaphore, #tpu.memory_space<semaphore_mem>>)
        %add3A_320 = arith.constant 0 : i32
        %add3A_321 = arith.addi %mul3A_312, %add3A_320 : i32
        %get3A_322 = arith.index_cast %add3A_321 : i32 to index
        %get3A_323 = tpu.vector_load %arg9[%get3A_322] {strides = array<i32>} : memref<1024xi32, #tpu.memory_space<vmem>>, vector<16xi32>,
        %swap3A_324 = arith.constant 0 : index
        %swap3A_325 = tpu.vector_load %arg15[%swap3A_324] {strides = array<i32>} : memref<128xi32, #tpu.memory_space<vmem>>, vector<16xi32>,
        tpu.vector_store %arg15[%swap3A_324], %get3A_323 {strides = array<i32>} : memref<128xi32, #tpu.memory_space<vmem>>, vector<16xi32>,
        %add3A_326 = arith.constant 16 : i32
        %add3A_327 = arith.addi %mul3A_312, %add3A_326 : i32
        %get3A_328 = arith.index_cast %add3A_327 : i32 to index
        %get3A_329 = tpu.vector_load %arg9[%get3A_328] {strides = array<i32>} : memref<1024xi32, #tpu.memory_space<vmem>>, vector<16xi32>,
        %swap3A_330 = arith.constant 16 : index
        %swap3A_331 = tpu.vector_load %arg15[%swap3A_330] {strides = array<i32>} : memref<128xi32, #tpu.memory_space<vmem>>, vector<16xi32>,
        tpu.vector_store %arg15[%swap3A_330], %get3A_329 {strides = array<i32>} : memref<128xi32, #tpu.memory_space<vmem>>, vector<16xi32>,
        %add3A_332 = arith.constant 32 : i32
        %add3A_333 = arith.addi %mul3A_312, %add3A_332 : i32
        %get3A_334 = arith.index_cast %add3A_333 : i32 to index
        %get3A_335 = tpu.vector_load %arg9[%get3A_334] {strides = array<i32>} : memref<1024xi32, #tpu.memory_space<vmem>>, vector<16xi32>,
        %swap3A_336 = arith.constant 32 : index
        %swap3A_337 = tpu.vector_load %arg15[%swap3A_336] {strides = array<i32>} : memref<128xi32, #tpu.memory_space<vmem>>, vector<16xi32>,
        tpu.vector_store %arg15[%swap3A_336], %get3A_335 {strides = array<i32>} : memref<128xi32, #tpu.memory_space<vmem>>, vector<16xi32>,
        %add3A_338 = arith.constant 48 : i32
        %add3A_339 = arith.addi %mul3A_312, %add3A_338 : i32
        %get3A_340 = arith.index_cast %add3A_339 : i32 to index
        %get3A_341 = tpu.vector_load %arg9[%get3A_340] {strides = array<i32>} : memref<1024xi32, #tpu.memory_space<vmem>>, vector<16xi32>,
        %swap3A_342 = arith.constant 48 : index
        %swap3A_343 = tpu.vector_load %arg15[%swap3A_342] {strides = array<i32>} : memref<128xi32, #tpu.memory_space<vmem>>, vector<16xi32>,
        tpu.vector_store %arg15[%swap3A_342], %get3A_341 {strides = array<i32>} : memref<128xi32, #tpu.memory_space<vmem>>, vector<16xi32>,
        %add3A_344 = arith.constant 64 : i32
        %add3A_345 = arith.addi %mul3A_312, %add3A_344 : i32
        %get3A_346 = arith.index_cast %add3A_345 : i32 to index
        %get3A_347 = tpu.vector_load %arg9[%get3A_346] {strides = array<i32>} : memref<1024xi32, #tpu.memory_space<vmem>>, vector<16xi32>,
        %swap3A_348 = arith.constant 64 : index
        %swap3A_349 = tpu.vector_load %arg15[%swap3A_348] {strides = array<i32>} : memref<128xi32, #tpu.memory_space<vmem>>, vector<16xi32>,
        tpu.vector_store %arg15[%swap3A_348], %get3A_347 {strides = array<i32>} : memref<128xi32, #tpu.memory_space<vmem>>, vector<16xi32>,
        %add3A_350 = arith.constant 80 : i32
        %add3A_351 = arith.addi %mul3A_312, %add3A_350 : i32
        %get3A_352 = arith.index_cast %add3A_351 : i32 to index
        %get3A_353 = tpu.vector_load %arg9[%get3A_352] {strides = array<i32>} : memref<1024xi32, #tpu.memory_space<vmem>>, vector<16xi32>,
        %swap3A_354 = arith.constant 80 : index
        %swap3A_355 = tpu.vector_load %arg15[%swap3A_354] {strides = array<i32>} : memref<128xi32, #tpu.memory_space<vmem>>, vector<16xi32>,
        tpu.vector_store %arg15[%swap3A_354], %get3A_353 {strides = array<i32>} : memref<128xi32, #tpu.memory_space<vmem>>, vector<16xi32>,
        %add3A_356 = arith.constant 96 : i32
        %add3A_357 = arith.addi %mul3A_312, %add3A_356 : i32
        %get3A_358 = arith.index_cast %add3A_357 : i32 to index
        %get3A_359 = tpu.vector_load %arg9[%get3A_358] {strides = array<i32>} : memref<1024xi32, #tpu.memory_space<vmem>>, vector<16xi32>,
        %swap3A_360 = arith.constant 96 : index
        %swap3A_361 = tpu.vector_load %arg15[%swap3A_360] {strides = array<i32>} : memref<128xi32, #tpu.memory_space<vmem>>, vector<16xi32>,
        tpu.vector_store %arg15[%swap3A_360], %get3A_359 {strides = array<i32>} : memref<128xi32, #tpu.memory_space<vmem>>, vector<16xi32>,
        %add3A_362 = arith.constant 112 : i32
        %add3A_363 = arith.addi %mul3A_312, %add3A_362 : i32
        %get3A_364 = arith.index_cast %add3A_363 : i32 to index
        %get3A_365 = tpu.vector_load %arg9[%get3A_364] {strides = array<i32>} : memref<1024xi32, #tpu.memory_space<vmem>>, vector<16xi32>,
        %swap3A_366 = arith.constant 112 : index
        %swap3A_367 = tpu.vector_load %arg15[%swap3A_366] {strides = array<i32>} : memref<128xi32, #tpu.memory_space<vmem>>, vector<16xi32>,
        tpu.vector_store %arg15[%swap3A_366], %get3A_365 {strides = array<i32>} : memref<128xi32, #tpu.memory_space<vmem>>, vector<16xi32>,
        %scan3A_368 = arith.constant 0 : i32
        scf.yield %scan3A_368 : i32
      }
      %scan3A_155 = arith.constant 3 : i32
      %dma_wait3A = arith.constant 0 : i32
      %dma_wait3A_156 = tpu.memref_slice %arg13[%dma_wait3A] : memref<1024xi32, #tpu.memory_space<vmem>> -> memref<128xi32, #tpu.memory_space<vmem>>
      %dma_wait3A_157 = arith.constant 0 : i32
      %dma_wait3A_158 = arith.constant 0 : i32
      %dma_wait3A_159 = tpu.memref_slice %arg5[%dma_wait3A_157, %dma_wait3A_158] : memref<70000x128xf32, #tpu.memory_space<hbm>> -> memref<70000x128xf32, #tpu.memory_space<hbm>>
      tpu.wait_indirect_dma semaphore(%arg20 : memref<!tpu.dma_semaphore, #tpu.memory_space<semaphore_mem>>) src(%dma_wait3A_159 : memref<70000x128xf32, #tpu.memory_space<hbm>>) dst(%arg18 : memref<128x128xf32, #tpu.memory_space<vmem>>)
      %dma_wait3A_160 = arith.constant 0 : i32
      %dma_wait3A_161 = tpu.memref_slice %arg12[%dma_wait3A_160] : memref<1024xi32, #tpu.memory_space<vmem>> -> memref<128xi32, #tpu.memory_space<vmem>>
      %dma_wait3A_162 = arith.constant 0 : i32
      %dma_wait3A_163 = tpu.memref_slice %arg6[%dma_wait3A_162] : memref<71680xf32, #tpu.memory_space<hbm>> -> memref<71680xf32, #tpu.memory_space<hbm>>
      tpu.wait_indirect_dma semaphore(%arg21 : memref<!tpu.dma_semaphore, #tpu.memory_space<semaphore_mem>>) src(%dma_wait3A_163 : memref<71680xf32, #tpu.memory_space<hbm>>) dst(%arg16 : memref<128xf32, #tpu.memory_space<vmem>>)
      %scan3A_164 = arith.constant 0 : i32
      %scan3A_165 = arith.constant 0 : i32
      %scan3A_166 = arith.constant 128 : i32
      %scan3A_167 = arith.addi %scan3A_165, %scan3A_166 : i32
      %scan3A_168 = arith.constant 1 : i32
      %scan3A_169 = scf.for %scan3A_200 = %scan3A_165 to %scan3A_167 step %scan3A_168 iter_args(%scan3A_201 = %scan3A_164) -> (i32)  : i32 {
        %broadcast_in_dim3A_202 = vector.broadcast %scan3A_200 : i32 to vector<16xi32>
        %gather3A = tpu.vector_load_idx %arg16[%broadcast_in_dim3A_202] : memref<128xf32, #tpu.memory_space<vmem>>[vector<16xi32>], vector<16xf32>,
        %get3A_203 = arith.index_cast %scan3A_200 : i32 to index
        %get3A_204 = arith.constant 0 : index
        %get3A_205 = tpu.vector_load %arg18[%get3A_203, %get3A_204] {strides = array<i32>} : memref<128x128xf32, #tpu.memory_space<vmem>>, vector<16xf32>,
        %mul3A_206 = arith.mulf %get3A_205, %gather3A : vector<16xf32>
        %swap3A_207 = arith.index_cast %scan3A_200 : i32 to index
        %swap3A_208 = arith.constant 0 : index
        %swap3A_209 = tpu.vector_load %arg18[%swap3A_207, %swap3A_208] {strides = array<i32>} : memref<128x128xf32, #tpu.memory_space<vmem>>, vector<16xf32>,
        tpu.vector_store %arg18[%swap3A_207, %swap3A_208], %mul3A_206 {strides = array<i32>} : memref<128x128xf32, #tpu.memory_space<vmem>>, vector<16xf32>,
        %get3A_210 = arith.index_cast %scan3A_200 : i32 to index
        %get3A_211 = arith.constant 16 : index
        %get3A_212 = tpu.vector_load %arg18[%get3A_210, %get3A_211] {strides = array<i32>} : memref<128x128xf32, #tpu.memory_space<vmem>>, vector<16xf32>,
        %mul3A_213 = arith.mulf %get3A_212, %gather3A : vector<16xf32>
        %swap3A_214 = arith.index_cast %scan3A_200 : i32 to index
        %swap3A_215 = arith.constant 16 : index
        %swap3A_216 = tpu.vector_load %arg18[%swap3A_214, %swap3A_215] {strides = array<i32>} : memref<128x128xf32, #tpu.memory_space<vmem>>, vector<16xf32>,
        tpu.vector_store %arg18[%swap3A_214, %swap3A_215], %mul3A_213 {strides = array<i32>} : memref<128x128xf32, #tpu.memory_space<vmem>>, vector<16xf32>,
        %get3A_217 = arith.index_cast %scan3A_200 : i32 to index
        %get3A_218 = arith.constant 32 : index
        %get3A_219 = tpu.vector_load %arg18[%get3A_217, %get3A_218] {strides = array<i32>} : memref<128x128xf32, #tpu.memory_space<vmem>>, vector<16xf32>,
        %mul3A_220 = arith.mulf %get3A_219, %gather3A : vector<16xf32>
        %swap3A_221 = arith.index_cast %scan3A_200 : i32 to index
        %swap3A_222 = arith.constant 32 : index
        %swap3A_223 = tpu.vector_load %arg18[%swap3A_221, %swap3A_222] {strides = array<i32>} : memref<128x128xf32, #tpu.memory_space<vmem>>, vector<16xf32>,
        tpu.vector_store %arg18[%swap3A_221, %swap3A_222], %mul3A_220 {strides = array<i32>} : memref<128x128xf32, #tpu.memory_space<vmem>>, vector<16xf32>,
        %get3A_224 = arith.index_cast %scan3A_200 : i32 to index
        %get3A_225 = arith.constant 48 : index
        %get3A_226 = tpu.vector_load %arg18[%get3A_224, %get3A_225] {strides = array<i32>} : memref<128x128xf32, #tpu.memory_space<vmem>>, vector<16xf32>,
        %mul3A_227 = arith.mulf %get3A_226, %gather3A : vector<16xf32>
        %swap3A_228 = arith.index_cast %scan3A_200 : i32 to index
        %swap3A_229 = arith.constant 48 : index
        %swap3A_230 = tpu.vector_load %arg18[%swap3A_228, %swap3A_229] {strides = array<i32>} : memref<128x128xf32, #tpu.memory_space<vmem>>, vector<16xf32>,
        tpu.vector_store %arg18[%swap3A_228, %swap3A_229], %mul3A_227 {strides = array<i32>} : memref<128x128xf32, #tpu.memory_space<vmem>>, vector<16xf32>,
        %get3A_231 = arith.index_cast %scan3A_200 : i32 to index
        %get3A_232 = arith.constant 64 : index
        %get3A_233 = tpu.vector_load %arg18[%get3A_231, %get3A_232] {strides = array<i32>} : memref<128x128xf32, #tpu.memory_space<vmem>>, vector<16xf32>,
        %mul3A_234 = arith.mulf %get3A_233, %gather3A : vector<16xf32>
        %swap3A_235 = arith.index_cast %scan3A_200 : i32 to index
        %swap3A_236 = arith.constant 64 : index
        %swap3A_237 = tpu.vector_load %arg18[%swap3A_235, %swap3A_236] {strides = array<i32>} : memref<128x128xf32, #tpu.memory_space<vmem>>, vector<16xf32>,
        tpu.vector_store %arg18[%swap3A_235, %swap3A_236], %mul3A_234 {strides = array<i32>} : memref<128x128xf32, #tpu.memory_space<vmem>>, vector<16xf32>,
        %get3A_238 = arith.index_cast %scan3A_200 : i32 to index
        %get3A_239 = arith.constant 80 : index
        %get3A_240 = tpu.vector_load %arg18[%get3A_238, %get3A_239] {strides = array<i32>} : memref<128x128xf32, #tpu.memory_space<vmem>>, vector<16xf32>,
        %mul3A_241 = arith.mulf %get3A_240, %gather3A : vector<16xf32>
        %swap3A_242 = arith.index_cast %scan3A_200 : i32 to index
        %swap3A_243 = arith.constant 80 : index
        %swap3A_244 = tpu.vector_load %arg18[%swap3A_242, %swap3A_243] {strides = array<i32>} : memref<128x128xf32, #tpu.memory_space<vmem>>, vector<16xf32>,
        tpu.vector_store %arg18[%swap3A_242, %swap3A_243], %mul3A_241 {strides = array<i32>} : memref<128x128xf32, #tpu.memory_space<vmem>>, vector<16xf32>,
        %get3A_245 = arith.index_cast %scan3A_200 : i32 to index
        %get3A_246 = arith.constant 96 : index
        %get3A_247 = tpu.vector_load %arg18[%get3A_245, %get3A_246] {strides = array<i32>} : memref<128x128xf32, #tpu.memory_space<vmem>>, vector<16xf32>,
        %mul3A_248 = arith.mulf %get3A_247, %gather3A : vector<16xf32>
        %swap3A_249 = arith.index_cast %scan3A_200 : i32 to index
        %swap3A_250 = arith.constant 96 : index
        %swap3A_251 = tpu.vector_load %arg18[%swap3A_249, %swap3A_250] {strides = array<i32>} : memref<128x128xf32, #tpu.memory_space<vmem>>, vector<16xf32>,
        tpu.vector_store %arg18[%swap3A_249, %swap3A_250], %mul3A_248 {strides = array<i32>} : memref<128x128xf32, #tpu.memory_space<vmem>>, vector<16xf32>,
        %get3A_252 = arith.index_cast %scan3A_200 : i32 to index
        %get3A_253 = arith.constant 112 : index
        %get3A_254 = tpu.vector_load %arg18[%get3A_252, %get3A_253] {strides = array<i32>} : memref<128x128xf32, #tpu.memory_space<vmem>>, vector<16xf32>,
        %mul3A_255 = arith.mulf %get3A_254, %gather3A : vector<16xf32>
        %swap3A_256 = arith.index_cast %scan3A_200 : i32 to index
        %swap3A_257 = arith.constant 112 : index
        %swap3A_258 = tpu.vector_load %arg18[%swap3A_256, %swap3A_257] {strides = array<i32>} : memref<128x128xf32, #tpu.memory_space<vmem>>, vector<16xf32>,
        tpu.vector_store %arg18[%swap3A_256, %swap3A_257], %mul3A_255 {strides = array<i32>} : memref<128x128xf32, #tpu.memory_space<vmem>>, vector<16xf32>,
        %scan3A_259 = arith.constant 0 : i32
        scf.yield %scan3A_259 : i32
      }
      %scan3A_170 = arith.constant 128 : i32
      %dma_start3A_171 = arith.constant 0 : i32
      %dma_start3A_172 = arith.constant 0 : i32
      %dma_start3A_173 = tpu.memref_slice %arg8[%dma_start3A_171, %dma_start3A_172] : memref<10240x128xf32, #tpu.memory_space<vmem_shared>> -> memref<10240x128xf32, #tpu.memory_space<vmem_shared>>
      tpu.enqueue_indirect_dma source(%arg18 : memref<128x128xf32, #tpu.memory_space<vmem>>) target(%dma_start3A_173 : memref<10240x128xf32, #tpu.memory_space<vmem_shared>>) offsets(%arg14 : memref<128xi32, #tpu.memory_space<vmem>>) semaphore(%arg22 : memref<!tpu.dma_semaphore, #tpu.memory_space<semaphore_mem>>) {add = true}
      %dma_wait3A_174 = arith.constant 0 : i32
      %dma_wait3A_175 = tpu.memref_slice %arg13[%dma_wait3A_174] : memref<1024xi32, #tpu.memory_space<vmem>> -> memref<128xi32, #tpu.memory_space<vmem>>
      %dma_wait3A_176 = arith.constant 0 : i32
      %dma_wait3A_177 = arith.constant 0 : i32
      %dma_wait3A_178 = tpu.memref_slice %arg5[%dma_wait3A_176, %dma_wait3A_177] : memref<70000x128xf32, #tpu.memory_space<hbm>> -> memref<70000x128xf32, #tpu.memory_space<hbm>>
      tpu.wait_indirect_dma semaphore(%arg23 : memref<!tpu.dma_semaphore, #tpu.memory_space<semaphore_mem>>) src(%dma_wait3A_178 : memref<70000x128xf32, #tpu.memory_space<hbm>>) dst(%arg19 : memref<128x128xf32, #tpu.memory_space<vmem>>)
      %dma_wait3A_179 = arith.constant 0 : i32
      %dma_wait3A_180 = tpu.memref_slice %arg12[%dma_wait3A_179] : memref<1024xi32, #tpu.memory_space<vmem>> -> memref<128xi32, #tpu.memory_space<vmem>>
      %dma_wait3A_181 = arith.constant 0 : i32
      %dma_wait3A_182 = tpu.memref_slice %arg6[%dma_wait3A_181] : memref<71680xf32, #tpu.memory_space<hbm>> -> memref<71680xf32, #tpu.memory_space<hbm>>
      tpu.wait_indirect_dma semaphore(%arg24 : memref<!tpu.dma_semaphore, #tpu.memory_space<semaphore_mem>>) src(%dma_wait3A_182 : memref<71680xf32, #tpu.memory_space<hbm>>) dst(%arg17 : memref<128xf32, #tpu.memory_space<vmem>>)
      %scan3A_183 = arith.constant 0 : i32
      %scan3A_184 = arith.constant 0 : i32
      %scan3A_185 = arith.constant 128 : i32
      %scan3A_186 = arith.addi %scan3A_184, %scan3A_185 : i32
      %scan3A_187 = arith.constant 1 : i32
      %scan3A_188 = scf.for %scan3A_200 = %scan3A_184 to %scan3A_186 step %scan3A_187 iter_args(%scan3A_201 = %scan3A_183) -> (i32)  : i32 {
        %broadcast_in_dim3A_202 = vector.broadcast %scan3A_200 : i32 to vector<16xi32>
        %gather3A = tpu.vector_load_idx %arg17[%broadcast_in_dim3A_202] : memref<128xf32, #tpu.memory_space<vmem>>[vector<16xi32>], vector<16xf32>,
        %get3A_203 = arith.index_cast %scan3A_200 : i32 to index
        %get3A_204 = arith.constant 0 : index
        %get3A_205 = tpu.vector_load %arg19[%get3A_203, %get3A_204] {strides = array<i32>} : memref<128x128xf32, #tpu.memory_space<vmem>>, vector<16xf32>,
        %mul3A_206 = arith.mulf %get3A_205, %gather3A : vector<16xf32>
        %swap3A_207 = arith.index_cast %scan3A_200 : i32 to index
        %swap3A_208 = arith.constant 0 : index
        %swap3A_209 = tpu.vector_load %arg19[%swap3A_207, %swap3A_208] {strides = array<i32>} : memref<128x128xf32, #tpu.memory_space<vmem>>, vector<16xf32>,
        tpu.vector_store %arg19[%swap3A_207, %swap3A_208], %mul3A_206 {strides = array<i32>} : memref<128x128xf32, #tpu.memory_space<vmem>>, vector<16xf32>,
        %get3A_210 = arith.index_cast %scan3A_200 : i32 to index
        %get3A_211 = arith.constant 16 : index
        %get3A_212 = tpu.vector_load %arg19[%get3A_210, %get3A_211] {strides = array<i32>} : memref<128x128xf32, #tpu.memory_space<vmem>>, vector<16xf32>,
        %mul3A_213 = arith.mulf %get3A_212, %gather3A : vector<16xf32>
        %swap3A_214 = arith.index_cast %scan3A_200 : i32 to index
        %swap3A_215 = arith.constant 16 : index
        %swap3A_216 = tpu.vector_load %arg19[%swap3A_214, %swap3A_215] {strides = array<i32>} : memref<128x128xf32, #tpu.memory_space<vmem>>, vector<16xf32>,
        tpu.vector_store %arg19[%swap3A_214, %swap3A_215], %mul3A_213 {strides = array<i32>} : memref<128x128xf32, #tpu.memory_space<vmem>>, vector<16xf32>,
        %get3A_217 = arith.index_cast %scan3A_200 : i32 to index
        %get3A_218 = arith.constant 32 : index
        %get3A_219 = tpu.vector_load %arg19[%get3A_217, %get3A_218] {strides = array<i32>} : memref<128x128xf32, #tpu.memory_space<vmem>>, vector<16xf32>,
        %mul3A_220 = arith.mulf %get3A_219, %gather3A : vector<16xf32>
        %swap3A_221 = arith.index_cast %scan3A_200 : i32 to index
        %swap3A_222 = arith.constant 32 : index
        %swap3A_223 = tpu.vector_load %arg19[%swap3A_221, %swap3A_222] {strides = array<i32>} : memref<128x128xf32, #tpu.memory_space<vmem>>, vector<16xf32>,
        tpu.vector_store %arg19[%swap3A_221, %swap3A_222], %mul3A_220 {strides = array<i32>} : memref<128x128xf32, #tpu.memory_space<vmem>>, vector<16xf32>,
        %get3A_224 = arith.index_cast %scan3A_200 : i32 to index
        %get3A_225 = arith.constant 48 : index
        %get3A_226 = tpu.vector_load %arg19[%get3A_224, %get3A_225] {strides = array<i32>} : memref<128x128xf32, #tpu.memory_space<vmem>>, vector<16xf32>,
        %mul3A_227 = arith.mulf %get3A_226, %gather3A : vector<16xf32>
        %swap3A_228 = arith.index_cast %scan3A_200 : i32 to index
        %swap3A_229 = arith.constant 48 : index
        %swap3A_230 = tpu.vector_load %arg19[%swap3A_228, %swap3A_229] {strides = array<i32>} : memref<128x128xf32, #tpu.memory_space<vmem>>, vector<16xf32>,
        tpu.vector_store %arg19[%swap3A_228, %swap3A_229], %mul3A_227 {strides = array<i32>} : memref<128x128xf32, #tpu.memory_space<vmem>>, vector<16xf32>,
        %get3A_231 = arith.index_cast %scan3A_200 : i32 to index
        %get3A_232 = arith.constant 64 : index
        %get3A_233 = tpu.vector_load %arg19[%get3A_231, %get3A_232] {strides = array<i32>} : memref<128x128xf32, #tpu.memory_space<vmem>>, vector<16xf32>,
        %mul3A_234 = arith.mulf %get3A_233, %gather3A : vector<16xf32>
        %swap3A_235 = arith.index_cast %scan3A_200 : i32 to index
        %swap3A_236 = arith.constant 64 : index
        %swap3A_237 = tpu.vector_load %arg19[%swap3A_235, %swap3A_236] {strides = array<i32>} : memref<128x128xf32, #tpu.memory_space<vmem>>, vector<16xf32>,
        tpu.vector_store %arg19[%swap3A_235, %swap3A_236], %mul3A_234 {strides = array<i32>} : memref<128x128xf32, #tpu.memory_space<vmem>>, vector<16xf32>,
        %get3A_238 = arith.index_cast %scan3A_200 : i32 to index
        %get3A_239 = arith.constant 80 : index
        %get3A_240 = tpu.vector_load %arg19[%get3A_238, %get3A_239] {strides = array<i32>} : memref<128x128xf32, #tpu.memory_space<vmem>>, vector<16xf32>,
        %mul3A_241 = arith.mulf %get3A_240, %gather3A : vector<16xf32>
        %swap3A_242 = arith.index_cast %scan3A_200 : i32 to index
        %swap3A_243 = arith.constant 80 : index
        %swap3A_244 = tpu.vector_load %arg19[%swap3A_242, %swap3A_243] {strides = array<i32>} : memref<128x128xf32, #tpu.memory_space<vmem>>, vector<16xf32>,
        tpu.vector_store %arg19[%swap3A_242, %swap3A_243], %mul3A_241 {strides = array<i32>} : memref<128x128xf32, #tpu.memory_space<vmem>>, vector<16xf32>,
        %get3A_245 = arith.index_cast %scan3A_200 : i32 to index
        %get3A_246 = arith.constant 96 : index
        %get3A_247 = tpu.vector_load %arg19[%get3A_245, %get3A_246] {strides = array<i32>} : memref<128x128xf32, #tpu.memory_space<vmem>>, vector<16xf32>,
        %mul3A_248 = arith.mulf %get3A_247, %gather3A : vector<16xf32>
        %swap3A_249 = arith.index_cast %scan3A_200 : i32 to index
        %swap3A_250 = arith.constant 96 : index
        %swap3A_251 = tpu.vector_load %arg19[%swap3A_249, %swap3A_250] {strides = array<i32>} : memref<128x128xf32, #tpu.memory_space<vmem>>, vector<16xf32>,
        tpu.vector_store %arg19[%swap3A_249, %swap3A_250], %mul3A_248 {strides = array<i32>} : memref<128x128xf32, #tpu.memory_space<vmem>>, vector<16xf32>,
        %get3A_252 = arith.index_cast %scan3A_200 : i32 to index
        %get3A_253 = arith.constant 112 : index
        %get3A_254 = tpu.vector_load %arg19[%get3A_252, %get3A_253] {strides = array<i32>} : memref<128x128xf32, #tpu.memory_space<vmem>>, vector<16xf32>,
        %mul3A_255 = arith.mulf %get3A_254, %gather3A : vector<16xf32>
        %swap3A_256 = arith.index_cast %scan3A_200 : i32 to index
        %swap3A_257 = arith.constant 112 : index
        %swap3A_258 = tpu.vector_load %arg19[%swap3A_256, %swap3A_257] {strides = array<i32>} : memref<128x128xf32, #tpu.memory_space<vmem>>, vector<16xf32>,
        tpu.vector_store %arg19[%swap3A_256, %swap3A_257], %mul3A_255 {strides = array<i32>} : memref<128x128xf32, #tpu.memory_space<vmem>>, vector<16xf32>,
        %scan3A_259 = arith.constant 0 : i32
        scf.yield %scan3A_259 : i32
      }
      %scan3A_189 = arith.constant 128 : i32
      %dma_start3A_190 = arith.constant 0 : i32
      %dma_start3A_191 = arith.constant 0 : i32
      %dma_start3A_192 = tpu.memref_slice %arg8[%dma_start3A_190, %dma_start3A_191] : memref<10240x128xf32, #tpu.memory_space<vmem_shared>> -> memref<10240x128xf32, #tpu.memory_space<vmem_shared>>
      tpu.enqueue_indirect_dma source(%arg19 : memref<128x128xf32, #tpu.memory_space<vmem>>) target(%dma_start3A_192 : memref<10240x128xf32, #tpu.memory_space<vmem_shared>>) offsets(%arg15 : memref<128xi32, #tpu.memory_space<vmem>>) semaphore(%arg25 : memref<!tpu.dma_semaphore, #tpu.memory_space<semaphore_mem>>) {add = true}
      %dma_wait3A_193 = arith.constant 0 : i32
      %dma_wait3A_194 = arith.constant 0 : i32
      %dma_wait3A_195 = tpu.memref_slice %arg8[%dma_wait3A_193, %dma_wait3A_194] : memref<10240x128xf32, #tpu.memory_space<vmem_shared>> -> memref<10240x128xf32, #tpu.memory_space<vmem_shared>>
      tpu.wait_indirect_dma semaphore(%arg22 : memref<!tpu.dma_semaphore, #tpu.memory_space<semaphore_mem>>) src(%arg18 : memref<128x128xf32, #tpu.memory_space<vmem>>) dst(%dma_wait3A_195 : memref<10240x128xf32, #tpu.memory_space<vmem_shared>>)
      %dma_wait3A_196 = arith.constant 0 : i32
      %dma_wait3A_197 = arith.constant 0 : i32
      %dma_wait3A_198 = tpu.memref_slice %arg8[%dma_wait3A_196, %dma_wait3A_197] : memref<10240x128xf32, #tpu.memory_space<vmem_shared>> -> memref<10240x128xf32, #tpu.memory_space<vmem_shared>>
      tpu.wait_indirect_dma semaphore(%arg25 : memref<!tpu.dma_semaphore, #tpu.memory_space<semaphore_mem>>) src(%arg19 : memref<128x128xf32, #tpu.memory_space<vmem>>) dst(%dma_wait3A_198 : memref<10240x128xf32, #tpu.memory_space<vmem_shared>>)
      %while3A_199 = arith.constant 0 : i32
      scf.yield %while3A_199 : i32
    }
    %barrier3A_50 = arith.constant 0 : index
    tpu.barrier barrier_id(%barrier3A_50)
    %scan3A_51 = arith.constant 0 : i32
    %scan3A_52 = arith.constant 0 : i32
    %scan3A_53 = arith.constant 5 : i32
    %scan3A_54 = arith.addi %scan3A_52, %scan3A_53 : i32
    %scan3A_55 = arith.constant 1 : i32
    %scan3A_56 = scf.for %scan3A_58 = %scan3A_52 to %scan3A_54 step %scan3A_55 iter_args(%scan3A_59 = %scan3A_51) -> (i32)  : i32 {
      %mul3A_60 = arith.constant 640 : i32
      %mul3A_61 = arith.muli %arg1, %mul3A_60 : i32
      %mul3A_62 = arith.constant 128 : i32
      %mul3A_63 = arith.muli %scan3A_58, %mul3A_62 : i32
      %add3A_64 = arith.addi %mul3A_61, %mul3A_63 : i32
      "tpu.region"() ({
        %run_scoped3A = tpu.sem_alloc : memref<!tpu.dma_semaphore, #tpu.memory_space<semaphore_mem>>
        %dma_start3A = arith.constant 0 : i32
        %dma_start3A_66 = tpu.memref_slice %arg7[%arg0, %add3A_64, %dma_start3A] : memref<2x10240x128xf32, #tpu.memory_space<hbm>> -> memref<1x128x128xf32, #tpu.memory_space<hbm>>
        %dma_start3A_67 = tpu.memref_squeeze %dma_start3A_66 : memref<1x128x128xf32, #tpu.memory_space<hbm>> -> memref<128x128xf32, #tpu.memory_space<hbm>>
        %dma_start3A_68 = arith.constant 0 : i32
        %dma_start3A_69 = tpu.memref_slice %arg8[%add3A_64, %dma_start3A_68] : memref<10240x128xf32, #tpu.memory_space<vmem_shared>> -> memref<128x128xf32, #tpu.memory_space<vmem_shared>>
        tpu.enqueue_dma source(%dma_start3A_69 : memref<128x128xf32, #tpu.memory_space<vmem_shared>>) target(%dma_start3A_67 : memref<128x128xf32, #tpu.memory_space<hbm>>) target_semaphore(%run_scoped3A : memref<!tpu.dma_semaphore, #tpu.memory_space<semaphore_mem>>)
        %dma_wait3A = arith.constant 0 : i32
        %dma_wait3A_70 = tpu.memref_slice %arg7[%arg0, %add3A_64, %dma_wait3A] : memref<2x10240x128xf32, #tpu.memory_space<hbm>> -> memref<1x128x128xf32, #tpu.memory_space<hbm>>
        %dma_wait3A_71 = tpu.memref_squeeze %dma_wait3A_70 : memref<1x128x128xf32, #tpu.memory_space<hbm>> -> memref<128x128xf32, #tpu.memory_space<hbm>>
        %dma_wait3A_72 = arith.constant 0 : i32
        %dma_wait3A_73 = tpu.memref_slice %arg8[%add3A_64, %dma_wait3A_72] : memref<10240x128xf32, #tpu.memory_space<vmem_shared>> -> memref<128x128xf32, #tpu.memory_space<vmem_shared>>
        tpu.wait_dma2 semaphore(%run_scoped3A : memref<!tpu.dma_semaphore, #tpu.memory_space<semaphore_mem>>) src(%dma_wait3A_73 : memref<128x128xf32, #tpu.memory_space<vmem_shared>>) dst(%dma_wait3A_71 : memref<128x128xf32, #tpu.memory_space<hbm>>)
        tpu.yield
      }) : () -> ()
      %scan3A_65 = arith.constant 0 : i32
      scf.yield %scan3A_65 : i32
    }
    %scan3A_57 = arith.constant 5 : i32
    return
  }
}

module attributes {stable_mosaic.version = 14 : i64} {
  func.func @_mm_body(%arg0: i32, %arg1: i32, %arg2: memref<2000x128xf32, #tpu.memory_space<vmem>>, %arg3: memref<1x128x128xf32, #tpu.memory_space<vmem>>, %arg4: memref<1x2000x128xf32, #tpu.memory_space<vmem>>) attributes {dimension_semantics = [#tpu.dimension_semantics<arbitrary>, #tpu.dimension_semantics<arbitrary>], iteration_bounds = array<i64: 7, 5>, scalar_prefetch = 0 : i64, scratch_operands = 0 : i64, tpu.core_type = #tpu.core_type<tc>, window_params = [{transform_indices = @transform_0, window_bounds = array<i64: 2000, 128>}, {transform_indices = @transform_1, window_bounds = array<i64: 1, 128, 128>}, {transform_indices = @transform_2, window_bounds = array<i64: 1, 2000, 128>}]} {
    %get3A = arith.constant 0 : index
    %get3A_0 = arith.constant 0 : index
    %get3A_1 = vector.load %arg2[%get3A, %get3A_0] : memref<2000x128xf32, #tpu.memory_space<vmem>>, vector<2000x128xf32>
    %get3A_2 = arith.constant 0 : index
    %get3A_3 = arith.constant 0 : index
    %get3A_4 = arith.constant 0 : index
    %get3A_5 = vector.load %arg3[%get3A_2, %get3A_3, %get3A_4] : memref<1x128x128xf32, #tpu.memory_space<vmem>>, vector<1x128x128xf32>
    %get3A_6 = vector.shape_cast %get3A_5 : vector<1x128x128xf32> to vector<128x128xf32>
    %dot_general3A = arith.constant dense<0.000000e+00> : vector<2000x128xf32>
    %dot_general3A_7 = tpu.matmul %get3A_1, %get3A_6, %dot_general3A {dimension_numbers = #tpu.dot_dimension_numbers<[1], [0], [0], [1], [0, 0, 1, 1], [], []>, transpose_lhs_hint = false} : vector<2000x128xf32>, vector<128x128xf32>, vector<2000x128xf32> -> vector<2000x128xf32>
    %swap3A = arith.constant 0 : index
    %swap3A_8 = arith.constant 0 : index
    %swap3A_9 = arith.constant 0 : index
    %swap3A_10 = vector.load %arg4[%swap3A, %swap3A_8, %swap3A_9] : memref<1x2000x128xf32, #tpu.memory_space<vmem>>, vector<1x2000x128xf32>
    %swap3A_11 = vector.shape_cast %swap3A_10 : vector<1x2000x128xf32> to vector<2000x128xf32>
    %swap3A_12 = vector.shape_cast %dot_general3A_7 : vector<2000x128xf32> to vector<1x2000x128xf32>
    tpu.vector_store %arg4[%swap3A, %swap3A_8, %swap3A_9], %swap3A_12 {strides = array<i32>} : memref<1x2000x128xf32, #tpu.memory_space<vmem>>, vector<1x2000x128xf32>,
    return
  }
  func.func @transform_0(%arg0: i32, %arg1: i32) -> (i32, i32) {
    %c0_i32 = arith.constant 0 : i32
    %c0_i32_0 = arith.constant 0 : i32
    return %arg1, %c0_i32 : i32, i32
  }
  func.func @transform_1(%arg0: i32, %arg1: i32) -> (i32, i32, i32) {
    %c0_i32 = arith.constant 0 : i32
    %c0_i32_0 = arith.constant 0 : i32
    %c0_i32_1 = arith.constant 0 : i32
    return %arg0, %c0_i32, %c0_i32_0 : i32, i32, i32
  }
  func.func @transform_2(%arg0: i32, %arg1: i32) -> (i32, i32, i32) {
    %c0_i32 = arith.constant 0 : i32
    %c0_i32_0 = arith.constant 0 : i32
    return %arg0, %arg1, %c0_i32 : i32, i32, i32
  }
}

module attributes {stable_mosaic.version = 14 : i64} {
  func.func @_inv_body(%arg0: memref<2x560x128xf32, #tpu.memory_space<vmem>>, %arg1: memref<560x128xf32, #tpu.memory_space<vmem>>) attributes {dimension_semantics = [], scalar_prefetch = 0 : i64, scratch_operands = 0 : i64, tpu.core_type = #tpu.core_type<tc>} {
    %get3A = arith.constant 0 : index
    %get3A_0 = arith.constant 0 : index
    %get3A_1 = arith.constant 0 : index
    %get3A_2 = vector.load %arg0[%get3A, %get3A_0, %get3A_1] : memref<2x560x128xf32, #tpu.memory_space<vmem>>, vector<1x560x128xf32>
    %get3A_3 = vector.shape_cast %get3A_2 : vector<1x560x128xf32> to vector<560x128xf32>
    %get3A_4 = arith.constant 1 : index
    %get3A_5 = arith.constant 0 : index
    %get3A_6 = arith.constant 0 : index
    %get3A_7 = vector.load %arg0[%get3A_4, %get3A_5, %get3A_6] : memref<2x560x128xf32, #tpu.memory_space<vmem>>, vector<1x560x128xf32>
    %get3A_8 = vector.shape_cast %get3A_7 : vector<1x560x128xf32> to vector<560x128xf32>
    %add3A = arith.addf %get3A_3, %get3A_8 : vector<560x128xf32>
    %gt3A = arith.constant 0.000000e+00 : f32
    %gt3A_9 = vector.broadcast %gt3A : f32 to vector<560x128xf32>
    %gt3A_10 = arith.cmpf ogt, %add3A, %gt3A_9 : vector<560x128xf32>
    %div3A = arith.constant 1.000000e+00 : f32
    %div3A_11 = vector.broadcast %div3A : f32 to vector<560x128xf32>
    %div3A_12 = arith.divf %div3A_11, %add3A : vector<560x128xf32>
    %jit3A = arith.constant 0.000000e+00 : f32
    %broadcast_in_dim3A = vector.broadcast %jit3A : f32 to vector<560x128xf32>
    %select_n3A = arith.select %gt3A_10, %div3A_12, %broadcast_in_dim3A : vector<560x128xi1>, vector<560x128xf32>
    %swap3A = arith.constant 0 : index
    %swap3A_13 = arith.constant 0 : index
    %swap3A_14 = vector.load %arg1[%swap3A, %swap3A_13] : memref<560x128xf32, #tpu.memory_space<vmem>>, vector<560x128xf32>
    tpu.vector_store %arg1[%swap3A, %swap3A_13], %select_n3A {strides = array<i32>} : memref<560x128xf32, #tpu.memory_space<vmem>>, vector<560x128xf32>,
    return
  }
}

module attributes {stable_mosaic.version = 14 : i64} {
  func.func @_add_body(%arg0: i32, %arg1: memref<2x2000x128xf32, #tpu.memory_space<vmem>>, %arg2: memref<2000x128xf32, #tpu.memory_space<vmem>>) attributes {dimension_semantics = [#tpu.dimension_semantics<arbitrary>], iteration_bounds = array<i64: 5>, scalar_prefetch = 0 : i64, scratch_operands = 0 : i64, tpu.core_type = #tpu.core_type<tc>, window_params = [{transform_indices = @transform_0, window_bounds = array<i64: 2, 2000, 128>}, {transform_indices = @transform_1, window_bounds = array<i64: 2000, 128>}]} {
    %get3A = arith.constant 0 : index
    %get3A_0 = arith.constant 0 : index
    %get3A_1 = arith.constant 0 : index
    %get3A_2 = vector.load %arg1[%get3A, %get3A_0, %get3A_1] : memref<2x2000x128xf32, #tpu.memory_space<vmem>>, vector<1x2000x128xf32>
    %get3A_3 = vector.shape_cast %get3A_2 : vector<1x2000x128xf32> to vector<2000x128xf32>
    %get3A_4 = arith.constant 1 : index
    %get3A_5 = arith.constant 0 : index
    %get3A_6 = arith.constant 0 : index
    %get3A_7 = vector.load %arg1[%get3A_4, %get3A_5, %get3A_6] : memref<2x2000x128xf32, #tpu.memory_space<vmem>>, vector<1x2000x128xf32>
    %get3A_8 = vector.shape_cast %get3A_7 : vector<1x2000x128xf32> to vector<2000x128xf32>
    %add3A = arith.addf %get3A_3, %get3A_8 : vector<2000x128xf32>
    %swap3A = arith.constant 0 : index
    %swap3A_9 = arith.constant 0 : index
    %swap3A_10 = vector.load %arg2[%swap3A, %swap3A_9] : memref<2000x128xf32, #tpu.memory_space<vmem>>, vector<2000x128xf32>
    tpu.vector_store %arg2[%swap3A, %swap3A_9], %add3A {strides = array<i32>} : memref<2000x128xf32, #tpu.memory_space<vmem>>, vector<2000x128xf32>,
    return
  }
  func.func @transform_0(%arg0: i32) -> (i32, i32, i32) {
    %c0_i32 = arith.constant 0 : i32
    %c0_i32_0 = arith.constant 0 : i32
    %c0_i32_1 = arith.constant 0 : i32
    return %c0_i32, %arg0, %c0_i32_0 : i32, i32, i32
  }
  func.func @transform_1(%arg0: i32) -> (i32, i32) {
    %c0_i32 = arith.constant 0 : i32
    %c0_i32_0 = arith.constant 0 : i32
    return %arg0, %c0_i32 : i32, i32
  }
}

</mosaic_0001>

<sc_bundles>
// kernel: kernel.10.cloned.1.call-start
scs
__scs_entry_jumppad:
0x0: {  	(pc) =	sbr.rel $0x88, $3  }
0x1: {  	(tag) =	ssettag $0x0;
	lr =	simm.s32 $0x1  }
0x2: {  	[smem:$0x3F9D] =	sst lr;
	_ =	strace $0xD0000000  }
0x3: {  	_ = 	snop  }
0x4: {  	_ = 	snop  }
0x5: {  	_ = 	snop  }
0x6: {  	_ = 	snop  }
0x7: {  	_ = 	snop  }
__scs_overlays_trampoline_lowered:
0x8: {  	[smem:$0x3FAC] =	sst s0  }
0x9: {  	[smem:$0x3FAD] =	sst s1  }
0xa: {  	[smem:$0x3FAE] =	sst s2  }
0xb: {  	[smem:$0x3FAF] =	sst s3  }
0xc: {  	[smem:$0x3FB0] =	sst s4  }
0xd: {  	[smem:$0x3FB1] =	sst s5  }
0xe: {  	[smem:$0x3FB2] =	sst s6  }
0xf: {  	[smem:$0x3FB3] =	sst s7  }
0x10: {  	[smem:$0x3FB4] =	sst s8  }
0x11: {  	[smem:$0x3FB5] =	sst s9;
	s0 =	simm.s32 @!p0 $0x0  }
0x12: {  	s1 =	sld [smem:$0x3F9B];
	s0 =	simm.s32 @p0 $0x1  }
0x13: {  	[smem:$0x3FB6] =	sst s0;
	s0 =	simm.s32 @!p1 $0x0  }
0x14: {  	s2 =	sld [smem:$0x3F9A];
	s0 =	simm.s32 @p1 $0x1  }
0x15: {  	[smem:$0x3FB7] =	sst s0;
	s0 =	simm.s32 @!p2 $0x0  }
0x16: {  	s3 =	sld [smem:$0x3FDB];
	s0 =	simm.s32 @p2 $0x1  }
0x17: {  	s4 =	simm.s32 $0x1BF5;
	[smem:$0x3FB9] =	sst s0  }
0x18: {  	s0 =	sld [smem:$0x3F9C];
	_ =	swait.ge [sflag:s4], $0x0  }
0x19: {  	s7 =	sld [smem:$0x3F9D]  }
0x1a: {  	s8 =	sadd.s32 $0xFFFFE003, lr  }
0x1b: {  	s9 =	sadd.s32 $0xFFFFFEF7, lr;
	s5 =	simm.s32 $0xFFFFFFFF;
	p2 =	slt.u32 s8, $0xFFFFF086  }
0x1c: {  	p1 =	slt.u32 s9, $0xF7A;
	s5 =	simm.s32 @!p2 $0x0  }
0x1d: {  	s5 =	simm.s32 @p1 $0x1;
	p0 =	seq.s32 s7, s2  }
0x1e: {  	s7 =	smul.u32 @!p0 $0xF7A, s2;
	p2 =	seq.s32 @!p0 s5, $0x0  }
0x1f: {  	s9 =	smul.u32 $0xF7A, s1;
	s8 =	simm.s32 @!p0 $0x1BF5;
	p2 =	por !p2, p0  }
0x20: {  	[sflag:s8] =	ssyncset.s32 @!p0 $0xFFFFF086;
	s6 =	sadd.s32 @!p0 s3, s7;
	s7 =	simm.s32 @!p0 $0x108  }
0x21: {  	s3 =	sadd.s32 s3, s9;
	s6 =	sadd.s32 @!p0 $0x88, s6;
	s7 =	simm.s32 @p2 $0x1082  }
0x22: {  	[simem:s7], [sflag:s8] =	dma.local @!p0 [hbm:s6], $0xF7A  }
0x23: {  	s9 =	sor.u32 $0xD0000000, s2;
	s6 =	simm.s32 $0x108;
	_ =	swait.ge @!p0 [sflag:s8], $0x0  }
0x24: {  	s3 =	sadd.s32 $0x88, s3;
	s6 =	simm.s32 @!p1 $0x1082;
	[sflag:s4] =	ssyncset.s32 $0xFFFFF086  }
0x25: {  	[simem:s6], [sflag:s4] =	dma.local [hbm:s3], $0xF7A  }
0x26: {  	[smem:$0x3F9D] =	sst s1;
	(tag) =	ssettag s2;
	_ =	strace s9  }
0x27: {  	s1 =	sld [smem:$0x3FAD]  }
0x28: {  	s2 =	sld [smem:$0x3FAE]  }
0x29: {  	s4 =	sld [smem:$0x3FB0]  }
0x2a: {  	p0 =	seq.s32 s5, $0x0;
	s5 =	sld [smem:$0x3FB1]  }
0x2b: {  	s6 =	sld [smem:$0x3FB2]  }
0x2c: {  	s7 =	sld [smem:$0x3FB3]  }
0x2d: {  	s3 =	simm.s32 $0x108;
	s8 =	sld [smem:$0x3FB4]  }
0x2e: {  	s3 =	simm.s32 @!p0 $0x1082;
	s9 =	sld [smem:$0x3FB5]  }
0x2f: {  	lr =	sadd.s32 s0, s3;
	s0 =	sld [smem:$0x3FAC]  }
0x30: {  	s3 =	sld [smem:$0x3FAF]  }
0x31: {  	[smem:$0x3FB8] =	sst s10  }
0x32: {  	s10 =	sld [smem:$0x3FB6];
	_ =	sdelay $0x3  }
0x33: {  	p0 =	seq.s32 s10, $0x1;
	s10 =	sld [smem:$0x3FB8];
	_ =	sdelay $0x3  }
0x34: {  	[smem:$0x3FB8] =	sst s10  }
0x35: {  	s10 =	sld [smem:$0x3FB7];
	_ =	sdelay $0x3  }
0x36: {  	p1 =	seq.s32 s10, $0x1;
	s10 =	sld [smem:$0x3FB8];
	_ =	sdelay $0x3  }
0x37: {  	[smem:$0x3FB8] =	sst s10  }
0x38: {  	s10 =	sld [smem:$0x3FB9]  }
0x39: {  	_ = 	snop;
	(pc) =	sbr.ind lr, $3  }
0x3a: {  	_ = 	snop  }
0x3b: {  	_ = 	snop  }
0x3c: {  	p2 =	seq.s32 s10, $0x1;
	s10 =	sld [smem:$0x3FB8]  }
0x3d: {  	_ =	shalt  }
0x3e: {  	_ =	shalt  }
0x3f: {  	_ =	shalt  }
0x40: {  	_ =	shalt  }
0x41: {  	_ =	shalt  }
0x42: {  	_ =	shalt  }
0x43: {  	_ =	shalt  }
0x44: {  	_ =	shalt  }
0x45: {  	_ =	shalt  }
0x46: {  	_ =	shalt  }
0x47: {  	_ =	shalt  }
0x48: {  	_ =	shalt  }
0x49: {  	_ =	shalt  }
0x4a: {  	_ =	shalt  }
0x4b: {  	_ =	shalt  }
0x4c: {  	_ =	shalt  }
0x4d: {  	_ =	shalt  }
0x4e: {  	_ =	shalt  }
0x4f: {  	_ =	shalt  }
0x50: {  	_ =	shalt  }
0x51: {  	_ =	shalt  }
0x52: {  	_ =	shalt  }
0x53: {  	_ =	shalt  }
0x54: {  	_ =	shalt  }
0x55: {  	_ =	shalt  }
0x56: {  	_ =	shalt  }
0x57: {  	_ =	shalt  }
0x58: {  	_ =	shalt  }
0x59: {  	_ =	shalt  }
0x5a: {  	_ =	shalt  }
0x5b: {  	_ =	shalt  }
0x5c: {  	_ =	shalt  }
0x5d: {  	_ =	shalt  }
0x5e: {  	_ =	shalt  }
0x5f: {  	_ =	shalt  }
0x60: {  	_ =	shalt  }
0x61: {  	_ =	shalt  }
0x62: {  	_ =	shalt  }
0x63: {  	_ =	shalt  }
0x64: {  	_ =	shalt  }
0x65: {  	_ =	shalt  }
0x66: {  	_ =	shalt  }
0x67: {  	_ =	shalt  }
0x68: {  	_ =	shalt  }
0x69: {  	_ =	shalt  }
0x6a: {  	_ =	shalt  }
0x6b: {  	_ =	shalt  }
0x6c: {  	_ =	shalt  }
0x6d: {  	_ =	shalt  }
0x6e: {  	_ =	shalt  }
0x6f: {  	_ =	shalt  }
0x70: {  	_ =	shalt  }
0x71: {  	_ =	shalt  }
0x72: {  	_ =	shalt  }
0x73: {  	_ =	shalt  }
0x74: {  	_ =	shalt  }
0x75: {  	_ =	shalt  }
0x76: {  	_ =	shalt  }
0x77: {  	_ =	shalt  }
0x78: {  	_ =	shalt  }
0x79: {  	_ =	shalt  }
0x7a: {  	_ =	shalt  }
0x7b: {  	_ =	shalt  }
0x7c: {  	_ =	shalt  }
0x7d: {  	_ =	shalt  }
0x7e: {  	_ =	shalt  }
0x7f: {  	_ =	shalt  }
0x80: {  	_ =	shalt  }
0x81: {  	_ =	shalt  }
0x82: {  	_ =	shalt  }
0x83: {  	_ =	shalt  }
0x84: {  	_ =	shalt  }
0x85: {  	_ =	shalt  }
0x86: {  	_ =	shalt  }
0x87: {  	_ =	shalt  }
.Lfunc_end0:
.L_simem_size_0:
called_computation.1_lowered:
.L_overlay_start_0:
0x88: {  	s2 =	sld [smem:$0x3FD9]  }
0x89: {  	s3 =	sld [smem:$0x3FFE];
	_ =	sdelay $0x1  }
0x8a: {  	s1 =	srdreg.scid  }
0x8b: {  	s0 =	sand.u32 $0x1, s1  }
0x8c: {  	s17 =	sshll.u32 s0, $0xA;
	s2 =	sadd.s32 s3, s2  }
0x8d: {  	s2 =	sadd.s32 s2, s17  }
0x8e: {  	[smem:$0x3FC4] =	sst s2  }
0x8f: {  	_ = 	snop  }
0x90: {  	s2 =	sld [smem:$0x3FD0];
	(tm) =	ssettm $0x1  }
0x91: {  	s18 =	sld [smem:$0x3FFB];
	_ =	sdelay $0x3  }
0x92: {  	_ =	strace s18  }
0x93: {  	s3 =	sld [smem:$0x3FFC];
	_ =	sdelay $0x3  }
0x94: {  	_ =	strace s3  }
0x95: {  	s3 =	sld [smem:$0x3FFD];
	_ =	sdelay $0x3  }
0x96: {  	_ =	strace s3  }
0x97: {  	_ =	strace $0x8FFFFFFF  }
0x98: {  	s19 =	sld [smem:$0x3FDB];
	_ =	sdelay $0x1  }
0x99: {  	s4 =	simm.s32 $_scs_section_size  }
0x9a: {  	s5 =	simm.s32 $_size__tile_overlayer_lowered;
	s6 =	simm.s32 $_tile_overlayer_lowered  }
0x9b: {  	s22 =	simm.s32 $0x1BFF;
	s21 =	sshll.u32 s6, $0x1;
	s3 =	sadd.s32 s4, s19  }
0x9c: {  	s7 =	simm.s32 $0x0;
	s20 =	sshll.u32 s5, $0x1;
	s5 =	sadd.s32 s21, s3  }
0x9d: {  	[timem:s7], [sflag:s22] =	dma.local [hbm:s5], s20  }
0x9e: {  	_ =	swait.ge [sflag:s22], s20  }
0x9f: {  	s4 =	ssub.s32 $0x0, s20;
	[sflag:s22] =	ssyncset.done $0x0  }
0xa0: {  	[sflag:s22] =	ssyncadd.s32 s4;
	_ =	sdelay $0x1  }
0xa1: {  	s23 =	simm.s32 $0x1B8B  }
0xa2: {  	_ =	swait.ge [sflag:s23], $0x1  }
0xa3: {  	[sflag:s23] =	ssyncset.done $0x0  }
0xa4: {  	s25 =	simm.s32 $0x1B8E;
	s24 =	sld [smem:$0x3FFE];
	[sflag:s23] =	ssyncadd.s32 $0xFFFFFFFF  }
0xa5: {  	s26 =	simm.s32 $execute0_lowered;
	[smem:$0x3FD2] =	sst s25  }
0xa6: {  	s5 =	sshll.u32 s26, $0x1;
	_ =	strace $0x80000049;
	[dreg:$0x1] =	wrdreg $0xFFFFFFFF  }
0xa7: {  	s28 =	simm.s32 $_size_execute0_lowered;
	s3 =	sadd.s32 s3, s5;
	[dreg:$0x0] =	wrdreg $0x0  }
0xa8: {  	s5 =	sshll.u32 s28, $0x1;
	[dreg:$0x2] =	wrdreg s3  }
0xa9: {  	[dreg:$0x3] =	wrdreg s5  }
0xaa: {  	[dreg:$0x4] =	wrdreg $0xC0  }
0xab: {  	_ =	task [dreg:s7], $0x5FFFF  }
0xac: {  	[dreg:$0x1] =	wrdreg $0xFFFFFFFF  }
0xad: {  	[dreg:$0x0] =	wrdreg $0x60  }
0xae: {  	[dreg:$0x2] =	wrdreg s2  }
0xaf: {  	[dreg:$0x3] =	wrdreg s24  }
0xb0: {  	[dreg:$0x4] =	wrdreg $0x0  }
0xb1: {  	[dreg:$0x5] =	wrdreg $0x9  }
0xb2: {  	_ =	task.clear_ibuf [dreg:s7], $0x6FFFF;
	_ =	strace $0x90000049  }
0xb3: {  	s29 =	simm.s32 $0x9;
	_ =	strace $0x8000004B  }
0xb4: {  	_ =	swait.ge [sflag:s29], $0x1  }
0xb5: {  	[sflag:s29] =	ssyncadd.s32 $0xFFFFFFFF  }
0xb6: {  	_ =	strace $0x9000004B  }
0xb7: {  	_ =	sfence  }
0xb8: {  	s30 =	sld [smem:$0x0];
	_ =	sdelay $0x2  }
0xb9: {  	s31 =	sshll.u32 s1, $0xD;
	s1 =	sshrl.u32 s1, $0x2  }
0xba: {  	s3 =	sand.u32 $0x4000, s31;
	s1 =	sadd.s32 s1, s30  }
0xbb: {  	s0 =	sor.u32 s3, s0;
	s1 =	sshll.u32 s1, $0x11  }
0xbc: {  	s0 =	sor.u32 s1, s0  }
0xbd: {  	s0 =	sadd.s32 $0x8F2B, s0  }
0xbe: {  	[sflag:s0] =	ssyncadd.remote.s32 $0x1  }
0xbf: {  	_ =	sfence.sel $0xFFFF  }
0xc0: {  	[dreg:$0x0] =	wrdreg $0xFFFFFFFF;
	(pc) =	sbr.abs _section_cstart, $3  }
0xc1: {  	[dreg:$0x1] =	wrdreg $0xFFFFFFFF  }
0xc2: {  	_ =	task.clear_ibuf [dreg:s7], $0x2FFFF;
	_ =	strace $0x9FFFFFFF  }
0xc3: {  	(tm) =	ssettm $0x7FFFFFFF  }
tec
execute0_lowered:
.L_overlay_start_1:
0x0: {  	(tag) =	ssettag $0x1  }
0x1: {  	s0 =	rddreg [dreg:$0x1]  }
0x2: {  	s2 =	rddreg [dreg:$0x2]  }
0x3: {  	s29 =	simm.s32 $0x0;
	s1 =	srdreg.scid;
	s11 =	stileid.u32  }
0x4: {  	s9 =	simm.s32 $0x4800;
	s28 =	simm.s32 $0x7;
	[smem:$0x7FF] =	sst s29  }
0x5: {  	s5 =	sadd.s32 $0xF600, s0;
	s6 =	sadd.s32 $0x1000, s0;
	s3 =	smul.u32 $0x50000, s11  }
0x6: {  	s7 =	sadd.s32 $0x19600, s0;
	s1 =	sand.u32 $0x1, s1;
	s13 =	smul.u32 $0x14000, s11  }
0x7: {  	s8 =	sadd.s32 $0xB000, s0;
	s0 =	sadd.s32 $0x12AE00, s0;
	s4 =	smul.u32 $0x48000, s1  }
0x8: {  	p0 =	seq.s32 s1, $0x0;
	s12 =	smul.u32 $0x140000, s1;
	s1 =	ssub.s32 $0x2, s1  }
0x9: {  	_ =	strace $0x8000004A;
	s9 =	simm.s32 @!p0 $0x800;
	s10 =	sshrl.u32 s1, $0x1  }
0xa: {  	s3 =	sshrl.u32 s3, $0x2;
	s30 =	sadd.s32 $0x4000, s13;
	s18 =	sadd.s32 $0x8000, s13  }
0xb: {  	s19 =	sadd.s32 $0xC000, s13;
	s20 =	sadd.s32 $0x10000, s13;
	s11 =	smul.u32 s11, s9  }
0xc: {  	s1 =	ssub.s32 s1, s10;
	s15 =	sadd.s32 s3, s2;
	s26 =	sadd.s32 s12, s13  }
0xd: {  	s31 =	sadd.s32 s12, s30;
	s21 =	sadd.s32 s12, s18;
	s24 =	sadd.s32 s30, s2  }
0xe: {  	s25 =	sadd.s32 s20, s2;
	s3 =	sshrl.u32 s26, $0x3;
	s1 =	smax.u32 s1, $0x1  }
0xf: {  	s14 =	sshrl.u32 s31, $0x3;
	s16 =	sadd.s32 $0x8000, s15;
	s17 =	sadd.s32 $0xC000, s15  }
0x10: {  	s13 =	sshrl.u32 s21, $0x3;
	[dreg:$0x5] =	wrdreg s15;
	s23 =	sadd.s32 $0x10000, s15  }
0x11: {  	s31 =	sshrl.u32 s25, $0x3;
	s21 =	simm.s32 $0x4;
	[dreg:$0x7] =	wrdreg s1  }
0x12: {  	s25 =	simm.s32 $0x6;
	s10 =	sadd.s32 s4, s11;
	[dreg:$0x9] =	wrdreg s16  }
0x13: {  	s11 =	sshrl.u32 s9, $0xA;
	s3 =	sadd.s32 s0, s3;
	[dreg:$0xa] =	wrdreg s17  }
0x14: {  	s9 =	sadd.s32 $0x4000, s15;
	s1 =	sadd.s32 s0, s14;
	[dreg:$0xf] =	wrdreg s23  }
0x15: {  	s14 =	sadd.s32 s12, s19;
	s12 =	sadd.s32 s12, s20;
	[dreg:$0x13] =	wrdreg s31  }
0x16: {  	s13 =	sadd.s32 s0, s13;
	s15 =	simm.s32 $0x19600;
	[dreg:$0x6] =	wrdreg s3  }
0x17: {  	s16 =	simm.s32 $0x14C80;
	s17 =	simm.s32 $0x15580;
	[dreg:$0x8] =	wrdreg s9  }
0x18: {  	s20 =	simm.s32 $0x15400;
	s23 =	simm.s32 $0x15480;
	[dreg:$0xb] =	wrdreg s1  }
0x19: {  	s14 =	sshrl.u32 s14, $0x3;
	s12 =	sshrl.u32 s12, $0x3;
	[dreg:$0xc] =	wrdreg s13  }
0x1a: {  	s1 =	sadd.s32 s18, s2;
	s3 =	sadd.s32 s19, s2;
	s13 =	simm.s32 $0x15500  }
0x1b: {  	s18 =	simm.s32 $0x1;
	s19 =	simm.s32 $0x2;
	s22 =	sadd.s32 s0, s14  }
0x1c: {  	s9 =	simm.s32 $0x0;
	s0 =	sadd.s32 s0, s12;
	[dreg:$0xd] =	wrdreg s22  }
0x1d: {  	s26 =	sshrl.u32 s1, $0x3;
	s30 =	sshrl.u32 s3, $0x3;
	[dreg:$0xe] =	wrdreg s0  }
0x1e: {  	s14 =	simm.s32 $0x15080;
	s0 =	sshrl.u32 s24, $0x3;
	[dreg:$0x11] =	wrdreg s26  }
0x1f: {  	[dreg:$0x12] =	wrdreg s30;
	s26 =	simm.s32 $0x15600;
	s22 =	simm.s32 $0x5  }
0x20: {  	v0 =	vimm.f32 $0.0e+00;
	s24 =	simm.s32 $0x3;
	[dreg:$0x10] =	wrdreg s0;
	s0 =	simm.s32 $0x80  }
.LBB2_1:
0x21: {  	[dreg:$0x4] =	wrdreg s29;
	s1 =	simm.s32 $0x0;
	s3 =	simm.s32 $0x200  }
.LBB2_2:
0x22: {  	p0 =	sne.s32 s3, $0xFE00;
	[tilespmem:s1+$0x15670] =	vst v0  }
0x23: {  	[tilespmem:s1+$0x15600] =	vst v0  }
0x24: {  	[tilespmem:s1+$0x15610] =	vst v0  }
.Ltmp0:
0x25: {  	[tilespmem:s1+$0x15620] =	vst v0;
	(pc) =	sbr.rel @p0 .LBB2_2-.Ltmp0, $4  }
0x26: {  	[tilespmem:s1+$0x15630] =	vst v0  }
0x27: {  	[tilespmem:s1+$0x15640] =	vst v0  }
0x28: {  	[tilespmem:s1+$0x15650] =	vst v0  }
0x29: {  	[tilespmem:s1+$0x15660] =	vst v0;
	s1 =	sshra.s32 s3, $0x2;
	s3 =	sadd.s32 $0x200, s3  }
0x2a: {  	[tilespmem:s1+$0x15670] =	vst v0  }
0x2b: {  	[tilespmem:s1+$0x15600] =	vst v0  }
0x2c: {  	[tilespmem:s1+$0x15610] =	vst v0  }
0x2d: {  	[tilespmem:s1+$0x15620] =	vst v0  }
0x2e: {  	[tilespmem:s1+$0x15630] =	vst v0  }
0x2f: {  	[tilespmem:s1+$0x15640] =	vst v0  }
0x30: {  	[tilespmem:s1+$0x15650] =	vst v0  }
0x31: {  	[tilespmem:s1+$0x15660] =	vst v0;
	s4 =	rddreg [dreg:$0x5]  }
0x32: {  	[spmem:s4] =	stream.linear.scatter [tilespmem:s26], [sflag:$0x7], $0x4000, $0x38;
	[tilespmem:$0x1D600] =	vst v63  }
0x33: {  	_ =	swait.ge [sflag:s28], $0x4000  }
0x34: {  	[sflag:s28] =	ssyncset.done $0x0  }
0x35: {  	s12 =	rddreg [dreg:$0x8];
	[sflag:s28] =	ssyncadd.s32 $0xFFFFC000  }
0x36: {  	[spmem:s12] =	stream.linear.scatter [tilespmem:s26], [sflag:$0x7], $0x4000, $0x38;
	[tilespmem:$0x1D600] =	vst v63  }
0x37: {  	_ =	swait.ge [sflag:s28], $0x4000  }
0x38: {  	[sflag:s28] =	ssyncset.done $0x0  }
0x39: {  	s29 =	rddreg [dreg:$0x9];
	[sflag:s28] =	ssyncadd.s32 $0xFFFFC000  }
0x3a: {  	[spmem:s29] =	stream.linear.scatter [tilespmem:s26], [sflag:$0x7], $0x4000, $0x38;
	[tilespmem:$0x1D600] =	vst v63  }
0x3b: {  	_ =	swait.ge [sflag:s28], $0x4000  }
0x3c: {  	[sflag:s28] =	ssyncset.done $0x0  }
0x3d: {  	s30 =	rddreg [dreg:$0xa];
	[sflag:s28] =	ssyncadd.s32 $0xFFFFC000  }
0x3e: {  	[spmem:s30] =	stream.linear.scatter [tilespmem:s26], [sflag:$0x7], $0x4000, $0x38;
	[tilespmem:$0x1D600] =	vst v63  }
0x3f: {  	_ =	swait.ge [sflag:s28], $0x4000  }
0x40: {  	[sflag:s28] =	ssyncset.done $0x0  }
0x41: {  	s31 =	rddreg [dreg:$0xf];
	[sflag:s28] =	ssyncadd.s32 $0xFFFFC000  }
0x42: {  	[spmem:s31] =	stream.linear.scatter [tilespmem:s26], [sflag:$0x7], $0x4000, $0x38;
	[tilespmem:$0x1D600] =	vst v63  }
0x43: {  	_ =	swait.ge [sflag:s28], $0x4000  }
0x44: {  	[sflag:s28] =	ssyncset.done $0x0  }
0x45: {  	[sflag:s28] =	ssyncadd.s32 $0xFFFFC000  }
0x46: {  	s3 =	simm.s32 $0x0;
	[bflag:$0x0] =	sbarrier.arrive $0xFFFF  }
.LBB2_4:
0x47: {  	s1 =	sshll.u32 s3, $0xA  }
0x48: {  	s1 =	sadd.s32 s1, s10  }
0x49: {  	s4 =	rddreg [dreg:$0x0];
	s1 =	sshrl.u32 s1, $0x3  }
0x4a: {  	s12 =	simm.s32 $0x14000;
	s4 =	sadd.s32 s4, s1  }
0x4b: {  	[tilespmem:s12], [sflag:$0x7] =	stream.linear.gather [hbm4b:s4+s9], $0x400, $0x38;
	[tilespmem:$0x1D600] =	vst v63  }
0x4c: {  	_ =	swait.ge [sflag:s28], $0x400  }
0x4d: {  	[sflag:s28] =	ssyncset.done $0x0  }
0x4e: {  	s30 =	simm.s32 $0x14400;
	s29 =	sadd.s32 s5, s1;
	[sflag:s28] =	ssyncadd.s32 $0xFFFFFC00  }
0x4f: {  	[tilespmem:s30], [sflag:$0x7] =	stream.linear.gather [hbm4b:s29+s9], $0x400, $0x38;
	[tilespmem:$0x1D600] =	vst v63  }
0x50: {  	_ =	swait.ge [sflag:s28], $0x400  }
0x51: {  	[sflag:s28] =	ssyncset.done $0x0  }
0x52: {  	s31 =	simm.s32 $0x14800;
	s1 =	sadd.s32 s6, s1;
	[sflag:s28] =	ssyncadd.s32 $0xFFFFFC00  }
0x53: {  	[tilespmem:s31], [sflag:$0x7] =	stream.linear.gather [hbm4b:s1+s9], $0x400, $0x38;
	[tilespmem:$0x1D600] =	vst v63  }
0x54: {  	_ =	swait.ge [sflag:s28], $0x400  }
0x55: {  	[sflag:s28] =	ssyncset.done $0x0  }
0x56: {  	s1 =	simm.s32 $0x0;
	[sflag:s28] =	ssyncadd.s32 $0xFFFFFC00  }
0x57: {  	v1 =	vld [tilespmem:s1+$0x14800]  }
0x58: {  	v2 =	vld [tilespmem:s1+$0x14000]  }
0x59: {  	v3 =	vld [tilespmem:s1+$0x14400]  }
0x5a: {  	s4 =	simm.s32 $0x40  }
.LBB2_5:
0x5b: {  	p0 =	sne.s32 s4, $0xFC0  }
.Ltmp1:
0x5c: {  	s29 =	sshra.s32 s4, $0x2;
	s4 =	sadd.s32 $0x40, s4;
	v4 =	vmul.u32 $0x2710, v1;
	v5 =	vmov v1;
	(pc) =	sbr.rel @p0 .LBB2_5-.Ltmp1, $4  }
0x5d: {  	v1 =	vld [tilespmem:s29+$0x14800];
	v6 =	vmul.u32 $0x7, v2  }
0x5e: {  	v2 =	vld [tilespmem:s29+$0x14000];
	v4 =	vadd.s32 v4, v3  }
0x5f: {  	v3 =	vld [tilespmem:s29+$0x14400];
	v5 =	vadd.s32 v5, v6;
	[tilespmem:s1+$0x15000] =	vst v4  }
0x60: {  	[tilespmem:s1+$0x14C00] =	vst v5;
	s1 =	smov.u32 s29  }
0x61: {  	_ = 	snop  }
0x62: {  	v4 =	vmul.u32 $0x2710, v1  }
0x63: {  	v2 =	vmul.u32 $0x7, v2  }
0x64: {  	v3 =	vadd.s32 v4, v3  }
0x65: {  	v1 =	vadd.s32 v1, v2;
	[tilespmem:s1+$0x15000] =	vst v3  }
0x66: {  	s30 =	simm.s32 $0x15000;
	[tilespmem:s1+$0x14C00] =	vst v1  }
0x67: {  	[tilespmem:s26], [sflag:$0x1] =	stream.indirect.gather [hbm4b:s7+s0], $0x80, s30, s0, $0xb8;
	[tilespmem:$0x1D600] =	vst v63  }
0x68: {  	s31 =	simm.s32 $0x14C00  }
0x69: {  	[tilespmem:s13], [sflag:$0x2] =	stream.indirect.gather [hbm4b:s8+s0], $0x1, s31, s0, $0xb8;
	[tilespmem:$0x1D600] =	vst v63  }
0x6a: {  	v1 =	vld [tilespmem:$0x14000]  }
0x6b: {  	v2 =	vld [tilespmem:$0x14010]  }
0x6c: {  	v3 =	vld [tilespmem:$0x14020]  }
0x6d: {  	v61 =	vld [tilespmem:$0x14030]  }
0x6e: {  	v5 =	vld [tilespmem:$0x14040]  }
0x6f: {  	[tilespmem:$0x15400] =	vst v1;
	v1 =	vld [tilespmem:$0x14050]  }
0x70: {  	[tilespmem:$0x15410] =	vst v2;
	v2 =	vld [tilespmem:$0x14060]  }
0x71: {  	[tilespmem:$0x15420] =	vst v3;
	v3 =	vld [tilespmem:$0x14070]  }
0x72: {  	[tilespmem:$0x15430] =	vst v61  }
0x73: {  	[tilespmem:$0x15440] =	vst v5  }
0x74: {  	[tilespmem:$0x15450] =	vst v1  }
0x75: {  	[tilespmem:$0x15460] =	vst v2  }
0x76: {  	[tilespmem:$0x15470] =	vst v3  }
0x77: {  	[tilespmem:s15], [sflag:$0x4] =	stream.indirect.gather [hbm4b:s7+s0], $0x80, s14, s0, $0xb8;
	[tilespmem:$0x1D600] =	vst v63  }
0x78: {  	_ = 	snop  }
0x79: {  	[tilespmem:s17], [sflag:$0x5] =	stream.indirect.gather [hbm4b:s8+s0], $0x1, s16, s0, $0xb8;
	[tilespmem:$0x1D600] =	vst v63  }
0x7a: {  	v1 =	vld [tilespmem:$0x14080]  }
0x7b: {  	v2 =	vld [tilespmem:$0x14090]  }
0x7c: {  	v3 =	vld [tilespmem:$0x140A0]  }
0x7d: {  	v62 =	vld [tilespmem:$0x140B0]  }
0x7e: {  	v63 =	vld [tilespmem:$0x140C0]  }
0x7f: {  	[tilespmem:$0x15480] =	vst v1;
	v1 =	vld [tilespmem:$0x140D0]  }
0x80: {  	[tilespmem:$0x15490] =	vst v2;
	v2 =	vld [tilespmem:$0x140E0]  }
0x81: {  	[tilespmem:$0x154A0] =	vst v3;
	v3 =	vld [tilespmem:$0x140F0]  }
0x82: {  	[tilespmem:$0x154B0] =	vst v62  }
0x83: {  	[tilespmem:$0x154C0] =	vst v63  }
0x84: {  	[tilespmem:$0x154D0] =	vst v1  }
0x85: {  	[tilespmem:$0x154E0] =	vst v2  }
0x86: {  	s29 =	simm.s32 $0x0;
	s1 =	simm.s32 $0x0;
	[tilespmem:$0x154F0] =	vst v3  }
.LBB2_7:
0x87: {  	_ =	swait.ge [sflag:s18], $0x4000  }
0x88: {  	[sflag:s18] =	ssyncset.done $0x0  }
0x89: {  	[sflag:s18] =	ssyncadd.s32 $0xFFFFC000  }
0x8a: {  	_ =	swait.ge [sflag:s19], $0x80  }
0x8b: {  	v1 =	vmov s1;
	[sflag:s19] =	ssyncset.done $0x0  }
0x8c: {  	s30 =	simm.s32 $0x15640;
	[sflag:s19] =	ssyncadd.s32 $0xFFFFFF80  }
0x8d: {  	v5 =	vld [tilespmem:s30+$0x30]  }
0x8e: {  	v8 =	vld [tilespmem:s30+$0x10]  }
0x8f: {  	v6 =	vld [tilespmem:s30+$0xFFFFFFC0]  }
0x90: {  	v2 =	vld.idx.msk [tilespmem:v1+s13+$0x0], $0xffff  }
0x91: {  	v10 =	vld [tilespmem:s30+$0xFFFFFFE0]  }
0x92: {  	v1 =	vld [tilespmem:s30+$0xFFFFFFF0]  }
0x93: {  	v3 =	vld [tilespmem:s30+$0x20]  }
0x94: {  	v4 =	vld [tilespmem:s30+$0xFFFFFFD0]  }
0x95: {  	v9 =	vmul.f32 v5, v2;
	v5 =	vld [tilespmem:s30+$0x0]  }
0x96: {  	v7 =	vmul.f32 v6, v2  }
0x97: {  	s31 =	simm.s32 $0x1;
	s4 =	simm.s32 $0x15640;
	v6 =	vmul.f32 v10, v2;
	v8 =	vmul.f32 v8, v2  }
.LBB2_8:
0x98: {  	p0 =	sne.s32 s31, $0x7F  }
0x99: {  	v4 =	vmul.f32 v4, v2;
	v3 =	vmul.f32 v3, v2;
	[tilespmem:s30+$0x30] =	vst v9;
	s4 =	sadd.s32 $0x80, s4;
	s12 =	smov.u32 s31;
	s31 =	sadd.s32 $0x1, s31  }
0x9a: {  	[tilespmem:s30+$0xFFFFFFC0] =	vst v7;
	v7 =	vmul.f32 v1, v2;
	v2 =	vmul.f32 v5, v2  }
0x9b: {  	[tilespmem:s30+$0x10] =	vst v8  }
0x9c: {  	v5 =	vmov s12;
	[tilespmem:s30+$0xFFFFFFE0] =	vst v6  }
0x9d: {  	v1 =	vld [tilespmem:s4+$0xFFFFFFF0];
	[tilespmem:s30+$0xFFFFFFF0] =	vst v7  }
0x9e: {  	v6 =	vld [tilespmem:s4+$0x30];
	[tilespmem:s30+$0x0] =	vst v2  }
0x9f: {  	v8 =	vld [tilespmem:s4+$0x10];
	[tilespmem:s30+$0x20] =	vst v3  }
0xa0: {  	v7 =	vld [tilespmem:s4+$0xFFFFFFC0];
	[tilespmem:s30+$0xFFFFFFD0] =	vst v4;
	s30 =	smov.u32 s4  }
0xa1: {  	v2 =	vld.idx.msk [tilespmem:v5+s13+$0x0], $0xffff  }
0xa2: {  	v10 =	vld [tilespmem:s4+$0xFFFFFFE0]  }
0xa3: {  	v3 =	vld [tilespmem:s4+$0x20]  }
.Ltmp2:
0xa4: {  	v4 =	vld [tilespmem:s4+$0xFFFFFFD0];
	(pc) =	sbr.rel @p0 .LBB2_8-.Ltmp2, $3  }
0xa5: {  	v5 =	vld [tilespmem:s4+$0x0];
	_ =	sdelay $0x1  }
0xa6: {  	v7 =	vmul.f32 v7, v2;
	v9 =	vmul.f32 v6, v2  }
0xa7: {  	v8 =	vmul.f32 v8, v2;
	v6 =	vmul.f32 v10, v2  }
0xa8: {  	[tilespmem:s30+$0x30] =	vst v9  }
0xa9: {  	[tilespmem:s30+$0xFFFFFFC0] =	vst v7  }
0xaa: {  	v1 =	vmul.f32 v1, v2;
	[tilespmem:s30+$0x10] =	vst v8  }
0xab: {  	v3 =	vmul.f32 v3, v2;
	[tilespmem:s30+$0xFFFFFFE0] =	vst v6  }
0xac: {  	v5 =	vmul.f32 v5, v2;
	[tilespmem:s30+$0xFFFFFFF0] =	vst v1  }
0xad: {  	v1 =	vmul.f32 v4, v2;
	[tilespmem:s30+$0x20] =	vst v3  }
0xae: {  	[tilespmem:s30+$0x0] =	vst v5  }
0xaf: {  	[tilespmem:s30+$0xFFFFFFD0] =	vst v1  }
0xb0: {  	[spmem:s2] =	stream.indirect.scatter.add.f32 [tilespmem:s26], [sflag:$0x3], $0x80, s20, s0, $0xb8;
	[tilespmem:$0x1D600] =	vst v63  }
0xb1: {  	_ =	swait.ge [sflag:s21], $0x4000  }
0xb2: {  	[sflag:s21] =	ssyncset.done $0x0  }
0xb3: {  	[sflag:s21] =	ssyncadd.s32 $0xFFFFC000  }
0xb4: {  	s4 =	simm.s32 $0x0;
	_ =	swait.ge [sflag:s22], $0x80  }
0xb5: {  	v1 =	vmov s4;
	[sflag:s22] =	ssyncset.done $0x0  }
0xb6: {  	s30 =	simm.s32 $0x19640;
	[sflag:s22] =	ssyncadd.s32 $0xFFFFFF80  }
0xb7: {  	v5 =	vld [tilespmem:s30+$0x30]  }
0xb8: {  	v8 =	vld [tilespmem:s30+$0x10]  }
0xb9: {  	v6 =	vld [tilespmem:s30+$0xFFFFFFC0]  }
0xba: {  	v2 =	vld.idx.msk [tilespmem:v1+s17+$0x0], $0xffff  }
0xbb: {  	v10 =	vld [tilespmem:s30+$0xFFFFFFE0]  }
0xbc: {  	v1 =	vld [tilespmem:s30+$0xFFFFFFF0]  }
0xbd: {  	v3 =	vld [tilespmem:s30+$0x20]  }
0xbe: {  	v4 =	vld [tilespmem:s30+$0xFFFFFFD0]  }
0xbf: {  	v9 =	vmul.f32 v5, v2;
	v5 =	vld [tilespmem:s30+$0x0]  }
0xc0: {  	v7 =	vmul.f32 v6, v2  }
0xc1: {  	s31 =	simm.s32 $0x1;
	s4 =	simm.s32 $0x19640;
	v6 =	vmul.f32 v10, v2;
	v8 =	vmul.f32 v8, v2  }
.LBB2_10:
0xc2: {  	p0 =	sne.s32 s31, $0x7F  }
0xc3: {  	v4 =	vmul.f32 v4, v2;
	v3 =	vmul.f32 v3, v2;
	[tilespmem:s30+$0x30] =	vst v9;
	s4 =	sadd.s32 $0x80, s4;
	s12 =	smov.u32 s31;
	s31 =	sadd.s32 $0x1, s31  }
0xc4: {  	[tilespmem:s30+$0xFFFFFFC0] =	vst v7;
	v7 =	vmul.f32 v1, v2;
	v2 =	vmul.f32 v5, v2  }
0xc5: {  	[tilespmem:s30+$0x10] =	vst v8  }
0xc6: {  	v5 =	vmov s12;
	[tilespmem:s30+$0xFFFFFFE0] =	vst v6  }
0xc7: {  	v1 =	vld [tilespmem:s4+$0xFFFFFFF0];
	[tilespmem:s30+$0xFFFFFFF0] =	vst v7  }
0xc8: {  	v6 =	vld [tilespmem:s4+$0x30];
	[tilespmem:s30+$0x0] =	vst v2  }
0xc9: {  	v8 =	vld [tilespmem:s4+$0x10];
	[tilespmem:s30+$0x20] =	vst v3  }
0xca: {  	v7 =	vld [tilespmem:s4+$0xFFFFFFC0];
	[tilespmem:s30+$0xFFFFFFD0] =	vst v4;
	s30 =	smov.u32 s4  }
0xcb: {  	v2 =	vld.idx.msk [tilespmem:v5+s17+$0x0], $0xffff  }
0xcc: {  	v10 =	vld [tilespmem:s4+$0xFFFFFFE0]  }
0xcd: {  	v3 =	vld [tilespmem:s4+$0x20]  }
.Ltmp3:
0xce: {  	v4 =	vld [tilespmem:s4+$0xFFFFFFD0];
	(pc) =	sbr.rel @p0 .LBB2_10-.Ltmp3, $3  }
0xcf: {  	v5 =	vld [tilespmem:s4+$0x0];
	_ =	sdelay $0x1  }
0xd0: {  	v7 =	vmul.f32 v7, v2;
	v9 =	vmul.f32 v6, v2  }
0xd1: {  	v8 =	vmul.f32 v8, v2;
	v6 =	vmul.f32 v10, v2  }
0xd2: {  	[tilespmem:s30+$0x30] =	vst v9  }
0xd3: {  	[tilespmem:s30+$0xFFFFFFC0] =	vst v7  }
0xd4: {  	v1 =	vmul.f32 v1, v2;
	[tilespmem:s30+$0x10] =	vst v8  }
0xd5: {  	v3 =	vmul.f32 v3, v2;
	[tilespmem:s30+$0xFFFFFFE0] =	vst v6  }
0xd6: {  	v5 =	vmul.f32 v5, v2;
	[tilespmem:s30+$0xFFFFFFF0] =	vst v1  }
0xd7: {  	v1 =	vmul.f32 v4, v2;
	[tilespmem:s30+$0x20] =	vst v3  }
0xd8: {  	[tilespmem:s30+$0x0] =	vst v5  }
0xd9: {  	[tilespmem:s30+$0xFFFFFFD0] =	vst v1  }
0xda: {  	[spmem:s2] =	stream.indirect.scatter.add.f32 [tilespmem:s15], [sflag:$0x6], $0x80, s23, s0, $0xb8;
	[tilespmem:$0x1D600] =	vst v63  }
0xdb: {  	_ =	swait.ge [sflag:s24], $0x4000  }
0xdc: {  	s4 =	sshll.u32 s29, $0x8;
	[sflag:s24] =	ssyncset.done $0x0  }
0xdd: {  	s12 =	sadd.s32 $0x15100, s4;
	[sflag:s24] =	ssyncadd.s32 $0xFFFFC000  }
0xde: {  	[tilespmem:s26], [sflag:$0x1] =	stream.indirect.gather [hbm4b:s7+s0], $0x80, s12, s0, $0xb8;
	[tilespmem:$0x1D600] =	vst v63  }
0xdf: {  	s31 =	sadd.s32 $0x14D00, s4  }
0xe0: {  	[tilespmem:s13], [sflag:$0x2] =	stream.indirect.gather [hbm4b:s8+s0], $0x1, s31, s0, $0xb8;
	[tilespmem:$0x1D600] =	vst v63  }
0xe1: {  	v1 =	vld [tilespmem:s4+$0x14100];
	_ =	sdelay $0x4  }
0xe2: {  	[tilespmem:$0x15400] =	vst v1  }
0xe3: {  	v1 =	vld [tilespmem:s4+$0x14110];
	_ =	sdelay $0x4  }
0xe4: {  	[tilespmem:$0x15410] =	vst v1  }
0xe5: {  	v1 =	vld [tilespmem:s4+$0x14120];
	_ =	sdelay $0x4  }
0xe6: {  	[tilespmem:$0x15420] =	vst v1  }
0xe7: {  	v1 =	vld [tilespmem:s4+$0x14130];
	_ =	sdelay $0x4  }
0xe8: {  	[tilespmem:$0x15430] =	vst v1  }
0xe9: {  	v1 =	vld [tilespmem:s4+$0x14140];
	_ =	sdelay $0x4  }
0xea: {  	[tilespmem:$0x15440] =	vst v1  }
0xeb: {  	v1 =	vld [tilespmem:s4+$0x14150];
	_ =	sdelay $0x4  }
0xec: {  	[tilespmem:$0x15450] =	vst v1  }
0xed: {  	v1 =	vld [tilespmem:s4+$0x14160];
	_ =	sdelay $0x4  }
0xee: {  	[tilespmem:$0x15460] =	vst v1  }
0xef: {  	v1 =	vld [tilespmem:s4+$0x14170];
	_ =	sdelay $0x4  }
0xf0: {  	[tilespmem:$0x15470] =	vst v1  }
0xf1: {  	_ =	swait.ge [sflag:s25], $0x4000  }
0xf2: {  	[sflag:s25] =	ssyncset.done $0x0  }
0xf3: {  	s30 =	sadd.s32 $0x15180, s4;
	[sflag:s25] =	ssyncadd.s32 $0xFFFFC000  }
0xf4: {  	[tilespmem:s15], [sflag:$0x4] =	stream.indirect.gather [hbm4b:s7+s0], $0x80, s30, s0, $0xb8;
	[tilespmem:$0x1D600] =	vst v63  }
0xf5: {  	s31 =	sadd.s32 $0x14D80, s4  }
0xf6: {  	[tilespmem:s17], [sflag:$0x5] =	stream.indirect.gather [hbm4b:s8+s0], $0x1, s31, s0, $0xb8;
	[tilespmem:$0x1D600] =	vst v63  }
0xf7: {  	v1 =	vld [tilespmem:s4+$0x14180];
	_ =	sdelay $0x4  }
0xf8: {  	[tilespmem:$0x15480] =	vst v1  }
0xf9: {  	v1 =	vld [tilespmem:s4+$0x14190];
	_ =	sdelay $0x4  }
0xfa: {  	[tilespmem:$0x15490] =	vst v1  }
0xfb: {  	v1 =	vld [tilespmem:s4+$0x141A0];
	_ =	sdelay $0x4  }
0xfc: {  	[tilespmem:$0x154A0] =	vst v1  }
0xfd: {  	v1 =	vld [tilespmem:s4+$0x141B0];
	_ =	sdelay $0x4  }
0xfe: {  	[tilespmem:$0x154B0] =	vst v1  }
0xff: {  	v1 =	vld [tilespmem:s4+$0x141C0];
	_ =	sdelay $0x4  }
0x100: {  	[tilespmem:$0x154C0] =	vst v1  }
0x101: {  	v1 =	vld [tilespmem:s4+$0x141D0];
	_ =	sdelay $0x4  }
0x102: {  	[tilespmem:$0x154D0] =	vst v1  }
0x103: {  	v1 =	vld [tilespmem:s4+$0x141E0];
	_ =	sdelay $0x4  }
0x104: {  	s29 =	sadd.s32 $0x1, s29;
	[tilespmem:$0x154E0] =	vst v1  }
0x105: {  	p0 =	sne.s32 s29, $0x3;
	v1 =	vld [tilespmem:s4+$0x141F0]  }
.Ltmp4:
0x106: {  	_ = 	snop;
	(pc) =	sbr.rel @p0 .LBB2_7-.Ltmp4, $2  }
0x107: {  	_ =	sdelay $0x2  }
0x108: {  	[tilespmem:$0x154F0] =	vst v1  }
0x109: {  	_ =	swait.ge [sflag:s18], $0x4000  }
0x10a: {  	[sflag:s18] =	ssyncset.done $0x0  }
0x10b: {  	[sflag:s18] =	ssyncadd.s32 $0xFFFFC000  }
0x10c: {  	s1 =	simm.s32 $0x0;
	_ =	swait.ge [sflag:s19], $0x80  }
0x10d: {  	v1 =	vmov s1;
	[sflag:s19] =	ssyncset.done $0x0  }
0x10e: {  	s1 =	simm.s32 $0x15640;
	[sflag:s19] =	ssyncadd.s32 $0xFFFFFF80  }
0x10f: {  	v5 =	vld [tilespmem:s1+$0x30]  }
0x110: {  	v8 =	vld [tilespmem:s1+$0x10]  }
0x111: {  	v6 =	vld [tilespmem:s1+$0xFFFFFFC0]  }
0x112: {  	v2 =	vld.idx.msk [tilespmem:v1+s13+$0x0], $0xffff  }
0x113: {  	v10 =	vld [tilespmem:s1+$0xFFFFFFE0]  }
0x114: {  	v1 =	vld [tilespmem:s1+$0xFFFFFFF0]  }
0x115: {  	v3 =	vld [tilespmem:s1+$0x20]  }
0x116: {  	v4 =	vld [tilespmem:s1+$0xFFFFFFD0]  }
0x117: {  	v9 =	vmul.f32 v5, v2;
	v5 =	vld [tilespmem:s1+$0x0]  }
0x118: {  	v7 =	vmul.f32 v6, v2  }
0x119: {  	s29 =	simm.s32 $0x1;
	s4 =	simm.s32 $0x15640;
	v6 =	vmul.f32 v10, v2;
	v8 =	vmul.f32 v8, v2  }
.LBB2_13:
0x11a: {  	p0 =	sne.s32 s29, $0x7F  }
0x11b: {  	v4 =	vmul.f32 v4, v2;
	v3 =	vmul.f32 v3, v2;
	[tilespmem:s1+$0x30] =	vst v9;
	s4 =	sadd.s32 $0x80, s4;
	s12 =	smov.u32 s29;
	s29 =	sadd.s32 $0x1, s29  }
0x11c: {  	[tilespmem:s1+$0xFFFFFFC0] =	vst v7;
	v7 =	vmul.f32 v1, v2;
	v2 =	vmul.f32 v5, v2  }
0x11d: {  	[tilespmem:s1+$0x10] =	vst v8  }
0x11e: {  	v5 =	vmov s12;
	[tilespmem:s1+$0xFFFFFFE0] =	vst v6  }
0x11f: {  	v1 =	vld [tilespmem:s4+$0xFFFFFFF0];
	[tilespmem:s1+$0xFFFFFFF0] =	vst v7  }
0x120: {  	v6 =	vld [tilespmem:s4+$0x30];
	[tilespmem:s1+$0x0] =	vst v2  }
0x121: {  	v8 =	vld [tilespmem:s4+$0x10];
	[tilespmem:s1+$0x20] =	vst v3  }
0x122: {  	v7 =	vld [tilespmem:s4+$0xFFFFFFC0];
	[tilespmem:s1+$0xFFFFFFD0] =	vst v4;
	s1 =	smov.u32 s4  }
0x123: {  	v2 =	vld.idx.msk [tilespmem:v5+s13+$0x0], $0xffff  }
0x124: {  	v10 =	vld [tilespmem:s4+$0xFFFFFFE0]  }
0x125: {  	v3 =	vld [tilespmem:s4+$0x20]  }
.Ltmp5:
0x126: {  	v4 =	vld [tilespmem:s4+$0xFFFFFFD0];
	(pc) =	sbr.rel @p0 .LBB2_13-.Ltmp5, $3  }
0x127: {  	v5 =	vld [tilespmem:s4+$0x0];
	_ =	sdelay $0x1  }
0x128: {  	v7 =	vmul.f32 v7, v2;
	v9 =	vmul.f32 v6, v2  }
0x129: {  	v8 =	vmul.f32 v8, v2;
	v6 =	vmul.f32 v10, v2  }
0x12a: {  	[tilespmem:s1+$0x30] =	vst v9  }
0x12b: {  	[tilespmem:s1+$0xFFFFFFC0] =	vst v7  }
0x12c: {  	v1 =	vmul.f32 v1, v2;
	[tilespmem:s1+$0x10] =	vst v8  }
0x12d: {  	v3 =	vmul.f32 v3, v2;
	[tilespmem:s1+$0xFFFFFFE0] =	vst v6  }
0x12e: {  	v5 =	vmul.f32 v5, v2;
	[tilespmem:s1+$0xFFFFFFF0] =	vst v1  }
0x12f: {  	v1 =	vmul.f32 v4, v2;
	[tilespmem:s1+$0x20] =	vst v3  }
0x130: {  	[tilespmem:s1+$0x0] =	vst v5  }
0x131: {  	[tilespmem:s1+$0xFFFFFFD0] =	vst v1  }
0x132: {  	[spmem:s2] =	stream.indirect.scatter.add.f32 [tilespmem:s26], [sflag:$0x3], $0x80, s20, s0, $0xb8;
	[tilespmem:$0x1D600] =	vst v63  }
0x133: {  	_ =	swait.ge [sflag:s21], $0x4000  }
0x134: {  	[sflag:s21] =	ssyncset.done $0x0  }
0x135: {  	[sflag:s21] =	ssyncadd.s32 $0xFFFFC000  }
0x136: {  	s31 =	simm.s32 $0x0;
	_ =	swait.ge [sflag:s22], $0x80  }
0x137: {  	v1 =	vmov s31;
	[sflag:s22] =	ssyncset.done $0x0  }
0x138: {  	s1 =	simm.s32 $0x19640;
	[sflag:s22] =	ssyncadd.s32 $0xFFFFFF80  }
0x139: {  	v5 =	vld [tilespmem:s1+$0x30]  }
0x13a: {  	v8 =	vld [tilespmem:s1+$0x10]  }
0x13b: {  	v6 =	vld [tilespmem:s1+$0xFFFFFFC0]  }
0x13c: {  	v2 =	vld.idx.msk [tilespmem:v1+s17+$0x0], $0xffff  }
0x13d: {  	v10 =	vld [tilespmem:s1+$0xFFFFFFE0]  }
0x13e: {  	v1 =	vld [tilespmem:s1+$0xFFFFFFF0]  }
0x13f: {  	v3 =	vld [tilespmem:s1+$0x20]  }
0x140: {  	v4 =	vld [tilespmem:s1+$0xFFFFFFD0]  }
0x141: {  	v9 =	vmul.f32 v5, v2;
	v5 =	vld [tilespmem:s1+$0x0]  }
0x142: {  	v7 =	vmul.f32 v6, v2  }
0x143: {  	s29 =	simm.s32 $0x1;
	s4 =	simm.s32 $0x19640;
	v6 =	vmul.f32 v10, v2;
	v8 =	vmul.f32 v8, v2  }
.LBB2_15:
0x144: {  	p0 =	sne.s32 s29, $0x7F  }
0x145: {  	v4 =	vmul.f32 v4, v2;
	v3 =	vmul.f32 v3, v2;
	[tilespmem:s1+$0x30] =	vst v9;
	s4 =	sadd.s32 $0x80, s4;
	s12 =	smov.u32 s29;
	s29 =	sadd.s32 $0x1, s29  }
0x146: {  	[tilespmem:s1+$0xFFFFFFC0] =	vst v7;
	v7 =	vmul.f32 v1, v2;
	v2 =	vmul.f32 v5, v2  }
0x147: {  	[tilespmem:s1+$0x10] =	vst v8  }
0x148: {  	v5 =	vmov s12;
	[tilespmem:s1+$0xFFFFFFE0] =	vst v6  }
0x149: {  	v1 =	vld [tilespmem:s4+$0xFFFFFFF0];
	[tilespmem:s1+$0xFFFFFFF0] =	vst v7  }
0x14a: {  	v6 =	vld [tilespmem:s4+$0x30];
	[tilespmem:s1+$0x0] =	vst v2  }
0x14b: {  	v8 =	vld [tilespmem:s4+$0x10];
	[tilespmem:s1+$0x20] =	vst v3  }
0x14c: {  	v7 =	vld [tilespmem:s4+$0xFFFFFFC0];
	[tilespmem:s1+$0xFFFFFFD0] =	vst v4;
	s1 =	smov.u32 s4  }
0x14d: {  	v2 =	vld.idx.msk [tilespmem:v5+s17+$0x0], $0xffff  }
0x14e: {  	v10 =	vld [tilespmem:s4+$0xFFFFFFE0]  }
0x14f: {  	v3 =	vld [tilespmem:s4+$0x20]  }
.Ltmp6:
0x150: {  	v4 =	vld [tilespmem:s4+$0xFFFFFFD0];
	(pc) =	sbr.rel @p0 .LBB2_15-.Ltmp6, $3  }
0x151: {  	v5 =	vld [tilespmem:s4+$0x0];
	_ =	sdelay $0x1  }
0x152: {  	v7 =	vmul.f32 v7, v2;
	v9 =	vmul.f32 v6, v2  }
0x153: {  	v8 =	vmul.f32 v8, v2;
	v6 =	vmul.f32 v10, v2  }
0x154: {  	[tilespmem:s1+$0x30] =	vst v9  }
0x155: {  	[tilespmem:s1+$0xFFFFFFC0] =	vst v7  }
0x156: {  	v1 =	vmul.f32 v1, v2;
	[tilespmem:s1+$0x10] =	vst v8  }
0x157: {  	v3 =	vmul.f32 v3, v2;
	[tilespmem:s1+$0xFFFFFFE0] =	vst v6  }
0x158: {  	v5 =	vmul.f32 v5, v2;
	[tilespmem:s1+$0xFFFFFFF0] =	vst v1  }
0x159: {  	v1 =	vmul.f32 v4, v2;
	[tilespmem:s1+$0x20] =	vst v3  }
0x15a: {  	[tilespmem:s1+$0x0] =	vst v5  }
0x15b: {  	s3 =	sadd.s32 $0x1, s3;
	[tilespmem:s1+$0xFFFFFFD0] =	vst v1  }
0x15c: {  	[spmem:s2] =	stream.indirect.scatter.add.f32 [tilespmem:s15], [sflag:$0x6], $0x80, s23, s0, $0xb8;
	[tilespmem:$0x1D600] =	vst v63  }
0x15d: {  	p0 =	sne.s32 s3, s11;
	_ =	swait.ge [sflag:s24], $0x4000  }
.Ltmp7:
0x15e: {  	[sflag:s24] =	ssyncset.done $0x0;
	(pc) =	sbr.rel @p0 .LBB2_4-.Ltmp7, $4  }
0x15f: {  	[sflag:s24] =	ssyncadd.s32 $0xFFFFC000  }
0x160: {  	_ =	swait.ge [sflag:s25], $0x4000  }
0x161: {  	[sflag:s25] =	ssyncset.done $0x0  }
0x162: {  	[sflag:s25] =	ssyncadd.s32 $0xFFFFC000  }
0x163: {  	s1 =	stileid.u32;
	[bflag:$0x0] =	sbarrier.arrive $0xFFFF  }
0x164: {  	s1 =	sshll.u32 s1, $0x6;
	s3 =	rddreg [dreg:$0x5]  }
0x165: {  	s4 =	rddreg [dreg:$0x6];
	s1 =	sor.u32 $0x1C07, s1;
	s3 =	sshrl.u32 s3, $0x3  }
0x166: {  	[hbm:s4], [sflag:s1] =	dma.local [spmem:s3], $0x800  }
0x167: {  	_ =	swait.ge [sflag:s28], $0x800  }
0x168: {  	[sflag:s28] =	ssyncset.done $0x0;
	s30 =	rddreg [dreg:$0xb]  }
0x169: {  	s31 =	rddreg [dreg:$0x10];
	[sflag:s28] =	ssyncadd.s32 $0xFFFFF800  }
0x16a: {  	[hbm:s30], [sflag:s1] =	dma.local [spmem:s31], $0x800  }
0x16b: {  	_ =	swait.ge [sflag:s28], $0x800  }
0x16c: {  	[sflag:s28] =	ssyncset.done $0x0;
	s4 =	rddreg [dreg:$0xc]  }
0x16d: {  	s12 =	rddreg [dreg:$0x11];
	[sflag:s28] =	ssyncadd.s32 $0xFFFFF800  }
0x16e: {  	[hbm:s4], [sflag:s1] =	dma.local [spmem:s12], $0x800  }
0x16f: {  	_ =	swait.ge [sflag:s28], $0x800  }
0x170: {  	[sflag:s28] =	ssyncset.done $0x0;
	s30 =	rddreg [dreg:$0xd]  }
0x171: {  	s31 =	rddreg [dreg:$0x12];
	[sflag:s28] =	ssyncadd.s32 $0xFFFFF800  }
0x172: {  	[hbm:s30], [sflag:s1] =	dma.local [spmem:s31], $0x800  }
0x173: {  	_ =	swait.ge [sflag:s28], $0x800  }
0x174: {  	[sflag:s28] =	ssyncset.done $0x0;
	s12 =	rddreg [dreg:$0xe]  }
0x175: {  	s30 =	rddreg [dreg:$0x13];
	[sflag:s28] =	ssyncadd.s32 $0xFFFFF800  }
0x176: {  	[hbm:s12], [sflag:s1] =	dma.local [spmem:s30], $0x800  }
0x177: {  	_ =	swait.ge [sflag:s28], $0x800  }
0x178: {  	s29 =	rddreg [dreg:$0x4]  }
0x179: {  	s31 =	rddreg [dreg:$0x7];
	s29 =	sadd.s32 $0x1, s29  }
0x17a: {  	p0 =	sne.s32 s29, s31  }
.Ltmp8:
0x17b: {  	_ = 	snop;
	(pc) =	sbr.rel @p0 .LBB2_1-.Ltmp8, $3  }
0x17c: {  	_ =	sdelay $0x1  }
0x17d: {  	[sflag:s28] =	ssyncset.done $0x0  }
0x17e: {  	[sflag:s28] =	ssyncadd.s32 $0xFFFFF800  }
0x17f: {  	_ =	sfence.sel $0x180000  }
0x180: {  	[bflag:$0x0] =	sbarrier.arrive $0xFFFF  }
0x181: {  	_ =	strace $0x9000004A  }
0x182: {  	s0 =	stileid.u32;
	[bflag:$0x2] =	sbarrier.arrive $0xFFFF  }
0x183: {  	p0 =	sne.s32 s0, $0x0;
	s0 =	rddreg [dreg:$0x3]  }
0x184: {  	s0 =	sadd.s32 @!p0 $0x100000, s0  }
0x185: {  	[sflag:s0] =	ssyncadd.tile.s32 @!p0 $0x1;
	_ =	shalt  }
.Lfunc_end2:
_tile_overlayer_lowered:
.L_overlay_start_2:
0x186: {  	(tag) =	ssettag $0x2  }
0x187: {  	s0 =	rddreg [dreg:$0x0];
	s2 =	stileid.u32  }
0x188: {  	s1 =	rddreg [dreg:$0x1];
	p0 =	sne.s32 s2, $0x0  }
0x189: {  	s3 =	rddreg [dreg:$0x2];
	[bflag:$0x3] =	sbarrier.arrive $0xFFFF;
	s2 =	simm.s32 @!p0 $0x1C07  }
0x18a: {  	[timem:s3], [sflag:s2] =	dma.local @!p0 [hbm:s0], s1  }
0x18b: {  	s0 =	simm.s32 @!p0 $0x7  }
0x18c: {  	_ =	swait.ge @!p0 [sflag:s0], s1  }
0x18d: {  	s1 =	ssub.s32 @!p0 $0x0, s1;
	[sflag:s0] =	ssyncset.done @!p0 $0x0  }
0x18e: {  	[sflag:s0] =	ssyncadd.s32 @!p0 s1  }
0x18f: {  	[bflag:$0x3] =	sbarrier.arrive $0xFFFF  }
0x190: {  	_ =	shalt  }

// kernel: kernel.7.cloned.1.call-start
scs
__scs_entry_jumppad:
0x0: {  	(pc) =	sbr.rel $0x88, $3  }
0x1: {  	(tag) =	ssettag $0x0;
	lr =	simm.s32 $0x1  }
0x2: {  	[smem:$0x3F9D] =	sst lr;
	_ =	strace $0xD0000000  }
0x3: {  	_ = 	snop  }
0x4: {  	_ = 	snop  }
0x5: {  	_ = 	snop  }
0x6: {  	_ = 	snop  }
0x7: {  	_ = 	snop  }
__scs_overlays_trampoline_lowered:
0x8: {  	[smem:$0x3FAC] =	sst s0  }
0x9: {  	[smem:$0x3FAD] =	sst s1  }
0xa: {  	[smem:$0x3FAE] =	sst s2  }
0xb: {  	[smem:$0x3FAF] =	sst s3  }
0xc: {  	[smem:$0x3FB0] =	sst s4  }
0xd: {  	[smem:$0x3FB1] =	sst s5  }
0xe: {  	[smem:$0x3FB2] =	sst s6  }
0xf: {  	[smem:$0x3FB3] =	sst s7  }
0x10: {  	[smem:$0x3FB4] =	sst s8  }
0x11: {  	[smem:$0x3FB5] =	sst s9;
	s0 =	simm.s32 @!p0 $0x0  }
0x12: {  	s1 =	sld [smem:$0x3F9B];
	s0 =	simm.s32 @p0 $0x1  }
0x13: {  	[smem:$0x3FB6] =	sst s0;
	s0 =	simm.s32 @!p1 $0x0  }
0x14: {  	s2 =	sld [smem:$0x3F9A];
	s0 =	simm.s32 @p1 $0x1  }
0x15: {  	[smem:$0x3FB7] =	sst s0;
	s0 =	simm.s32 @!p2 $0x0  }
0x16: {  	s3 =	sld [smem:$0x3FDB];
	s0 =	simm.s32 @p2 $0x1  }
0x17: {  	s4 =	simm.s32 $0x1BF5;
	[smem:$0x3FB9] =	sst s0  }
0x18: {  	s0 =	sld [smem:$0x3F9C];
	_ =	swait.ge [sflag:s4], $0x0  }
0x19: {  	s7 =	sld [smem:$0x3F9D]  }
0x1a: {  	s8 =	sadd.s32 $0xFFFFE003, lr  }
0x1b: {  	s9 =	sadd.s32 $0xFFFFFEF7, lr;
	s5 =	simm.s32 $0xFFFFFFFF;
	p2 =	slt.u32 s8, $0xFFFFF086  }
0x1c: {  	p1 =	slt.u32 s9, $0xF7A;
	s5 =	simm.s32 @!p2 $0x0  }
0x1d: {  	s5 =	simm.s32 @p1 $0x1;
	p0 =	seq.s32 s7, s2  }
0x1e: {  	s7 =	smul.u32 @!p0 $0xF7A, s2;
	p2 =	seq.s32 @!p0 s5, $0x0  }
0x1f: {  	s9 =	smul.u32 $0xF7A, s1;
	s8 =	simm.s32 @!p0 $0x1BF5;
	p2 =	por !p2, p0  }
0x20: {  	[sflag:s8] =	ssyncset.s32 @!p0 $0xFFFFF086;
	s6 =	sadd.s32 @!p0 s3, s7;
	s7 =	simm.s32 @!p0 $0x108  }
0x21: {  	s3 =	sadd.s32 s3, s9;
	s6 =	sadd.s32 @!p0 $0x88, s6;
	s7 =	simm.s32 @p2 $0x1082  }
0x22: {  	[simem:s7], [sflag:s8] =	dma.local @!p0 [hbm:s6], $0xF7A  }
0x23: {  	s9 =	sor.u32 $0xD0000000, s2;
	s6 =	simm.s32 $0x108;
	_ =	swait.ge @!p0 [sflag:s8], $0x0  }
0x24: {  	s3 =	sadd.s32 $0x88, s3;
	s6 =	simm.s32 @!p1 $0x1082;
	[sflag:s4] =	ssyncset.s32 $0xFFFFF086  }
0x25: {  	[simem:s6], [sflag:s4] =	dma.local [hbm:s3], $0xF7A  }
0x26: {  	[smem:$0x3F9D] =	sst s1;
	(tag) =	ssettag s2;
	_ =	strace s9  }
0x27: {  	s1 =	sld [smem:$0x3FAD]  }
0x28: {  	s2 =	sld [smem:$0x3FAE]  }
0x29: {  	s4 =	sld [smem:$0x3FB0]  }
0x2a: {  	p0 =	seq.s32 s5, $0x0;
	s5 =	sld [smem:$0x3FB1]  }
0x2b: {  	s6 =	sld [smem:$0x3FB2]  }
0x2c: {  	s7 =	sld [smem:$0x3FB3]  }
0x2d: {  	s3 =	simm.s32 $0x108;
	s8 =	sld [smem:$0x3FB4]  }
0x2e: {  	s3 =	simm.s32 @!p0 $0x1082;
	s9 =	sld [smem:$0x3FB5]  }
0x2f: {  	lr =	sadd.s32 s0, s3;
	s0 =	sld [smem:$0x3FAC]  }
0x30: {  	s3 =	sld [smem:$0x3FAF]  }
0x31: {  	[smem:$0x3FB8] =	sst s10  }
0x32: {  	s10 =	sld [smem:$0x3FB6];
	_ =	sdelay $0x3  }
0x33: {  	p0 =	seq.s32 s10, $0x1;
	s10 =	sld [smem:$0x3FB8];
	_ =	sdelay $0x3  }
0x34: {  	[smem:$0x3FB8] =	sst s10  }
0x35: {  	s10 =	sld [smem:$0x3FB7];
	_ =	sdelay $0x3  }
0x36: {  	p1 =	seq.s32 s10, $0x1;
	s10 =	sld [smem:$0x3FB8];
	_ =	sdelay $0x3  }
0x37: {  	[smem:$0x3FB8] =	sst s10  }
0x38: {  	s10 =	sld [smem:$0x3FB9]  }
0x39: {  	_ = 	snop;
	(pc) =	sbr.ind lr, $3  }
0x3a: {  	_ = 	snop  }
0x3b: {  	_ = 	snop  }
0x3c: {  	p2 =	seq.s32 s10, $0x1;
	s10 =	sld [smem:$0x3FB8]  }
0x3d: {  	_ =	shalt  }
0x3e: {  	_ =	shalt  }
0x3f: {  	_ =	shalt  }
0x40: {  	_ =	shalt  }
0x41: {  	_ =	shalt  }
0x42: {  	_ =	shalt  }
0x43: {  	_ =	shalt  }
0x44: {  	_ =	shalt  }
0x45: {  	_ =	shalt  }
0x46: {  	_ =	shalt  }
0x47: {  	_ =	shalt  }
0x48: {  	_ =	shalt  }
0x49: {  	_ =	shalt  }
0x4a: {  	_ =	shalt  }
0x4b: {  	_ =	shalt  }
0x4c: {  	_ =	shalt  }
0x4d: {  	_ =	shalt  }
0x4e: {  	_ =	shalt  }
0x4f: {  	_ =	shalt  }
0x50: {  	_ =	shalt  }
0x51: {  	_ =	shalt  }
0x52: {  	_ =	shalt  }
0x53: {  	_ =	shalt  }
0x54: {  	_ =	shalt  }
0x55: {  	_ =	shalt  }
0x56: {  	_ =	shalt  }
0x57: {  	_ =	shalt  }
0x58: {  	_ =	shalt  }
0x59: {  	_ =	shalt  }
0x5a: {  	_ =	shalt  }
0x5b: {  	_ =	shalt  }
0x5c: {  	_ =	shalt  }
0x5d: {  	_ =	shalt  }
0x5e: {  	_ =	shalt  }
0x5f: {  	_ =	shalt  }
0x60: {  	_ =	shalt  }
0x61: {  	_ =	shalt  }
0x62: {  	_ =	shalt  }
0x63: {  	_ =	shalt  }
0x64: {  	_ =	shalt  }
0x65: {  	_ =	shalt  }
0x66: {  	_ =	shalt  }
0x67: {  	_ =	shalt  }
0x68: {  	_ =	shalt  }
0x69: {  	_ =	shalt  }
0x6a: {  	_ =	shalt  }
0x6b: {  	_ =	shalt  }
0x6c: {  	_ =	shalt  }
0x6d: {  	_ =	shalt  }
0x6e: {  	_ =	shalt  }
0x6f: {  	_ =	shalt  }
0x70: {  	_ =	shalt  }
0x71: {  	_ =	shalt  }
0x72: {  	_ =	shalt  }
0x73: {  	_ =	shalt  }
0x74: {  	_ =	shalt  }
0x75: {  	_ =	shalt  }
0x76: {  	_ =	shalt  }
0x77: {  	_ =	shalt  }
0x78: {  	_ =	shalt  }
0x79: {  	_ =	shalt  }
0x7a: {  	_ =	shalt  }
0x7b: {  	_ =	shalt  }
0x7c: {  	_ =	shalt  }
0x7d: {  	_ =	shalt  }
0x7e: {  	_ =	shalt  }
0x7f: {  	_ =	shalt  }
0x80: {  	_ =	shalt  }
0x81: {  	_ =	shalt  }
0x82: {  	_ =	shalt  }
0x83: {  	_ =	shalt  }
0x84: {  	_ =	shalt  }
0x85: {  	_ =	shalt  }
0x86: {  	_ =	shalt  }
0x87: {  	_ =	shalt  }
.Lfunc_end0:
.L_simem_size_0:
called_computation_lowered:
.L_overlay_start_0:
0x88: {  	s2 =	sld [smem:$0x3FD9]  }
0x89: {  	s3 =	sld [smem:$0x3FFE];
	_ =	sdelay $0x1  }
0x8a: {  	s1 =	srdreg.scid  }
0x8b: {  	s0 =	sand.u32 $0x1, s1  }
0x8c: {  	s17 =	sshll.u32 s0, $0xA;
	s2 =	sadd.s32 s3, s2  }
0x8d: {  	s2 =	sadd.s32 s2, s17  }
0x8e: {  	[smem:$0x3FC4] =	sst s2  }
0x8f: {  	_ = 	snop  }
0x90: {  	s2 =	sld [smem:$0x3FD0];
	(tm) =	ssettm $0x1  }
0x91: {  	s18 =	sld [smem:$0x3FFB];
	_ =	sdelay $0x3  }
0x92: {  	_ =	strace s18  }
0x93: {  	s3 =	sld [smem:$0x3FFC];
	_ =	sdelay $0x3  }
0x94: {  	_ =	strace s3  }
0x95: {  	s3 =	sld [smem:$0x3FFD];
	_ =	sdelay $0x3  }
0x96: {  	_ =	strace s3  }
0x97: {  	_ =	strace $0x8FFFFFFF  }
0x98: {  	s19 =	sld [smem:$0x3FDB];
	_ =	sdelay $0x1  }
0x99: {  	s4 =	simm.s32 $_scs_section_size  }
0x9a: {  	s5 =	simm.s32 $_size__tile_overlayer_lowered;
	s6 =	simm.s32 $_tile_overlayer_lowered  }
0x9b: {  	s22 =	simm.s32 $0x1BFF;
	s21 =	sshll.u32 s6, $0x1;
	s3 =	sadd.s32 s4, s19  }
0x9c: {  	s7 =	simm.s32 $0x0;
	s20 =	sshll.u32 s5, $0x1;
	s5 =	sadd.s32 s21, s3  }
0x9d: {  	[timem:s7], [sflag:s22] =	dma.local [hbm:s5], s20  }
0x9e: {  	_ =	swait.ge [sflag:s22], s20  }
0x9f: {  	s4 =	ssub.s32 $0x0, s20;
	[sflag:s22] =	ssyncset.done $0x0  }
0xa0: {  	[sflag:s22] =	ssyncadd.s32 s4;
	_ =	sdelay $0x1  }
0xa1: {  	s23 =	simm.s32 $0x1B8B  }
0xa2: {  	_ =	swait.ge [sflag:s23], $0x1  }
0xa3: {  	[sflag:s23] =	ssyncset.done $0x0  }
0xa4: {  	s25 =	simm.s32 $0x1B8E;
	s24 =	sld [smem:$0x3FFE];
	[sflag:s23] =	ssyncadd.s32 $0xFFFFFFFF  }
0xa5: {  	s26 =	simm.s32 $execute0_lowered;
	[smem:$0x3FD2] =	sst s25  }
0xa6: {  	s5 =	sshll.u32 s26, $0x1;
	_ =	strace $0x80000046;
	[dreg:$0x1] =	wrdreg $0xFFFFFFFF  }
0xa7: {  	s28 =	simm.s32 $_size_execute0_lowered;
	s3 =	sadd.s32 s3, s5;
	[dreg:$0x0] =	wrdreg $0x0  }
0xa8: {  	s5 =	sshll.u32 s28, $0x1;
	[dreg:$0x2] =	wrdreg s3  }
0xa9: {  	[dreg:$0x3] =	wrdreg s5  }
0xaa: {  	[dreg:$0x4] =	wrdreg $0xC0  }
0xab: {  	_ =	task [dreg:s7], $0x5FFFF  }
0xac: {  	[dreg:$0x1] =	wrdreg $0xFFFFFFFF  }
0xad: {  	[dreg:$0x0] =	wrdreg $0x60  }
0xae: {  	[dreg:$0x2] =	wrdreg s2  }
0xaf: {  	[dreg:$0x3] =	wrdreg s24  }
0xb0: {  	[dreg:$0x4] =	wrdreg $0x0  }
0xb1: {  	[dreg:$0x5] =	wrdreg $0x9  }
0xb2: {  	_ =	task.clear_ibuf [dreg:s7], $0x6FFFF;
	_ =	strace $0x90000046  }
0xb3: {  	s29 =	simm.s32 $0x9;
	_ =	strace $0x80000048  }
0xb4: {  	_ =	swait.ge [sflag:s29], $0x1  }
0xb5: {  	[sflag:s29] =	ssyncadd.s32 $0xFFFFFFFF  }
0xb6: {  	_ =	strace $0x90000048  }
0xb7: {  	_ =	sfence  }
0xb8: {  	s30 =	sld [smem:$0x0];
	_ =	sdelay $0x2  }
0xb9: {  	s31 =	sshll.u32 s1, $0xD;
	s1 =	sshrl.u32 s1, $0x2  }
0xba: {  	s3 =	sand.u32 $0x4000, s31;
	s1 =	sadd.s32 s1, s30  }
0xbb: {  	s0 =	sor.u32 s3, s0;
	s1 =	sshll.u32 s1, $0x11  }
0xbc: {  	s0 =	sor.u32 s1, s0  }
0xbd: {  	s0 =	sadd.s32 $0x8F2B, s0  }
0xbe: {  	[sflag:s0] =	ssyncadd.remote.s32 $0x1  }
0xbf: {  	_ =	sfence.sel $0xFFFF  }
0xc0: {  	[dreg:$0x0] =	wrdreg $0xFFFFFFFF;
	(pc) =	sbr.abs _section_cstart, $3  }
0xc1: {  	[dreg:$0x1] =	wrdreg $0xFFFFFFFF  }
0xc2: {  	_ =	task.clear_ibuf [dreg:s7], $0x2FFFF;
	_ =	strace $0x9FFFFFFF  }
0xc3: {  	(tm) =	ssettm $0x7FFFFFFF  }
tec
execute0_lowered:
.L_overlay_start_1:
0x0: {  	(tag) =	ssettag $0x1  }
0x1: {  	s1 =	rddreg [dreg:$0x0]  }
0x2: {  	s0 =	rddreg [dreg:$0x1]  }
0x3: {  	s2 =	rddreg [dreg:$0x2]  }
0x4: {  	s3 =	simm.s32 $0x0;
	s23 =	srdreg.scid;
	s10 =	stileid.u32  }
0x5: {  	s14 =	simm.s32 $0x1E00;
	s15 =	simm.s32 $0x2;
	s16 =	simm.s32 $0x1200  }
0x6: {  	s17 =	simm.s32 $0x1600;
	s18 =	simm.s32 $0x80;
	s19 =	simm.s32 $0x1A00  }
0x7: {  	s20 =	simm.s32 $0x1180;
	s21 =	simm.s32 $0x1A80;
	s22 =	simm.s32 $0x1B00  }
0x8: {  	s28 =	simm.s32 $0x1D80;
	s29 =	simm.s32 $0x1;
	s30 =	simm.s32 $0x0  }
0x9: {  	s31 =	simm.s32 $0x0;
	[smem:$0x7FF] =	sst s3;
	s5 =	sadd.s32 $0x1000, s0  }
0xa: {  	s3 =	sand.u32 $0x1, s23;
	s0 =	sadd.s32 $0xB000, s0;
	s6 =	smul.u32 $0x4600, s10  }
0xb: {  	s9 =	smul.u32 $0x1180, s10;
	s23 =	simm.s32 $0x1B80;
	_ =	strace $0x80000047  }
0xc: {  	s4 =	ssub.s32 $0x2, s3;
	s8 =	sshll.u32 s3, $0x4;
	s3 =	smul.u32 $0x11800, s3  }
0xd: {  	s7 =	sshrl.u32 s4, $0x1;
	s8 =	sor.u32 s10, s8;
	s6 =	sshrl.u32 s6, $0x2  }
0xe: {  	s24 =	sadd.s32 s9, s2;
	s12 =	sadd.s32 $0x8C0, s9;
	s4 =	ssub.s32 s4, s7  }
0xf: {  	s6 =	sadd.s32 s6, s2;
	s7 =	smul.u32 $0x2800, s8;
	[dreg:$0x4] =	wrdreg s24  }
0x10: {  	s25 =	sadd.s32 s3, s9;
	s3 =	sadd.s32 s3, s12;
	s12 =	sadd.s32 s12, s2  }
0x11: {  	s24 =	simm.s32 $0x1C00;
	s9 =	smax.u32 s4, $0x1;
	s26 =	sshrl.u32 s25, $0x3  }
0x12: {  	s10 =	sadd.s32 $0x8C0, s6;
	s3 =	sshrl.u32 s3, $0x3;
	s25 =	simm.s32 $0x1C80  }
0x13: {  	v0 =	vimm.f32 $1.000000000e+00;
	v1 =	vimm.f32 $0.0e+00;
	s11 =	sadd.s32 s0, s26;
	s13 =	sadd.s32 s0, s3;
	s26 =	simm.s32 $0x1D00  }
.LBB2_1:
0x14: {  	[tilespmem:$0x1180] =	vst v0  }
0x15: {  	[tilespmem:$0x1190] =	vst v0  }
0x16: {  	[tilespmem:$0x11A0] =	vst v0  }
0x17: {  	[tilespmem:$0x11B0] =	vst v0  }
0x18: {  	[tilespmem:$0x11C0] =	vst v0  }
0x19: {  	[tilespmem:$0x11D0] =	vst v0  }
0x1a: {  	[tilespmem:$0x11E0] =	vst v0  }
0x1b: {  	[tilespmem:$0x11F0] =	vst v0;
	s0 =	simm.s32 $0x40;
	s3 =	simm.s32 $0x0  }
.LBB2_2:
0x1c: {  	p0 =	sne.s32 s0, $0x22C0;
	[tilespmem:s3+$0x1E00] =	vst v1;
	s3 =	smov.u32 s0;
	s0 =	sadd.s32 $0x40, s0  }
.Ltmp0:
0x1d: {  	(pc) =	sbr.rel @p0 .LBB2_2-.Ltmp0, $2  }
0x1e: {  	_ =	sdelay $0x2  }
0x1f: {  	s3 =	sshra.s32 s3, $0x2  }
0x20: {  	[tilespmem:s3+$0x1E00] =	vst v1  }
0x21: {  	[spmem:s6] =	stream.linear.scatter [tilespmem:s14], [sflag:$0x2], $0x8C0, $0x38;
	[tilespmem:$0x2700] =	vst v63  }
0x22: {  	_ =	swait.ge [sflag:s15], $0x8C0  }
0x23: {  	[sflag:s15] =	ssyncset.done $0x0  }
0x24: {  	[sflag:s15] =	ssyncadd.s32 $0xFFFFF740  }
0x25: {  	[spmem:s10] =	stream.linear.scatter [tilespmem:s14], [sflag:$0x2], $0x8C0, $0x38;
	[tilespmem:$0x2700] =	vst v63  }
0x26: {  	_ =	swait.ge [sflag:s15], $0x8C0  }
0x27: {  	[sflag:s15] =	ssyncset.done $0x0  }
0x28: {  	[sflag:s15] =	ssyncadd.s32 $0xFFFFF740  }
0x29: {  	s0 =	simm.s32 $0x0;
	[bflag:$0x0] =	sbarrier.arrive $0xFFFF  }
.LBB2_4:
0x2a: {  	s3 =	sshll.u32 s0, $0xA  }
0x2b: {  	s3 =	sadd.s32 s7, s3  }
0x2c: {  	s3 =	sshrl.u32 s3, $0x3  }
0x2d: {  	s4 =	sadd.s32 s1, s3  }
0x2e: {  	[tilespmem:s16], [sflag:$0x2] =	stream.linear.gather [hbm4b:s4+s31], $0x400, $0x38;
	[tilespmem:$0x2700] =	vst v63  }
0x2f: {  	_ =	swait.ge [sflag:s15], $0x400  }
0x30: {  	[sflag:s15] =	ssyncset.done $0x0  }
0x31: {  	s3 =	sadd.s32 s5, s3;
	[sflag:s15] =	ssyncadd.s32 $0xFFFFFC00  }
0x32: {  	[tilespmem:s17], [sflag:$0x2] =	stream.linear.gather [hbm4b:s3+s31], $0x400, $0x38;
	[tilespmem:$0x2700] =	vst v63  }
0x33: {  	_ =	swait.ge [sflag:s15], $0x400  }
0x34: {  	[sflag:s15] =	ssyncset.done $0x0  }
0x35: {  	s4 =	simm.s32 $0x0;
	[sflag:s15] =	ssyncadd.s32 $0xFFFFFC00  }
0x36: {  	v2 =	vld [tilespmem:s4+$0x1200]  }
0x37: {  	s3 =	simm.s32 $0x40;
	v3 =	vld [tilespmem:s4+$0x1600]  }
.LBB2_5:
0x38: {  	_ = 	snop  }
0x39: {  	p0 =	sne.s32 s3, $0xFC0  }
.Ltmp1:
0x3a: {  	_ = 	snop;
	(pc) =	sbr.rel @p0 .LBB2_5-.Ltmp1, $4  }
0x3b: {  	v4 =	vmul.u32 $0x7, v2  }
0x3c: {  	s8 =	sshra.s32 s3, $0x2  }
0x3d: {  	v2 =	vld [tilespmem:s8+$0x1200];
	v4 =	vadd.s32 v3, v4  }
0x3e: {  	s3 =	sadd.s32 $0x40, s3;
	v3 =	vld [tilespmem:s8+$0x1600];
	[tilespmem:s4+$0x1A00] =	vst v4;
	s4 =	smov.u32 s8  }
0x3f: {  	_ =	sdelay $0x2  }
0x40: {  	v2 =	vmul.u32 $0x7, v2;
	_ =	sdelay $0x1  }
0x41: {  	v2 =	vadd.s32 v3, v2  }
0x42: {  	[tilespmem:s4+$0x1A00] =	vst v2  }
0x43: {  	[spmem:s2] =	stream.indirect.scatter.add.f32 [tilespmem:s20], [sflag:$0x1], $0x1, s19, s18, $0xb8;
	[tilespmem:$0x2700] =	vst v63  }
0x44: {  	_ = 	snop  }
0x45: {  	[spmem:s2] =	stream.indirect.scatter.add.f32 [tilespmem:s20], [sflag:$0x1], $0x1, s21, s18, $0xb8;
	[tilespmem:$0x2700] =	vst v63  }
0x46: {  	_ = 	snop  }
0x47: {  	[spmem:s2] =	stream.indirect.scatter.add.f32 [tilespmem:s20], [sflag:$0x1], $0x1, s22, s18, $0xb8;
	[tilespmem:$0x2700] =	vst v63  }
0x48: {  	_ = 	snop  }
0x49: {  	[spmem:s2] =	stream.indirect.scatter.add.f32 [tilespmem:s20], [sflag:$0x1], $0x1, s23, s18, $0xb8;
	[tilespmem:$0x2700] =	vst v63  }
0x4a: {  	_ = 	snop  }
0x4b: {  	[spmem:s2] =	stream.indirect.scatter.add.f32 [tilespmem:s20], [sflag:$0x1], $0x1, s24, s18, $0xb8;
	[tilespmem:$0x2700] =	vst v63  }
0x4c: {  	_ = 	snop  }
0x4d: {  	[spmem:s2] =	stream.indirect.scatter.add.f32 [tilespmem:s20], [sflag:$0x1], $0x1, s25, s18, $0xb8;
	[tilespmem:$0x2700] =	vst v63  }
0x4e: {  	_ = 	snop  }
0x4f: {  	[spmem:s2] =	stream.indirect.scatter.add.f32 [tilespmem:s20], [sflag:$0x1], $0x1, s26, s18, $0xb8;
	[tilespmem:$0x2700] =	vst v63  }
0x50: {  	_ = 	snop  }
0x51: {  	[spmem:s2] =	stream.indirect.scatter.add.f32 [tilespmem:s20], [sflag:$0x1], $0x1, s28, s18, $0xb8;
	[tilespmem:$0x2700] =	vst v63  }
0x52: {  	_ =	swait.ge [sflag:s29], $0x80  }
0x53: {  	[sflag:s29] =	ssyncset.done $0x0  }
0x54: {  	[sflag:s29] =	ssyncadd.s32 $0xFFFFFF80  }
0x55: {  	_ =	swait.ge [sflag:s29], $0x80  }
0x56: {  	[sflag:s29] =	ssyncset.done $0x0  }
0x57: {  	[sflag:s29] =	ssyncadd.s32 $0xFFFFFF80  }
0x58: {  	_ =	swait.ge [sflag:s29], $0x80  }
0x59: {  	[sflag:s29] =	ssyncset.done $0x0  }
0x5a: {  	[sflag:s29] =	ssyncadd.s32 $0xFFFFFF80  }
0x5b: {  	_ =	swait.ge [sflag:s29], $0x80  }
0x5c: {  	[sflag:s29] =	ssyncset.done $0x0  }
0x5d: {  	[sflag:s29] =	ssyncadd.s32 $0xFFFFFF80  }
0x5e: {  	_ =	swait.ge [sflag:s29], $0x80  }
0x5f: {  	[sflag:s29] =	ssyncset.done $0x0  }
0x60: {  	[sflag:s29] =	ssyncadd.s32 $0xFFFFFF80  }
0x61: {  	_ =	swait.ge [sflag:s29], $0x80  }
0x62: {  	[sflag:s29] =	ssyncset.done $0x0  }
0x63: {  	s0 =	sadd.s32 $0x1, s0;
	[sflag:s29] =	ssyncadd.s32 $0xFFFFFF80  }
0x64: {  	p0 =	sne.s32 s0, $0xA;
	_ =	swait.ge [sflag:s29], $0x80  }
.Ltmp2:
0x65: {  	[sflag:s29] =	ssyncset.done $0x0;
	(pc) =	sbr.rel @p0 .LBB2_4-.Ltmp2, $4  }
0x66: {  	[sflag:s29] =	ssyncadd.s32 $0xFFFFFF80  }
0x67: {  	_ =	swait.ge [sflag:s29], $0x80  }
0x68: {  	[sflag:s29] =	ssyncset.done $0x0  }
0x69: {  	[sflag:s29] =	ssyncadd.s32 $0xFFFFFF80  }
0x6a: {  	[bflag:$0x0] =	sbarrier.arrive $0xFFFF  }
0x6b: {  	s0 =	rddreg [dreg:$0x4]  }
0x6c: {  	[tilespmem:s14], [sflag:$0x2] =	stream.linear.gather [spmem:s0], $0x8C0, $0x38;
	[tilespmem:$0x2700] =	vst v63  }
0x6d: {  	_ =	swait.ge [sflag:s15], $0x8C0  }
0x6e: {  	[sflag:s15] =	ssyncset.done $0x0  }
0x6f: {  	s8 =	simm.s32 $0x0;
	[sflag:s15] =	ssyncadd.s32 $0xFFFFF740  }
0x70: {  	[hbm4b:s11+s8] =	stream.linear.scatter [tilespmem:s14], [sflag:$0x2], $0x8C0, $0x38;
	[tilespmem:$0x2700] =	vst v63  }
0x71: {  	_ =	swait.ge [sflag:s15], $0x8C0  }
0x72: {  	[sflag:s15] =	ssyncset.done $0x0  }
0x73: {  	[sflag:s15] =	ssyncadd.s32 $0xFFFFF740  }
0x74: {  	[tilespmem:s14], [sflag:$0x2] =	stream.linear.gather [spmem:s12], $0x8C0, $0x38;
	[tilespmem:$0x2700] =	vst v63  }
0x75: {  	s30 =	sadd.s32 $0x1, s30;
	_ =	swait.ge [sflag:s15], $0x8C0  }
0x76: {  	p0 =	sne.s32 s30, s9;
	[sflag:s15] =	ssyncset.done $0x0  }
.Ltmp3:
0x77: {  	[sflag:s15] =	ssyncadd.s32 $0xFFFFF740;
	(pc) =	sbr.rel @p0 .LBB2_1-.Ltmp3, $4  }
0x78: {  	[hbm4b:s13+s8] =	stream.linear.scatter [tilespmem:s14], [sflag:$0x2], $0x8C0, $0x38;
	[tilespmem:$0x2700] =	vst v63  }
0x79: {  	_ =	swait.ge [sflag:s15], $0x8C0  }
0x7a: {  	[sflag:s15] =	ssyncset.done $0x0  }
0x7b: {  	[sflag:s15] =	ssyncadd.s32 $0xFFFFF740  }
0x7c: {  	_ =	sfence.sel $0x180000  }
0x7d: {  	[bflag:$0x0] =	sbarrier.arrive $0xFFFF  }
0x7e: {  	_ =	strace $0x90000047  }
0x7f: {  	s0 =	stileid.u32;
	[bflag:$0x2] =	sbarrier.arrive $0xFFFF  }
0x80: {  	p0 =	sne.s32 s0, $0x0;
	s0 =	rddreg [dreg:$0x3]  }
0x81: {  	s0 =	sadd.s32 @!p0 $0x100000, s0  }
0x82: {  	[sflag:s0] =	ssyncadd.tile.s32 @!p0 $0x1;
	_ =	shalt  }
.Lfunc_end2:
_tile_overlayer_lowered:
.L_overlay_start_2:
0x83: {  	(tag) =	ssettag $0x2  }
0x84: {  	s0 =	rddreg [dreg:$0x0];
	s2 =	stileid.u32  }
0x85: {  	s1 =	rddreg [dreg:$0x1];
	p0 =	sne.s32 s2, $0x0  }
0x86: {  	s3 =	rddreg [dreg:$0x2];
	[bflag:$0x3] =	sbarrier.arrive $0xFFFF;
	s2 =	simm.s32 @!p0 $0x1C02  }
0x87: {  	[timem:s3], [sflag:s2] =	dma.local @!p0 [hbm:s0], s1  }
0x88: {  	s0 =	simm.s32 @!p0 $0x2  }
0x89: {  	_ =	swait.ge @!p0 [sflag:s0], s1  }
0x8a: {  	s1 =	ssub.s32 @!p0 $0x0, s1;
	[sflag:s0] =	ssyncset.done @!p0 $0x0  }
0x8b: {  	[sflag:s0] =	ssyncadd.s32 @!p0 s1  }
0x8c: {  	[bflag:$0x3] =	sbarrier.arrive $0xFFFF  }
0x8d: {  	_ =	shalt  }

</sc_bundles>
